<compile_context>
chip_gen: v7x
topology: tpu7x:2x2x1
jax: 0.10.2.dev20260603
libtpu: 0.0.44.dev20260713+nightly
codegen_flags: <defaults>
</compile_context>

<pallas_src>
import functools

import jax
import jax.numpy as jnp
from jax import lax
from jax.experimental import pallas as pl
from jax.experimental.pallas import tpu as pltpu
from jax.experimental.pallas import tpu_sc as plsc

N = 10000
E = 320000
D = 128

NC = 2
NS = 16
NW = NC * NS
EPW = E // NW
CHUNK = 125
NCH = EPW // CHUNK
GRP = 20
CH3 = 50
NCH3 = EPW // CH3
NB = 20
NBLK = NCH3 // NB
DEPTH = 5
NP1 = 10240
DPT = NP1 // NS
LAST = N - (NS - 1) * DPT
RB = 2000


@functools.cache
def _sc_kernels():
    mesh = plsc.VectorSubcoreMesh(core_axis_name="c", subcore_axis_name="s")

    @functools.partial(
        pl.kernel,
        mesh=mesh,
        out_type=jax.ShapeDtypeStruct((NC, NP1), jnp.float32),
        scratch_types=[
            pltpu.VMEM((NCH, CHUNK), jnp.int32),
            pltpu.VMEM((128,), jnp.float32),
            pltpu.VMEM_SHARED((NP1,), jnp.float32),
            pltpu.SemaphoreType.DMA,
        ],
    )
    def deg_kernel(dst_hbm, z1_hbm, pdeg_hbm, dstv, onesv, deg, semd):
        c = lax.axis_index("c")
        s = lax.axis_index("s")
        wid = s * NC + c
        pltpu.sync_copy(z1_hbm.at[pl.ds(s * DPT, DPT)],
                        deg.at[pl.ds(s * DPT, DPT)])
        pltpu.sync_copy(dst_hbm.at[wid], dstv)
        one16 = jnp.ones((16,), jnp.float32)
        for i in range(128 // 16):
            onesv[pl.ds(i * 16, 16)] = one16
        plsc.subcore_barrier()

        def group(gi, carry):
            for i in range(GRP):
                pltpu.async_copy(onesv.at[pl.ds(0, CHUNK)],
                                 deg.at[dstv.at[gi * GRP + i]], semd,
                                 add=True)
            for i in range(GRP):
                pltpu.make_async_copy(onesv.at[pl.ds(0, CHUNK)],
                                      deg.at[dstv.at[gi * GRP + i]],
                                      semd).wait()
            return carry

        lax.fori_loop(0, NCH // GRP, group, 0)
        plsc.subcore_barrier()
        pltpu.sync_copy(deg.at[pl.ds(s * DPT, DPT)],
                        pdeg_hbm.at[c, pl.ds(s * DPT, DPT)])

    @functools.partial(
        pl.kernel,
        mesh=mesh,
        out_type=jax.ShapeDtypeStruct((NC, N, D), jnp.float32),
        scratch_types=[
            pltpu.VMEM((2, NB, CH3), jnp.int32),
            pltpu.VMEM((2, NB, CH3), jnp.int32),
            pltpu.VMEM((CH3, D), jnp.float32),
            pltpu.VMEM((CH3, D), jnp.float32),
            pltpu.VMEM((CH3, D), jnp.float32),
            pltpu.VMEM((CH3, D), jnp.float32),
            pltpu.VMEM((CH3, D), jnp.float32),
            pltpu.VMEM_SHARED((NP1, D), jnp.float32),
            pltpu.SemaphoreType.DMA,
            pltpu.SemaphoreType.DMA,
            pltpu.SemaphoreType.DMA,
            pltpu.SemaphoreType.DMA,
            pltpu.SemaphoreType.DMA,
            pltpu.SemaphoreType.DMA,
        ],
    )
    def scatter_kernel(g_hbm, src_hbm, dst_hbm, z2_hbm, pacc_hbm,
                       srcv, dstv, rows0, rows1, rows2, rows3, rows4, acc,
                       sem0, sem1, sem2, sem3, sem4, semi):
        c = lax.axis_index("c")
        s = lax.axis_index("s")
        wid = s * NC + c
        base = s * DPT

        @pl.when(jnp.logical_and(c == 0, s < NS - 1))
        def _():
            pltpu.sync_copy(g_hbm.at[pl.ds(base, DPT)],
                            acc.at[pl.ds(base, DPT)])

        @pl.when(jnp.logical_and(c == 0, s == NS - 1))
        def _():
            pltpu.sync_copy(g_hbm.at[pl.ds(base, LAST)],
                            acc.at[pl.ds(base, LAST)])

        @pl.when(c == 1)
        def _():
            pltpu.sync_copy(z2_hbm, acc.at[pl.ds(base, DPT)])

        pltpu.sync_copy(src_hbm.at[wid, 0], srcv.at[0])
        pltpu.sync_copy(dst_hbm.at[wid, 0], dstv.at[0])
        rbufs = ((rows0, sem0), (rows1, sem1), (rows2, sem2),
                 (rows3, sem3), (rows4, sem4))
        for k in range(DEPTH - 1):
            pltpu.async_copy(g_hbm.at[srcv.at[0, k]], *rbufs[k])
        plsc.subcore_barrier()

        def block_body(b, carry):
            pb = b % 2

            @pl.when(b + 1 < NBLK)
            def _():
                pltpu.async_copy(src_hbm.at[wid, b + 1], srcv.at[1 - pb],
                                 semi)
                pltpu.async_copy(dst_hbm.at[wid, b + 1], dstv.at[1 - pb],
                                 semi)

            for i in range(NB):
                cur, csem = rbufs[i % DEPTH]
                nxt, nsem = rbufs[(i + DEPTH - 1) % DEPTH]
                if i + DEPTH - 1 < NB:
                    pltpu.async_copy(g_hbm.at[srcv.at[pb, i + DEPTH - 1]],
                                     nxt, nsem)
                else:
                    if i + DEPTH - 1 == NB:
                        @pl.when(b + 1 < NBLK)
                        def _():
                            pltpu.make_async_copy(src_hbm.at[wid, b + 1],
                                                  srcv.at[1 - pb],
                                                  semi).wait()
                            pltpu.make_async_copy(dst_hbm.at[wid, b + 1],
                                                  dstv.at[1 - pb],
                                                  semi).wait()

                    @pl.when(b + 1 < NBLK)
                    def _():
                        pltpu.async_copy(
                            g_hbm.at[srcv.at[1 - pb, i + DEPTH - 1 - NB]],
                            nxt, nsem)
                pltpu.make_async_copy(g_hbm.at[srcv.at[pb, i]], cur,
                                      csem).wait()
                pltpu.sync_copy(cur, acc.at[dstv.at[pb, i]], add=True)
            return carry

        lax.fori_loop(0, NBLK, block_body, 0)
        plsc.subcore_barrier()

        @pl.when(s < NS - 1)
        def _():
            pltpu.sync_copy(acc.at[pl.ds(base, DPT)],
                            pacc_hbm.at[c, pl.ds(base, DPT)])

        @pl.when(s == NS - 1)
        def _():
            pltpu.sync_copy(acc.at[pl.ds(base, LAST)],
                            pacc_hbm.at[c, pl.ds(base, LAST)])

    return deg_kernel, scatter_kernel


def _scale_body(x_ref, w_ref, pdegt_ref, g_ref):
    deg = jnp.sum(pdegt_ref[...], axis=1, keepdims=True) + 1.0
    dinv = lax.rsqrt(deg)
    h = jnp.dot(x_ref[...], w_ref[...], preferred_element_type=jnp.float32)
    g_ref[...] = h * dinv


_scale_call = pl.pallas_call(
    _scale_body,
    grid=(N // RB,),
    in_specs=[
        pl.BlockSpec((RB, D), lambda i: (i, 0)),
        pl.BlockSpec((D, D), lambda i: (0, 0)),
        pl.BlockSpec((RB, NC), lambda i: (i, 0)),
    ],
    out_specs=pl.BlockSpec((RB, D), lambda i: (i, 0)),
    out_shape=jax.ShapeDtypeStruct((N, D), jnp.float32),
)


def _final_body(x_ref, pacc_ref, pdegt_ref, b_ref, o_ref):
    deg = jnp.sum(pdegt_ref[...], axis=1, keepdims=True) + 1.0
    dinv = lax.rsqrt(deg)
    tot = pacc_ref[0] + pacc_ref[1]
    o_ref[...] = x_ref[...] + jnp.maximum(tot * dinv + b_ref[...], 0.0)


_final_call = pl.pallas_call(
    _final_body,
    grid=(N // RB,),
    in_specs=[
        pl.BlockSpec((RB, D), lambda i: (i, 0)),
        pl.BlockSpec((NC, RB, D), lambda i: (0, i, 0)),
        pl.BlockSpec((RB, NC), lambda i: (i, 0)),
        pl.BlockSpec((1, D), lambda i: (0, 0)),
    ],
    out_specs=pl.BlockSpec((RB, D), lambda i: (i, 0)),
    out_shape=jax.ShapeDtypeStruct((N, D), jnp.float32),
)


def kernel(x, edge_index, W, b):
    ei = edge_index.astype(jnp.int32)
    srcb = ei[0].reshape(NW, NBLK, NB, CH3)
    dstb = ei[1].reshape(NW, NBLK, NB, CH3)
    dstk1 = ei[1].reshape(NW, NCH, CHUNK)
    z1 = jnp.zeros((NP1,), jnp.float32)
    z2 = jnp.zeros((DPT, D), jnp.float32)
    deg_kernel, scatter_kernel = _sc_kernels()
    pdeg = deg_kernel(dstk1, z1)
    pdegt = pdeg.T[:N]
    g = _scale_call(x, W, pdegt)
    pacc = scatter_kernel(g, srcb, dstb, z2)
    return _final_call(x, pacc, pdegt, b.reshape(1, D))

# --- scband reference (transcript-rebuilt; emitter-appended) ---
"""Pipeline reference for scband-gcn-31138512896565 (READ-ONLY COPY).

The authoritative reference and input builder live on the scoring server;
editing this copy changes nothing except your own understanding.
"""

import jax, jax.numpy as jnp
import numpy as np

N_NODES = 10000
N_EDGES = 320000
D_FEAT = 128


def setup_inputs(seed: int = 0) -> dict:
    key = jax.random.key(seed)
    k1, k2, k3 = jax.random.split(key, 3)
    x = jax.random.normal(k1, (N_NODES, D_FEAT), dtype=jnp.float32)
    edge_index = jax.random.randint(k2, (2, N_EDGES), 0, N_NODES, dtype=jnp.int64)
    # GCNConv linear weight (glorot) and bias (zeros init in PyG)
    limit = float(np.sqrt(6.0 / (D_FEAT + D_FEAT)))
    W = jax.random.uniform(k3, (D_FEAT, D_FEAT), minval=-limit, maxval=limit, dtype=jnp.float32)
    b = jnp.zeros((D_FEAT,), dtype=jnp.float32)
    return {"x": x, "edge_index": edge_index, "W": W, "b": b}


def _gcn_conv(x, edge_index, W, b):
    N = x.shape[0]
    src = edge_index[0]
    dst = edge_index[1]
    # add self loops
    loop = jnp.arange(N, dtype=src.dtype)
    src = jnp.concatenate([src, loop])
    dst = jnp.concatenate([dst, loop])
    ew = jnp.ones(src.shape[0], dtype=x.dtype)
    # symmetric normalization: deg computed at dst
    deg = jnp.zeros((N,), dtype=x.dtype).at[dst].add(ew)
    deg_inv_sqrt = jnp.where(deg > 0, deg ** -0.5, 0.0)
    norm = deg_inv_sqrt[src] * deg_inv_sqrt[dst]
    h = x @ W
    msg = h[src] * norm[:, None]
    out = jnp.zeros((N, h.shape[1]), dtype=x.dtype).at[dst].add(msg)
    return out + b


def reference(x, edge_index, W, b):
    return x + jax.nn.relu(_gcn_conv(x, edge_index, W, b))

if __name__ == "__main__":
    import jax
    _d = setup_inputs()
    print(jax.jit(kernel)(*tuple(_d.values())))

</pallas_src>

<mosaic_0001>
#map = affine_map<(d0, d1) -> (0, 0)>
#map1 = affine_map<(d0, d1) -> (0, 0, 0, 0)>
#map2 = affine_map<(d0, d1) -> (0, 0, 0)>
module attributes {stable_mosaic.version = 14 : i64} {
  func.func @scatter_kernel(%arg0: i32, %arg1: i32, %arg2: memref<10000x128xf32, #tpu.memory_space<hbm>>, %arg3: memref<32x10x20x50xi32, #tpu.memory_space<hbm>>, %arg4: memref<32x10x20x50xi32, #tpu.memory_space<hbm>>, %arg5: memref<640x128xf32, #tpu.memory_space<hbm>>, %arg6: memref<2x10000x128xf32, #tpu.memory_space<hbm>>, %arg7: memref<2x20x50xi32, #tpu.memory_space<vmem>>, %arg8: memref<2x20x50xi32, #tpu.memory_space<vmem>>, %arg9: memref<50x128xf32, #tpu.memory_space<vmem>>, %arg10: memref<50x128xf32, #tpu.memory_space<vmem>>, %arg11: memref<50x128xf32, #tpu.memory_space<vmem>>, %arg12: memref<50x128xf32, #tpu.memory_space<vmem>>, %arg13: memref<50x128xf32, #tpu.memory_space<vmem>>, %arg14: memref<10240x128xf32, #tpu.memory_space<vmem_shared>>, %arg15: memref<!tpu.dma_semaphore, #tpu.memory_space<semaphore_mem>>, %arg16: memref<!tpu.dma_semaphore, #tpu.memory_space<semaphore_mem>>, %arg17: memref<!tpu.dma_semaphore, #tpu.memory_space<semaphore_mem>>, %arg18: memref<!tpu.dma_semaphore, #tpu.memory_space<semaphore_mem>>, %arg19: memref<!tpu.dma_semaphore, #tpu.memory_space<semaphore_mem>>, %arg20: memref<!tpu.dma_semaphore, #tpu.memory_space<semaphore_mem>>) attributes {dimension_semantics = [#tpu.dimension_semantics<core_parallel>, #tpu.dimension_semantics<subcore_parallel>], iteration_bounds = array<i64: 2, 16>, scalar_prefetch = 0 : i64, scratch_operands = 14 : i64, tpu.core_type = #tpu.core_type<sc_vector_subcore>, window_params = [{transform_indices = #map}, {transform_indices = #map1}, {transform_indices = #map1}, {transform_indices = #map}, {transform_indices = #map2}]} {
    %mul3A = arith.constant 2 : i32
    %mul3A_0 = arith.muli %arg1, %mul3A : i32
    %add3A = arith.addi %mul3A_0, %arg0 : i32
    %mul3A_1 = arith.constant 640 : i32
    %mul3A_2 = arith.muli %arg1, %mul3A_1 : i32
    %eq3A = arith.constant 0 : i32
    %eq3A_3 = arith.cmpi eq, %arg0, %eq3A : i32
    %lt3A = arith.constant 15 : i32
    %lt3A_4 = arith.cmpi slt, %arg1, %lt3A : i32
    %and3A = arith.andi %eq3A_3, %lt3A_4 : i1
    %convert_element_type3A = arith.extui %and3A : i1 to i32
    %cond3A = arith.constant 0 : i32
    %cond3A_5 = arith.cmpi ne, %convert_element_type3A, %cond3A : i32
    scf.if %cond3A_5 {
      "tpu.region"() ({
        %run_scoped3A_69 = tpu.sem_alloc : memref<!tpu.dma_semaphore, #tpu.memory_space<semaphore_mem>>
        %dma_start3A_70 = arith.constant 0 : i32
        %dma_start3A_71 = tpu.memref_slice %arg14[%mul3A_2, %dma_start3A_70] : memref<10240x128xf32, #tpu.memory_space<vmem_shared>> -> memref<640x128xf32, #tpu.memory_space<vmem_shared>>
        %dma_start3A_72 = arith.constant 0 : i32
        %dma_start3A_73 = tpu.memref_slice %arg2[%mul3A_2, %dma_start3A_72] : memref<10000x128xf32, #tpu.memory_space<hbm>> -> memref<640x128xf32, #tpu.memory_space<hbm>>
        tpu.enqueue_dma source(%dma_start3A_73 : memref<640x128xf32, #tpu.memory_space<hbm>>) target(%dma_start3A_71 : memref<640x128xf32, #tpu.memory_space<vmem_shared>>) target_semaphore(%run_scoped3A_69 : memref<!tpu.dma_semaphore, #tpu.memory_space<semaphore_mem>>)
        %dma_wait3A = arith.constant 0 : i32
        %dma_wait3A_74 = tpu.memref_slice %arg14[%mul3A_2, %dma_wait3A] : memref<10240x128xf32, #tpu.memory_space<vmem_shared>> -> memref<640x128xf32, #tpu.memory_space<vmem_shared>>
        %dma_wait3A_75 = arith.constant 0 : i32
        %dma_wait3A_76 = tpu.memref_slice %arg2[%mul3A_2, %dma_wait3A_75] : memref<10000x128xf32, #tpu.memory_space<hbm>> -> memref<640x128xf32, #tpu.memory_space<hbm>>
        tpu.wait_dma2 semaphore(%run_scoped3A_69 : memref<!tpu.dma_semaphore, #tpu.memory_space<semaphore_mem>>) src(%dma_wait3A_76 : memref<640x128xf32, #tpu.memory_space<hbm>>) dst(%dma_wait3A_74 : memref<640x128xf32, #tpu.memory_space<vmem_shared>>)
        tpu.yield
      }) : () -> ()
    } else {
    }
    %eq3A_6 = arith.constant 0 : i32
    %eq3A_7 = arith.cmpi eq, %arg0, %eq3A_6 : i32
    %eq3A_8 = arith.constant 15 : i32
    %eq3A_9 = arith.cmpi eq, %arg1, %eq3A_8 : i32
    %and3A_10 = arith.andi %eq3A_7, %eq3A_9 : i1
    %convert_element_type3A_11 = arith.extui %and3A_10 : i1 to i32
    %cond3A_12 = arith.constant 0 : i32
    %cond3A_13 = arith.cmpi ne, %convert_element_type3A_11, %cond3A_12 : i32
    scf.if %cond3A_13 {
      "tpu.region"() ({
        %run_scoped3A_69 = tpu.sem_alloc : memref<!tpu.dma_semaphore, #tpu.memory_space<semaphore_mem>>
        %dma_start3A_70 = arith.constant 0 : i32
        %dma_start3A_71 = tpu.memref_slice %arg14[%mul3A_2, %dma_start3A_70] : memref<10240x128xf32, #tpu.memory_space<vmem_shared>> -> memref<400x128xf32, #tpu.memory_space<vmem_shared>>
        %dma_start3A_72 = arith.constant 0 : i32
        %dma_start3A_73 = tpu.memref_slice %arg2[%mul3A_2, %dma_start3A_72] : memref<10000x128xf32, #tpu.memory_space<hbm>> -> memref<400x128xf32, #tpu.memory_space<hbm>>
        tpu.enqueue_dma source(%dma_start3A_73 : memref<400x128xf32, #tpu.memory_space<hbm>>) target(%dma_start3A_71 : memref<400x128xf32, #tpu.memory_space<vmem_shared>>) target_semaphore(%run_scoped3A_69 : memref<!tpu.dma_semaphore, #tpu.memory_space<semaphore_mem>>)
        %dma_wait3A = arith.constant 0 : i32
        %dma_wait3A_74 = tpu.memref_slice %arg14[%mul3A_2, %dma_wait3A] : memref<10240x128xf32, #tpu.memory_space<vmem_shared>> -> memref<400x128xf32, #tpu.memory_space<vmem_shared>>
        %dma_wait3A_75 = arith.constant 0 : i32
        %dma_wait3A_76 = tpu.memref_slice %arg2[%mul3A_2, %dma_wait3A_75] : memref<10000x128xf32, #tpu.memory_space<hbm>> -> memref<400x128xf32, #tpu.memory_space<hbm>>
        tpu.wait_dma2 semaphore(%run_scoped3A_69 : memref<!tpu.dma_semaphore, #tpu.memory_space<semaphore_mem>>) src(%dma_wait3A_76 : memref<400x128xf32, #tpu.memory_space<hbm>>) dst(%dma_wait3A_74 : memref<400x128xf32, #tpu.memory_space<vmem_shared>>)
        tpu.yield
      }) : () -> ()
    } else {
    }
    %eq3A_14 = arith.constant 1 : i32
    %eq3A_15 = arith.cmpi eq, %arg0, %eq3A_14 : i32
    %convert_element_type3A_16 = arith.extui %eq3A_15 : i1 to i32
    %cond3A_17 = arith.constant 0 : i32
    %cond3A_18 = arith.cmpi ne, %convert_element_type3A_16, %cond3A_17 : i32
    scf.if %cond3A_18 {
      "tpu.region"() ({
        %run_scoped3A_69 = tpu.sem_alloc : memref<!tpu.dma_semaphore, #tpu.memory_space<semaphore_mem>>
        %dma_start3A_70 = arith.constant 0 : i32
        %dma_start3A_71 = tpu.memref_slice %arg14[%mul3A_2, %dma_start3A_70] : memref<10240x128xf32, #tpu.memory_space<vmem_shared>> -> memref<640x128xf32, #tpu.memory_space<vmem_shared>>
        tpu.enqueue_dma source(%arg5 : memref<640x128xf32, #tpu.memory_space<hbm>>) target(%dma_start3A_71 : memref<640x128xf32, #tpu.memory_space<vmem_shared>>) target_semaphore(%run_scoped3A_69 : memref<!tpu.dma_semaphore, #tpu.memory_space<semaphore_mem>>)
        %dma_wait3A = arith.constant 0 : i32
        %dma_wait3A_72 = tpu.memref_slice %arg14[%mul3A_2, %dma_wait3A] : memref<10240x128xf32, #tpu.memory_space<vmem_shared>> -> memref<640x128xf32, #tpu.memory_space<vmem_shared>>
        tpu.wait_dma2 semaphore(%run_scoped3A_69 : memref<!tpu.dma_semaphore, #tpu.memory_space<semaphore_mem>>) src(%arg5 : memref<640x128xf32, #tpu.memory_space<hbm>>) dst(%dma_wait3A_72 : memref<640x128xf32, #tpu.memory_space<vmem_shared>>)
        tpu.yield
      }) : () -> ()
    } else {
    }
    %run_scoped3A = arith.constant 0 : i32
    %run_scoped3A_19 = arith.constant 0 : i32
    "tpu.region"() ({
      %run_scoped3A_69 = tpu.sem_alloc : memref<!tpu.dma_semaphore, #tpu.memory_space<semaphore_mem>>
      %dma_start3A_70 = arith.constant 0 : i32
      %dma_start3A_71 = arith.constant 0 : i32
      %dma_start3A_72 = tpu.memref_slice %arg7[%run_scoped3A_19, %dma_start3A_70, %dma_start3A_71] : memref<2x20x50xi32, #tpu.memory_space<vmem>> -> memref<1x20x50xi32, #tpu.memory_space<vmem>>
      %dma_start3A_73 = tpu.memref_squeeze %dma_start3A_72 : memref<1x20x50xi32, #tpu.memory_space<vmem>> -> memref<20x50xi32, #tpu.memory_space<vmem>>
      %dma_start3A_74 = arith.constant 0 : i32
      %dma_start3A_75 = arith.constant 0 : i32
      %dma_start3A_76 = tpu.memref_slice %arg3[%add3A, %run_scoped3A, %dma_start3A_74, %dma_start3A_75] : memref<32x10x20x50xi32, #tpu.memory_space<hbm>> -> memref<1x1x20x50xi32, #tpu.memory_space<hbm>>
      %dma_start3A_77 = tpu.memref_squeeze %dma_start3A_76 : memref<1x1x20x50xi32, #tpu.memory_space<hbm>> -> memref<20x50xi32, #tpu.memory_space<hbm>>
      %dma_start3A_78 = arith.constant 0 : i32
      %dma_start3A_79 = arith.constant 0 : i32
      %dma_start3A_80 = tpu.memref_slice %arg7[%run_scoped3A_19, %dma_start3A_78, %dma_start3A_79] : memref<2x20x50xi32, #tpu.memory_space<vmem>> -> memref<1x20x50xi32, #tpu.memory_space<vmem>>
      %dma_start3A_81 = tpu.memref_squeeze %dma_start3A_80 : memref<1x20x50xi32, #tpu.memory_space<vmem>> -> memref<20x50xi32, #tpu.memory_space<vmem>>
      %dma_start3A_82 = arith.constant 0 : i32
      %dma_start3A_83 = arith.constant 0 : i32
      %dma_start3A_84 = tpu.memref_slice %arg3[%add3A, %run_scoped3A, %dma_start3A_82, %dma_start3A_83] : memref<32x10x20x50xi32, #tpu.memory_space<hbm>> -> memref<1x1x20x50xi32, #tpu.memory_space<hbm>>
      %dma_start3A_85 = tpu.memref_squeeze %dma_start3A_84 : memref<1x1x20x50xi32, #tpu.memory_space<hbm>> -> memref<20x50xi32, #tpu.memory_space<hbm>>
      tpu.enqueue_dma source(%dma_start3A_85 : memref<20x50xi32, #tpu.memory_space<hbm>>) target(%dma_start3A_81 : memref<20x50xi32, #tpu.memory_space<vmem>>) target_semaphore(%run_scoped3A_69 : memref<!tpu.dma_semaphore, #tpu.memory_space<semaphore_mem>>)
      %dma_wait3A = arith.constant 0 : i32
      %dma_wait3A_86 = arith.constant 0 : i32
      %dma_wait3A_87 = tpu.memref_slice %arg7[%run_scoped3A_19, %dma_wait3A, %dma_wait3A_86] : memref<2x20x50xi32, #tpu.memory_space<vmem>> -> memref<1x20x50xi32, #tpu.memory_space<vmem>>
      %dma_wait3A_88 = tpu.memref_squeeze %dma_wait3A_87 : memref<1x20x50xi32, #tpu.memory_space<vmem>> -> memref<20x50xi32, #tpu.memory_space<vmem>>
      %dma_wait3A_89 = arith.constant 0 : i32
      %dma_wait3A_90 = arith.constant 0 : i32
      %dma_wait3A_91 = tpu.memref_slice %arg3[%add3A, %run_scoped3A, %dma_wait3A_89, %dma_wait3A_90] : memref<32x10x20x50xi32, #tpu.memory_space<hbm>> -> memref<1x1x20x50xi32, #tpu.memory_space<hbm>>
      %dma_wait3A_92 = tpu.memref_squeeze %dma_wait3A_91 : memref<1x1x20x50xi32, #tpu.memory_space<hbm>> -> memref<20x50xi32, #tpu.memory_space<hbm>>
      %dma_wait3A_93 = arith.constant 0 : i32
      %dma_wait3A_94 = arith.constant 0 : i32
      %dma_wait3A_95 = tpu.memref_slice %arg7[%run_scoped3A_19, %dma_wait3A_93, %dma_wait3A_94] : memref<2x20x50xi32, #tpu.memory_space<vmem>> -> memref<1x20x50xi32, #tpu.memory_space<vmem>>
      %dma_wait3A_96 = tpu.memref_squeeze %dma_wait3A_95 : memref<1x20x50xi32, #tpu.memory_space<vmem>> -> memref<20x50xi32, #tpu.memory_space<vmem>>
      %dma_wait3A_97 = arith.constant 0 : i32
      %dma_wait3A_98 = arith.constant 0 : i32
      %dma_wait3A_99 = tpu.memref_slice %arg3[%add3A, %run_scoped3A, %dma_wait3A_97, %dma_wait3A_98] : memref<32x10x20x50xi32, #tpu.memory_space<hbm>> -> memref<1x1x20x50xi32, #tpu.memory_space<hbm>>
      %dma_wait3A_100 = tpu.memref_squeeze %dma_wait3A_99 : memref<1x1x20x50xi32, #tpu.memory_space<hbm>> -> memref<20x50xi32, #tpu.memory_space<hbm>>
      tpu.wait_dma2 semaphore(%run_scoped3A_69 : memref<!tpu.dma_semaphore, #tpu.memory_space<semaphore_mem>>) src(%dma_wait3A_100 : memref<20x50xi32, #tpu.memory_space<hbm>>) dst(%dma_wait3A_96 : memref<20x50xi32, #tpu.memory_space<vmem>>)
      tpu.yield
    }) : () -> ()
    %run_scoped3A_20 = arith.constant 0 : i32
    %run_scoped3A_21 = arith.constant 0 : i32
    "tpu.region"() ({
      %run_scoped3A_69 = tpu.sem_alloc : memref<!tpu.dma_semaphore, #tpu.memory_space<semaphore_mem>>
      %dma_start3A_70 = arith.constant 0 : i32
      %dma_start3A_71 = arith.constant 0 : i32
      %dma_start3A_72 = tpu.memref_slice %arg8[%run_scoped3A_21, %dma_start3A_70, %dma_start3A_71] : memref<2x20x50xi32, #tpu.memory_space<vmem>> -> memref<1x20x50xi32, #tpu.memory_space<vmem>>
      %dma_start3A_73 = tpu.memref_squeeze %dma_start3A_72 : memref<1x20x50xi32, #tpu.memory_space<vmem>> -> memref<20x50xi32, #tpu.memory_space<vmem>>
      %dma_start3A_74 = arith.constant 0 : i32
      %dma_start3A_75 = arith.constant 0 : i32
      %dma_start3A_76 = tpu.memref_slice %arg4[%add3A, %run_scoped3A_20, %dma_start3A_74, %dma_start3A_75] : memref<32x10x20x50xi32, #tpu.memory_space<hbm>> -> memref<1x1x20x50xi32, #tpu.memory_space<hbm>>
      %dma_start3A_77 = tpu.memref_squeeze %dma_start3A_76 : memref<1x1x20x50xi32, #tpu.memory_space<hbm>> -> memref<20x50xi32, #tpu.memory_space<hbm>>
      %dma_start3A_78 = arith.constant 0 : i32
      %dma_start3A_79 = arith.constant 0 : i32
      %dma_start3A_80 = tpu.memref_slice %arg8[%run_scoped3A_21, %dma_start3A_78, %dma_start3A_79] : memref<2x20x50xi32, #tpu.memory_space<vmem>> -> memref<1x20x50xi32, #tpu.memory_space<vmem>>
      %dma_start3A_81 = tpu.memref_squeeze %dma_start3A_80 : memref<1x20x50xi32, #tpu.memory_space<vmem>> -> memref<20x50xi32, #tpu.memory_space<vmem>>
      %dma_start3A_82 = arith.constant 0 : i32
      %dma_start3A_83 = arith.constant 0 : i32
      %dma_start3A_84 = tpu.memref_slice %arg4[%add3A, %run_scoped3A_20, %dma_start3A_82, %dma_start3A_83] : memref<32x10x20x50xi32, #tpu.memory_space<hbm>> -> memref<1x1x20x50xi32, #tpu.memory_space<hbm>>
      %dma_start3A_85 = tpu.memref_squeeze %dma_start3A_84 : memref<1x1x20x50xi32, #tpu.memory_space<hbm>> -> memref<20x50xi32, #tpu.memory_space<hbm>>
      tpu.enqueue_dma source(%dma_start3A_85 : memref<20x50xi32, #tpu.memory_space<hbm>>) target(%dma_start3A_81 : memref<20x50xi32, #tpu.memory_space<vmem>>) target_semaphore(%run_scoped3A_69 : memref<!tpu.dma_semaphore, #tpu.memory_space<semaphore_mem>>)
      %dma_wait3A = arith.constant 0 : i32
      %dma_wait3A_86 = arith.constant 0 : i32
      %dma_wait3A_87 = tpu.memref_slice %arg8[%run_scoped3A_21, %dma_wait3A, %dma_wait3A_86] : memref<2x20x50xi32, #tpu.memory_space<vmem>> -> memref<1x20x50xi32, #tpu.memory_space<vmem>>
      %dma_wait3A_88 = tpu.memref_squeeze %dma_wait3A_87 : memref<1x20x50xi32, #tpu.memory_space<vmem>> -> memref<20x50xi32, #tpu.memory_space<vmem>>
      %dma_wait3A_89 = arith.constant 0 : i32
      %dma_wait3A_90 = arith.constant 0 : i32
      %dma_wait3A_91 = tpu.memref_slice %arg4[%add3A, %run_scoped3A_20, %dma_wait3A_89, %dma_wait3A_90] : memref<32x10x20x50xi32, #tpu.memory_space<hbm>> -> memref<1x1x20x50xi32, #tpu.memory_space<hbm>>
      %dma_wait3A_92 = tpu.memref_squeeze %dma_wait3A_91 : memref<1x1x20x50xi32, #tpu.memory_space<hbm>> -> memref<20x50xi32, #tpu.memory_space<hbm>>
      %dma_wait3A_93 = arith.constant 0 : i32
      %dma_wait3A_94 = arith.constant 0 : i32
      %dma_wait3A_95 = tpu.memref_slice %arg8[%run_scoped3A_21, %dma_wait3A_93, %dma_wait3A_94] : memref<2x20x50xi32, #tpu.memory_space<vmem>> -> memref<1x20x50xi32, #tpu.memory_space<vmem>>
      %dma_wait3A_96 = tpu.memref_squeeze %dma_wait3A_95 : memref<1x20x50xi32, #tpu.memory_space<vmem>> -> memref<20x50xi32, #tpu.memory_space<vmem>>
      %dma_wait3A_97 = arith.constant 0 : i32
      %dma_wait3A_98 = arith.constant 0 : i32
      %dma_wait3A_99 = tpu.memref_slice %arg4[%add3A, %run_scoped3A_20, %dma_wait3A_97, %dma_wait3A_98] : memref<32x10x20x50xi32, #tpu.memory_space<hbm>> -> memref<1x1x20x50xi32, #tpu.memory_space<hbm>>
      %dma_wait3A_100 = tpu.memref_squeeze %dma_wait3A_99 : memref<1x1x20x50xi32, #tpu.memory_space<hbm>> -> memref<20x50xi32, #tpu.memory_space<hbm>>
      tpu.wait_dma2 semaphore(%run_scoped3A_69 : memref<!tpu.dma_semaphore, #tpu.memory_space<semaphore_mem>>) src(%dma_wait3A_100 : memref<20x50xi32, #tpu.memory_space<hbm>>) dst(%dma_wait3A_96 : memref<20x50xi32, #tpu.memory_space<vmem>>)
      tpu.yield
    }) : () -> ()
    %dma_start3A = arith.constant 0 : i32
    %dma_start3A_22 = arith.constant 0 : i32
    %dma_start3A_23 = arith.constant 0 : i32
    %dma_start3A_24 = tpu.memref_slice %arg7[%dma_start3A, %dma_start3A_22, %dma_start3A_23] : memref<2x20x50xi32, #tpu.memory_space<vmem>> -> memref<1x1x50xi32, #tpu.memory_space<vmem>>
    %dma_start3A_25 = tpu.memref_squeeze %dma_start3A_24 : memref<1x1x50xi32, #tpu.memory_space<vmem>> -> memref<50xi32, #tpu.memory_space<vmem>>
    %dma_start3A_26 = arith.constant 0 : i32
    %dma_start3A_27 = arith.constant 0 : i32
    %dma_start3A_28 = tpu.memref_slice %arg2[%dma_start3A_26, %dma_start3A_27] : memref<10000x128xf32, #tpu.memory_space<hbm>> -> memref<10000x128xf32, #tpu.memory_space<hbm>>
    tpu.enqueue_indirect_dma source(%dma_start3A_28 : memref<10000x128xf32, #tpu.memory_space<hbm>>) target(%arg9 : memref<50x128xf32, #tpu.memory_space<vmem>>) offsets(%dma_start3A_25 : memref<50xi32, #tpu.memory_space<vmem>>) semaphore(%arg15 : memref<!tpu.dma_semaphore, #tpu.memory_space<semaphore_mem>>)
    %dma_start3A_29 = arith.constant 0 : i32
    %dma_start3A_30 = arith.constant 1 : i32
    %dma_start3A_31 = arith.constant 0 : i32
    %dma_start3A_32 = tpu.memref_slice %arg7[%dma_start3A_29, %dma_start3A_30, %dma_start3A_31] : memref<2x20x50xi32, #tpu.memory_space<vmem>> -> memref<1x1x50xi32, #tpu.memory_space<vmem>>
    %dma_start3A_33 = tpu.memref_squeeze %dma_start3A_32 : memref<1x1x50xi32, #tpu.memory_space<vmem>> -> memref<50xi32, #tpu.memory_space<vmem>>
    %dma_start3A_34 = arith.constant 0 : i32
    %dma_start3A_35 = arith.constant 0 : i32
    %dma_start3A_36 = tpu.memref_slice %arg2[%dma_start3A_34, %dma_start3A_35] : memref<10000x128xf32, #tpu.memory_space<hbm>> -> memref<10000x128xf32, #tpu.memory_space<hbm>>
    tpu.enqueue_indirect_dma source(%dma_start3A_36 : memref<10000x128xf32, #tpu.memory_space<hbm>>) target(%arg10 : memref<50x128xf32, #tpu.memory_space<vmem>>) offsets(%dma_start3A_33 : memref<50xi32, #tpu.memory_space<vmem>>) semaphore(%arg16 : memref<!tpu.dma_semaphore, #tpu.memory_space<semaphore_mem>>)
    %dma_start3A_37 = arith.constant 0 : i32
    %dma_start3A_38 = arith.constant 2 : i32
    %dma_start3A_39 = arith.constant 0 : i32
    %dma_start3A_40 = tpu.memref_slice %arg7[%dma_start3A_37, %dma_start3A_38, %dma_start3A_39] : memref<2x20x50xi32, #tpu.memory_space<vmem>> -> memref<1x1x50xi32, #tpu.memory_space<vmem>>
    %dma_start3A_41 = tpu.memref_squeeze %dma_start3A_40 : memref<1x1x50xi32, #tpu.memory_space<vmem>> -> memref<50xi32, #tpu.memory_space<vmem>>
    %dma_start3A_42 = arith.constant 0 : i32
    %dma_start3A_43 = arith.constant 0 : i32
    %dma_start3A_44 = tpu.memref_slice %arg2[%dma_start3A_42, %dma_start3A_43] : memref<10000x128xf32, #tpu.memory_space<hbm>> -> memref<10000x128xf32, #tpu.memory_space<hbm>>
    tpu.enqueue_indirect_dma source(%dma_start3A_44 : memref<10000x128xf32, #tpu.memory_space<hbm>>) target(%arg11 : memref<50x128xf32, #tpu.memory_space<vmem>>) offsets(%dma_start3A_41 : memref<50xi32, #tpu.memory_space<vmem>>) semaphore(%arg17 : memref<!tpu.dma_semaphore, #tpu.memory_space<semaphore_mem>>)
    %dma_start3A_45 = arith.constant 0 : i32
    %dma_start3A_46 = arith.constant 3 : i32
    %dma_start3A_47 = arith.constant 0 : i32
    %dma_start3A_48 = tpu.memref_slice %arg7[%dma_start3A_45, %dma_start3A_46, %dma_start3A_47] : memref<2x20x50xi32, #tpu.memory_space<vmem>> -> memref<1x1x50xi32, #tpu.memory_space<vmem>>
    %dma_start3A_49 = tpu.memref_squeeze %dma_start3A_48 : memref<1x1x50xi32, #tpu.memory_space<vmem>> -> memref<50xi32, #tpu.memory_space<vmem>>
    %dma_start3A_50 = arith.constant 0 : i32
    %dma_start3A_51 = arith.constant 0 : i32
    %dma_start3A_52 = tpu.memref_slice %arg2[%dma_start3A_50, %dma_start3A_51] : memref<10000x128xf32, #tpu.memory_space<hbm>> -> memref<10000x128xf32, #tpu.memory_space<hbm>>
    tpu.enqueue_indirect_dma source(%dma_start3A_52 : memref<10000x128xf32, #tpu.memory_space<hbm>>) target(%arg12 : memref<50x128xf32, #tpu.memory_space<vmem>>) offsets(%dma_start3A_49 : memref<50xi32, #tpu.memory_space<vmem>>) semaphore(%arg18 : memref<!tpu.dma_semaphore, #tpu.memory_space<semaphore_mem>>)
    %barrier3A = arith.constant 0 : index
    tpu.barrier barrier_id(%barrier3A)
    %scan3A = arith.constant 0 : i32
    %scan3A_53 = arith.constant 0 : i32
    %scan3A_54 = arith.constant 10 : i32
    %scan3A_55 = arith.addi %scan3A_53, %scan3A_54 : i32
    %scan3A_56 = arith.constant 1 : i32
    scf.for %scan3A_69 = %scan3A_53 to %scan3A_55 step %scan3A_56  : i32 {
      %jit3A = arith.constant 2 : i32
      %eq3A_70 = arith.constant 0 : i32
      %eq3A_71 = arith.cmpi eq, %jit3A, %eq3A_70 : i32
      %jit3A_72 = arith.constant 1 : i32
      %select_n3A = arith.select %eq3A_71, %jit3A_72, %jit3A : i32
      %rem3A = arith.remsi %scan3A_69, %select_n3A : i32
      %ne3A = arith.constant 0 : i32
      %ne3A_73 = arith.cmpi ne, %rem3A, %ne3A : i32
      %lt3A_74 = arith.constant 0 : i32
      %lt3A_75 = arith.cmpi slt, %rem3A, %lt3A_74 : i32
      %lt3A_76 = arith.constant 0 : i32
      %lt3A_77 = arith.cmpi slt, %select_n3A, %lt3A_76 : i32
      %ne3A_78 = arith.xori %lt3A_75, %lt3A_77 : i1
      %and3A_79 = arith.andi %ne3A_78, %ne3A_73 : i1
      %add3A_80 = arith.addi %rem3A, %select_n3A : i32
      %select_n3A_81 = arith.select %and3A_79, %add3A_80, %rem3A : i32
      %add3A_82 = arith.constant 1 : i32
      %add3A_83 = arith.addi %scan3A_69, %add3A_82 : i32
      %lt3A_84 = arith.constant 10 : i32
      %lt3A_85 = arith.cmpi slt, %add3A_83, %lt3A_84 : i32
      %convert_element_type3A_86 = arith.extui %lt3A_85 : i1 to i32
      %cond3A_87 = arith.constant 0 : i32
      %cond3A_88 = arith.cmpi ne, %convert_element_type3A_86, %cond3A_87 : i32
      scf.if %cond3A_88 {
        %add3A_395 = arith.constant 1 : i32
        %add3A_396 = arith.addi %scan3A_69, %add3A_395 : i32
        %sub3A = arith.constant 1 : i32
        %sub3A_397 = arith.subi %sub3A, %select_n3A_81 : i32
        %dma_start3A_398 = arith.constant 0 : i32
        %dma_start3A_399 = arith.constant 0 : i32
        %dma_start3A_400 = tpu.memref_slice %arg7[%sub3A_397, %dma_start3A_398, %dma_start3A_399] : memref<2x20x50xi32, #tpu.memory_space<vmem>> -> memref<1x20x50xi32, #tpu.memory_space<vmem>>
        %dma_start3A_401 = tpu.memref_squeeze %dma_start3A_400 : memref<1x20x50xi32, #tpu.memory_space<vmem>> -> memref<20x50xi32, #tpu.memory_space<vmem>>
        %dma_start3A_402 = arith.constant 0 : i32
        %dma_start3A_403 = arith.constant 0 : i32
        %dma_start3A_404 = tpu.memref_slice %arg3[%add3A, %add3A_396, %dma_start3A_402, %dma_start3A_403] : memref<32x10x20x50xi32, #tpu.memory_space<hbm>> -> memref<1x1x20x50xi32, #tpu.memory_space<hbm>>
        %dma_start3A_405 = tpu.memref_squeeze %dma_start3A_404 : memref<1x1x20x50xi32, #tpu.memory_space<hbm>> -> memref<20x50xi32, #tpu.memory_space<hbm>>
        %dma_start3A_406 = arith.constant 0 : i32
        %dma_start3A_407 = arith.constant 0 : i32
        %dma_start3A_408 = tpu.memref_slice %arg7[%sub3A_397, %dma_start3A_406, %dma_start3A_407] : memref<2x20x50xi32, #tpu.memory_space<vmem>> -> memref<1x20x50xi32, #tpu.memory_space<vmem>>
        %dma_start3A_409 = tpu.memref_squeeze %dma_start3A_408 : memref<1x20x50xi32, #tpu.memory_space<vmem>> -> memref<20x50xi32, #tpu.memory_space<vmem>>
        %dma_start3A_410 = arith.constant 0 : i32
        %dma_start3A_411 = arith.constant 0 : i32
        %dma_start3A_412 = tpu.memref_slice %arg3[%add3A, %add3A_396, %dma_start3A_410, %dma_start3A_411] : memref<32x10x20x50xi32, #tpu.memory_space<hbm>> -> memref<1x1x20x50xi32, #tpu.memory_space<hbm>>
        %dma_start3A_413 = tpu.memref_squeeze %dma_start3A_412 : memref<1x1x20x50xi32, #tpu.memory_space<hbm>> -> memref<20x50xi32, #tpu.memory_space<hbm>>
        tpu.enqueue_dma source(%dma_start3A_413 : memref<20x50xi32, #tpu.memory_space<hbm>>) target(%dma_start3A_409 : memref<20x50xi32, #tpu.memory_space<vmem>>) target_semaphore(%arg20 : memref<!tpu.dma_semaphore, #tpu.memory_space<semaphore_mem>>)
        %add3A_414 = arith.constant 1 : i32
        %add3A_415 = arith.addi %scan3A_69, %add3A_414 : i32
        %sub3A_416 = arith.constant 1 : i32
        %sub3A_417 = arith.subi %sub3A_416, %select_n3A_81 : i32
        %dma_start3A_418 = arith.constant 0 : i32
        %dma_start3A_419 = arith.constant 0 : i32
        %dma_start3A_420 = tpu.memref_slice %arg8[%sub3A_417, %dma_start3A_418, %dma_start3A_419] : memref<2x20x50xi32, #tpu.memory_space<vmem>> -> memref<1x20x50xi32, #tpu.memory_space<vmem>>
        %dma_start3A_421 = tpu.memref_squeeze %dma_start3A_420 : memref<1x20x50xi32, #tpu.memory_space<vmem>> -> memref<20x50xi32, #tpu.memory_space<vmem>>
        %dma_start3A_422 = arith.constant 0 : i32
        %dma_start3A_423 = arith.constant 0 : i32
        %dma_start3A_424 = tpu.memref_slice %arg4[%add3A, %add3A_415, %dma_start3A_422, %dma_start3A_423] : memref<32x10x20x50xi32, #tpu.memory_space<hbm>> -> memref<1x1x20x50xi32, #tpu.memory_space<hbm>>
        %dma_start3A_425 = tpu.memref_squeeze %dma_start3A_424 : memref<1x1x20x50xi32, #tpu.memory_space<hbm>> -> memref<20x50xi32, #tpu.memory_space<hbm>>
        %dma_start3A_426 = arith.constant 0 : i32
        %dma_start3A_427 = arith.constant 0 : i32
        %dma_start3A_428 = tpu.memref_slice %arg8[%sub3A_417, %dma_start3A_426, %dma_start3A_427] : memref<2x20x50xi32, #tpu.memory_space<vmem>> -> memref<1x20x50xi32, #tpu.memory_space<vmem>>
        %dma_start3A_429 = tpu.memref_squeeze %dma_start3A_428 : memref<1x20x50xi32, #tpu.memory_space<vmem>> -> memref<20x50xi32, #tpu.memory_space<vmem>>
        %dma_start3A_430 = arith.constant 0 : i32
        %dma_start3A_431 = arith.constant 0 : i32
        %dma_start3A_432 = tpu.memref_slice %arg4[%add3A, %add3A_415, %dma_start3A_430, %dma_start3A_431] : memref<32x10x20x50xi32, #tpu.memory_space<hbm>> -> memref<1x1x20x50xi32, #tpu.memory_space<hbm>>
        %dma_start3A_433 = tpu.memref_squeeze %dma_start3A_432 : memref<1x1x20x50xi32, #tpu.memory_space<hbm>> -> memref<20x50xi32, #tpu.memory_space<hbm>>
        tpu.enqueue_dma source(%dma_start3A_433 : memref<20x50xi32, #tpu.memory_space<hbm>>) target(%dma_start3A_429 : memref<20x50xi32, #tpu.memory_space<vmem>>) target_semaphore(%arg20 : memref<!tpu.dma_semaphore, #tpu.memory_space<semaphore_mem>>)
      } else {
      }
      %dma_start3A_89 = arith.constant 4 : i32
      %dma_start3A_90 = arith.constant 0 : i32
      %dma_start3A_91 = tpu.memref_slice %arg7[%select_n3A_81, %dma_start3A_89, %dma_start3A_90] : memref<2x20x50xi32, #tpu.memory_space<vmem>> -> memref<1x1x50xi32, #tpu.memory_space<vmem>>
      %dma_start3A_92 = tpu.memref_squeeze %dma_start3A_91 : memref<1x1x50xi32, #tpu.memory_space<vmem>> -> memref<50xi32, #tpu.memory_space<vmem>>
      %dma_start3A_93 = arith.constant 0 : i32
      %dma_start3A_94 = arith.constant 0 : i32
      %dma_start3A_95 = tpu.memref_slice %arg2[%dma_start3A_93, %dma_start3A_94] : memref<10000x128xf32, #tpu.memory_space<hbm>> -> memref<10000x128xf32, #tpu.memory_space<hbm>>
      tpu.enqueue_indirect_dma source(%dma_start3A_95 : memref<10000x128xf32, #tpu.memory_space<hbm>>) target(%arg13 : memref<50x128xf32, #tpu.memory_space<vmem>>) offsets(%dma_start3A_92 : memref<50xi32, #tpu.memory_space<vmem>>) semaphore(%arg19 : memref<!tpu.dma_semaphore, #tpu.memory_space<semaphore_mem>>)
      %dma_wait3A = arith.constant 0 : i32
      %dma_wait3A_96 = arith.constant 0 : i32
      %dma_wait3A_97 = tpu.memref_slice %arg7[%select_n3A_81, %dma_wait3A, %dma_wait3A_96] : memref<2x20x50xi32, #tpu.memory_space<vmem>> -> memref<1x1x50xi32, #tpu.memory_space<vmem>>
      %dma_wait3A_98 = tpu.memref_squeeze %dma_wait3A_97 : memref<1x1x50xi32, #tpu.memory_space<vmem>> -> memref<50xi32, #tpu.memory_space<vmem>>
      %dma_wait3A_99 = arith.constant 0 : i32
      %dma_wait3A_100 = arith.constant 0 : i32
      %dma_wait3A_101 = tpu.memref_slice %arg2[%dma_wait3A_99, %dma_wait3A_100] : memref<10000x128xf32, #tpu.memory_space<hbm>> -> memref<10000x128xf32, #tpu.memory_space<hbm>>
      tpu.wait_indirect_dma semaphore(%arg15 : memref<!tpu.dma_semaphore, #tpu.memory_space<semaphore_mem>>) src(%dma_wait3A_101 : memref<10000x128xf32, #tpu.memory_space<hbm>>) dst(%arg9 : memref<50x128xf32, #tpu.memory_space<vmem>>)
      %run_scoped3A_102 = arith.constant 0 : i32
      "tpu.region"() ({
        %run_scoped3A_395 = tpu.sem_alloc : memref<!tpu.dma_semaphore, #tpu.memory_space<semaphore_mem>>
        %dma_start3A_396 = arith.constant 0 : i32
        %dma_start3A_397 = tpu.memref_slice %arg8[%select_n3A_81, %run_scoped3A_102, %dma_start3A_396] : memref<2x20x50xi32, #tpu.memory_space<vmem>> -> memref<1x1x50xi32, #tpu.memory_space<vmem>>
        %dma_start3A_398 = tpu.memref_squeeze %dma_start3A_397 : memref<1x1x50xi32, #tpu.memory_space<vmem>> -> memref<50xi32, #tpu.memory_space<vmem>>
        %dma_start3A_399 = arith.constant 0 : i32
        %dma_start3A_400 = arith.constant 0 : i32
        %dma_start3A_401 = tpu.memref_slice %arg14[%dma_start3A_399, %dma_start3A_400] : memref<10240x128xf32, #tpu.memory_space<vmem_shared>> -> memref<10240x128xf32, #tpu.memory_space<vmem_shared>>
        tpu.enqueue_indirect_dma source(%arg9 : memref<50x128xf32, #tpu.memory_space<vmem>>) target(%dma_start3A_401 : memref<10240x128xf32, #tpu.memory_space<vmem_shared>>) offsets(%dma_start3A_398 : memref<50xi32, #tpu.memory_space<vmem>>) semaphore(%run_scoped3A_395 : memref<!tpu.dma_semaphore, #tpu.memory_space<semaphore_mem>>) {add = true}
        %dma_wait3A_402 = arith.constant 0 : i32
        %dma_wait3A_403 = tpu.memref_slice %arg8[%select_n3A_81, %run_scoped3A_102, %dma_wait3A_402] : memref<2x20x50xi32, #tpu.memory_space<vmem>> -> memref<1x1x50xi32, #tpu.memory_space<vmem>>
        %dma_wait3A_404 = tpu.memref_squeeze %dma_wait3A_403 : memref<1x1x50xi32, #tpu.memory_space<vmem>> -> memref<50xi32, #tpu.memory_space<vmem>>
        %dma_wait3A_405 = arith.constant 0 : i32
        %dma_wait3A_406 = arith.constant 0 : i32
        %dma_wait3A_407 = tpu.memref_slice %arg14[%dma_wait3A_405, %dma_wait3A_406] : memref<10240x128xf32, #tpu.memory_space<vmem_shared>> -> memref<10240x128xf32, #tpu.memory_space<vmem_shared>>
        tpu.wait_indirect_dma semaphore(%run_scoped3A_395 : memref<!tpu.dma_semaphore, #tpu.memory_space<semaphore_mem>>) src(%arg9 : memref<50x128xf32, #tpu.memory_space<vmem>>) dst(%dma_wait3A_407 : memref<10240x128xf32, #tpu.memory_space<vmem_shared>>)
        tpu.yield
      }) : () -> ()
      %dma_start3A_103 = arith.constant 5 : i32
      %dma_start3A_104 = arith.constant 0 : i32
      %dma_start3A_105 = tpu.memref_slice %arg7[%select_n3A_81, %dma_start3A_103, %dma_start3A_104] : memref<2x20x50xi32, #tpu.memory_space<vmem>> -> memref<1x1x50xi32, #tpu.memory_space<vmem>>
      %dma_start3A_106 = tpu.memref_squeeze %dma_start3A_105 : memref<1x1x50xi32, #tpu.memory_space<vmem>> -> memref<50xi32, #tpu.memory_space<vmem>>
      %dma_start3A_107 = arith.constant 0 : i32
      %dma_start3A_108 = arith.constant 0 : i32
      %dma_start3A_109 = tpu.memref_slice %arg2[%dma_start3A_107, %dma_start3A_108] : memref<10000x128xf32, #tpu.memory_space<hbm>> -> memref<10000x128xf32, #tpu.memory_space<hbm>>
      tpu.enqueue_indirect_dma source(%dma_start3A_109 : memref<10000x128xf32, #tpu.memory_space<hbm>>) target(%arg9 : memref<50x128xf32, #tpu.memory_space<vmem>>) offsets(%dma_start3A_106 : memref<50xi32, #tpu.memory_space<vmem>>) semaphore(%arg15 : memref<!tpu.dma_semaphore, #tpu.memory_space<semaphore_mem>>)
      %dma_wait3A_110 = arith.constant 1 : i32
      %dma_wait3A_111 = arith.constant 0 : i32
      %dma_wait3A_112 = tpu.memref_slice %arg7[%select_n3A_81, %dma_wait3A_110, %dma_wait3A_111] : memref<2x20x50xi32, #tpu.memory_space<vmem>> -> memref<1x1x50xi32, #tpu.memory_space<vmem>>
      %dma_wait3A_113 = tpu.memref_squeeze %dma_wait3A_112 : memref<1x1x50xi32, #tpu.memory_space<vmem>> -> memref<50xi32, #tpu.memory_space<vmem>>
      %dma_wait3A_114 = arith.constant 0 : i32
      %dma_wait3A_115 = arith.constant 0 : i32
      %dma_wait3A_116 = tpu.memref_slice %arg2[%dma_wait3A_114, %dma_wait3A_115] : memref<10000x128xf32, #tpu.memory_space<hbm>> -> memref<10000x128xf32, #tpu.memory_space<hbm>>
      tpu.wait_indirect_dma semaphore(%arg16 : memref<!tpu.dma_semaphore, #tpu.memory_space<semaphore_mem>>) src(%dma_wait3A_116 : memref<10000x128xf32, #tpu.memory_space<hbm>>) dst(%arg10 : memref<50x128xf32, #tpu.memory_space<vmem>>)
      %run_scoped3A_117 = arith.constant 1 : i32
      "tpu.region"() ({
        %run_scoped3A_395 = tpu.sem_alloc : memref<!tpu.dma_semaphore, #tpu.memory_space<semaphore_mem>>
        %dma_start3A_396 = arith.constant 0 : i32
        %dma_start3A_397 = tpu.memref_slice %arg8[%select_n3A_81, %run_scoped3A_117, %dma_start3A_396] : memref<2x20x50xi32, #tpu.memory_space<vmem>> -> memref<1x1x50xi32, #tpu.memory_space<vmem>>
        %dma_start3A_398 = tpu.memref_squeeze %dma_start3A_397 : memref<1x1x50xi32, #tpu.memory_space<vmem>> -> memref<50xi32, #tpu.memory_space<vmem>>
        %dma_start3A_399 = arith.constant 0 : i32
        %dma_start3A_400 = arith.constant 0 : i32
        %dma_start3A_401 = tpu.memref_slice %arg14[%dma_start3A_399, %dma_start3A_400] : memref<10240x128xf32, #tpu.memory_space<vmem_shared>> -> memref<10240x128xf32, #tpu.memory_space<vmem_shared>>
        tpu.enqueue_indirect_dma source(%arg10 : memref<50x128xf32, #tpu.memory_space<vmem>>) target(%dma_start3A_401 : memref<10240x128xf32, #tpu.memory_space<vmem_shared>>) offsets(%dma_start3A_398 : memref<50xi32, #tpu.memory_space<vmem>>) semaphore(%run_scoped3A_395 : memref<!tpu.dma_semaphore, #tpu.memory_space<semaphore_mem>>) {add = true}
        %dma_wait3A_402 = arith.constant 0 : i32
        %dma_wait3A_403 = tpu.memref_slice %arg8[%select_n3A_81, %run_scoped3A_117, %dma_wait3A_402] : memref<2x20x50xi32, #tpu.memory_space<vmem>> -> memref<1x1x50xi32, #tpu.memory_space<vmem>>
        %dma_wait3A_404 = tpu.memref_squeeze %dma_wait3A_403 : memref<1x1x50xi32, #tpu.memory_space<vmem>> -> memref<50xi32, #tpu.memory_space<vmem>>
        %dma_wait3A_405 = arith.constant 0 : i32
        %dma_wait3A_406 = arith.constant 0 : i32
        %dma_wait3A_407 = tpu.memref_slice %arg14[%dma_wait3A_405, %dma_wait3A_406] : memref<10240x128xf32, #tpu.memory_space<vmem_shared>> -> memref<10240x128xf32, #tpu.memory_space<vmem_shared>>
        tpu.wait_indirect_dma semaphore(%run_scoped3A_395 : memref<!tpu.dma_semaphore, #tpu.memory_space<semaphore_mem>>) src(%arg10 : memref<50x128xf32, #tpu.memory_space<vmem>>) dst(%dma_wait3A_407 : memref<10240x128xf32, #tpu.memory_space<vmem_shared>>)
        tpu.yield
      }) : () -> ()
      %dma_start3A_118 = arith.constant 6 : i32
      %dma_start3A_119 = arith.constant 0 : i32
      %dma_start3A_120 = tpu.memref_slice %arg7[%select_n3A_81, %dma_start3A_118, %dma_start3A_119] : memref<2x20x50xi32, #tpu.memory_space<vmem>> -> memref<1x1x50xi32, #tpu.memory_space<vmem>>
      %dma_start3A_121 = tpu.memref_squeeze %dma_start3A_120 : memref<1x1x50xi32, #tpu.memory_space<vmem>> -> memref<50xi32, #tpu.memory_space<vmem>>
      %dma_start3A_122 = arith.constant 0 : i32
      %dma_start3A_123 = arith.constant 0 : i32
      %dma_start3A_124 = tpu.memref_slice %arg2[%dma_start3A_122, %dma_start3A_123] : memref<10000x128xf32, #tpu.memory_space<hbm>> -> memref<10000x128xf32, #tpu.memory_space<hbm>>
      tpu.enqueue_indirect_dma source(%dma_start3A_124 : memref<10000x128xf32, #tpu.memory_space<hbm>>) target(%arg10 : memref<50x128xf32, #tpu.memory_space<vmem>>) offsets(%dma_start3A_121 : memref<50xi32, #tpu.memory_space<vmem>>) semaphore(%arg16 : memref<!tpu.dma_semaphore, #tpu.memory_space<semaphore_mem>>)
      %dma_wait3A_125 = arith.constant 2 : i32
      %dma_wait3A_126 = arith.constant 0 : i32
      %dma_wait3A_127 = tpu.memref_slice %arg7[%select_n3A_81, %dma_wait3A_125, %dma_wait3A_126] : memref<2x20x50xi32, #tpu.memory_space<vmem>> -> memref<1x1x50xi32, #tpu.memory_space<vmem>>
      %dma_wait3A_128 = tpu.memref_squeeze %dma_wait3A_127 : memref<1x1x50xi32, #tpu.memory_space<vmem>> -> memref<50xi32, #tpu.memory_space<vmem>>
      %dma_wait3A_129 = arith.constant 0 : i32
      %dma_wait3A_130 = arith.constant 0 : i32
      %dma_wait3A_131 = tpu.memref_slice %arg2[%dma_wait3A_129, %dma_wait3A_130] : memref<10000x128xf32, #tpu.memory_space<hbm>> -> memref<10000x128xf32, #tpu.memory_space<hbm>>
      tpu.wait_indirect_dma semaphore(%arg17 : memref<!tpu.dma_semaphore, #tpu.memory_space<semaphore_mem>>) src(%dma_wait3A_131 : memref<10000x128xf32, #tpu.memory_space<hbm>>) dst(%arg11 : memref<50x128xf32, #tpu.memory_space<vmem>>)
      %run_scoped3A_132 = arith.constant 2 : i32
      "tpu.region"() ({
        %run_scoped3A_395 = tpu.sem_alloc : memref<!tpu.dma_semaphore, #tpu.memory_space<semaphore_mem>>
        %dma_start3A_396 = arith.constant 0 : i32
        %dma_start3A_397 = tpu.memref_slice %arg8[%select_n3A_81, %run_scoped3A_132, %dma_start3A_396] : memref<2x20x50xi32, #tpu.memory_space<vmem>> -> memref<1x1x50xi32, #tpu.memory_space<vmem>>
        %dma_start3A_398 = tpu.memref_squeeze %dma_start3A_397 : memref<1x1x50xi32, #tpu.memory_space<vmem>> -> memref<50xi32, #tpu.memory_space<vmem>>
        %dma_start3A_399 = arith.constant 0 : i32
        %dma_start3A_400 = arith.constant 0 : i32
        %dma_start3A_401 = tpu.memref_slice %arg14[%dma_start3A_399, %dma_start3A_400] : memref<10240x128xf32, #tpu.memory_space<vmem_shared>> -> memref<10240x128xf32, #tpu.memory_space<vmem_shared>>
        tpu.enqueue_indirect_dma source(%arg11 : memref<50x128xf32, #tpu.memory_space<vmem>>) target(%dma_start3A_401 : memref<10240x128xf32, #tpu.memory_space<vmem_shared>>) offsets(%dma_start3A_398 : memref<50xi32, #tpu.memory_space<vmem>>) semaphore(%run_scoped3A_395 : memref<!tpu.dma_semaphore, #tpu.memory_space<semaphore_mem>>) {add = true}
        %dma_wait3A_402 = arith.constant 0 : i32
        %dma_wait3A_403 = tpu.memref_slice %arg8[%select_n3A_81, %run_scoped3A_132, %dma_wait3A_402] : memref<2x20x50xi32, #tpu.memory_space<vmem>> -> memref<1x1x50xi32, #tpu.memory_space<vmem>>
        %dma_wait3A_404 = tpu.memref_squeeze %dma_wait3A_403 : memref<1x1x50xi32, #tpu.memory_space<vmem>> -> memref<50xi32, #tpu.memory_space<vmem>>
        %dma_wait3A_405 = arith.constant 0 : i32
        %dma_wait3A_406 = arith.constant 0 : i32
        %dma_wait3A_407 = tpu.memref_slice %arg14[%dma_wait3A_405, %dma_wait3A_406] : memref<10240x128xf32, #tpu.memory_space<vmem_shared>> -> memref<10240x128xf32, #tpu.memory_space<vmem_shared>>
        tpu.wait_indirect_dma semaphore(%run_scoped3A_395 : memref<!tpu.dma_semaphore, #tpu.memory_space<semaphore_mem>>) src(%arg11 : memref<50x128xf32, #tpu.memory_space<vmem>>) dst(%dma_wait3A_407 : memref<10240x128xf32, #tpu.memory_space<vmem_shared>>)
        tpu.yield
      }) : () -> ()
      %dma_start3A_133 = arith.constant 7 : i32
      %dma_start3A_134 = arith.constant 0 : i32
      %dma_start3A_135 = tpu.memref_slice %arg7[%select_n3A_81, %dma_start3A_133, %dma_start3A_134] : memref<2x20x50xi32, #tpu.memory_space<vmem>> -> memref<1x1x50xi32, #tpu.memory_space<vmem>>
      %dma_start3A_136 = tpu.memref_squeeze %dma_start3A_135 : memref<1x1x50xi32, #tpu.memory_space<vmem>> -> memref<50xi32, #tpu.memory_space<vmem>>
      %dma_start3A_137 = arith.constant 0 : i32
      %dma_start3A_138 = arith.constant 0 : i32
      %dma_start3A_139 = tpu.memref_slice %arg2[%dma_start3A_137, %dma_start3A_138] : memref<10000x128xf32, #tpu.memory_space<hbm>> -> memref<10000x128xf32, #tpu.memory_space<hbm>>
      tpu.enqueue_indirect_dma source(%dma_start3A_139 : memref<10000x128xf32, #tpu.memory_space<hbm>>) target(%arg11 : memref<50x128xf32, #tpu.memory_space<vmem>>) offsets(%dma_start3A_136 : memref<50xi32, #tpu.memory_space<vmem>>) semaphore(%arg17 : memref<!tpu.dma_semaphore, #tpu.memory_space<semaphore_mem>>)
      %dma_wait3A_140 = arith.constant 3 : i32
      %dma_wait3A_141 = arith.constant 0 : i32
      %dma_wait3A_142 = tpu.memref_slice %arg7[%select_n3A_81, %dma_wait3A_140, %dma_wait3A_141] : memref<2x20x50xi32, #tpu.memory_space<vmem>> -> memref<1x1x50xi32, #tpu.memory_space<vmem>>
      %dma_wait3A_143 = tpu.memref_squeeze %dma_wait3A_142 : memref<1x1x50xi32, #tpu.memory_space<vmem>> -> memref<50xi32, #tpu.memory_space<vmem>>
      %dma_wait3A_144 = arith.constant 0 : i32
      %dma_wait3A_145 = arith.constant 0 : i32
      %dma_wait3A_146 = tpu.memref_slice %arg2[%dma_wait3A_144, %dma_wait3A_145] : memref<10000x128xf32, #tpu.memory_space<hbm>> -> memref<10000x128xf32, #tpu.memory_space<hbm>>
      tpu.wait_indirect_dma semaphore(%arg18 : memref<!tpu.dma_semaphore, #tpu.memory_space<semaphore_mem>>) src(%dma_wait3A_146 : memref<10000x128xf32, #tpu.memory_space<hbm>>) dst(%arg12 : memref<50x128xf32, #tpu.memory_space<vmem>>)
      %run_scoped3A_147 = arith.constant 3 : i32
      "tpu.region"() ({
        %run_scoped3A_395 = tpu.sem_alloc : memref<!tpu.dma_semaphore, #tpu.memory_space<semaphore_mem>>
        %dma_start3A_396 = arith.constant 0 : i32
        %dma_start3A_397 = tpu.memref_slice %arg8[%select_n3A_81, %run_scoped3A_147, %dma_start3A_396] : memref<2x20x50xi32, #tpu.memory_space<vmem>> -> memref<1x1x50xi32, #tpu.memory_space<vmem>>
        %dma_start3A_398 = tpu.memref_squeeze %dma_start3A_397 : memref<1x1x50xi32, #tpu.memory_space<vmem>> -> memref<50xi32, #tpu.memory_space<vmem>>
        %dma_start3A_399 = arith.constant 0 : i32
        %dma_start3A_400 = arith.constant 0 : i32
        %dma_start3A_401 = tpu.memref_slice %arg14[%dma_start3A_399, %dma_start3A_400] : memref<10240x128xf32, #tpu.memory_space<vmem_shared>> -> memref<10240x128xf32, #tpu.memory_space<vmem_shared>>
        tpu.enqueue_indirect_dma source(%arg12 : memref<50x128xf32, #tpu.memory_space<vmem>>) target(%dma_start3A_401 : memref<10240x128xf32, #tpu.memory_space<vmem_shared>>) offsets(%dma_start3A_398 : memref<50xi32, #tpu.memory_space<vmem>>) semaphore(%run_scoped3A_395 : memref<!tpu.dma_semaphore, #tpu.memory_space<semaphore_mem>>) {add = true}
        %dma_wait3A_402 = arith.constant 0 : i32
        %dma_wait3A_403 = tpu.memref_slice %arg8[%select_n3A_81, %run_scoped3A_147, %dma_wait3A_402] : memref<2x20x50xi32, #tpu.memory_space<vmem>> -> memref<1x1x50xi32, #tpu.memory_space<vmem>>
        %dma_wait3A_404 = tpu.memref_squeeze %dma_wait3A_403 : memref<1x1x50xi32, #tpu.memory_space<vmem>> -> memref<50xi32, #tpu.memory_space<vmem>>
        %dma_wait3A_405 = arith.constant 0 : i32
        %dma_wait3A_406 = arith.constant 0 : i32
        %dma_wait3A_407 = tpu.memref_slice %arg14[%dma_wait3A_405, %dma_wait3A_406] : memref<10240x128xf32, #tpu.memory_space<vmem_shared>> -> memref<10240x128xf32, #tpu.memory_space<vmem_shared>>
        tpu.wait_indirect_dma semaphore(%run_scoped3A_395 : memref<!tpu.dma_semaphore, #tpu.memory_space<semaphore_mem>>) src(%arg12 : memref<50x128xf32, #tpu.memory_space<vmem>>) dst(%dma_wait3A_407 : memref<10240x128xf32, #tpu.memory_space<vmem_shared>>)
        tpu.yield
      }) : () -> ()
      %dma_start3A_148 = arith.constant 8 : i32
      %dma_start3A_149 = arith.constant 0 : i32
      %dma_start3A_150 = tpu.memref_slice %arg7[%select_n3A_81, %dma_start3A_148, %dma_start3A_149] : memref<2x20x50xi32, #tpu.memory_space<vmem>> -> memref<1x1x50xi32, #tpu.memory_space<vmem>>
      %dma_start3A_151 = tpu.memref_squeeze %dma_start3A_150 : memref<1x1x50xi32, #tpu.memory_space<vmem>> -> memref<50xi32, #tpu.memory_space<vmem>>
      %dma_start3A_152 = arith.constant 0 : i32
      %dma_start3A_153 = arith.constant 0 : i32
      %dma_start3A_154 = tpu.memref_slice %arg2[%dma_start3A_152, %dma_start3A_153] : memref<10000x128xf32, #tpu.memory_space<hbm>> -> memref<10000x128xf32, #tpu.memory_space<hbm>>
      tpu.enqueue_indirect_dma source(%dma_start3A_154 : memref<10000x128xf32, #tpu.memory_space<hbm>>) target(%arg12 : memref<50x128xf32, #tpu.memory_space<vmem>>) offsets(%dma_start3A_151 : memref<50xi32, #tpu.memory_space<vmem>>) semaphore(%arg18 : memref<!tpu.dma_semaphore, #tpu.memory_space<semaphore_mem>>)
      %dma_wait3A_155 = arith.constant 4 : i32
      %dma_wait3A_156 = arith.constant 0 : i32
      %dma_wait3A_157 = tpu.memref_slice %arg7[%select_n3A_81, %dma_wait3A_155, %dma_wait3A_156] : memref<2x20x50xi32, #tpu.memory_space<vmem>> -> memref<1x1x50xi32, #tpu.memory_space<vmem>>
      %dma_wait3A_158 = tpu.memref_squeeze %dma_wait3A_157 : memref<1x1x50xi32, #tpu.memory_space<vmem>> -> memref<50xi32, #tpu.memory_space<vmem>>
      %dma_wait3A_159 = arith.constant 0 : i32
      %dma_wait3A_160 = arith.constant 0 : i32
      %dma_wait3A_161 = tpu.memref_slice %arg2[%dma_wait3A_159, %dma_wait3A_160] : memref<10000x128xf32, #tpu.memory_space<hbm>> -> memref<10000x128xf32, #tpu.memory_space<hbm>>
      tpu.wait_indirect_dma semaphore(%arg19 : memref<!tpu.dma_semaphore, #tpu.memory_space<semaphore_mem>>) src(%dma_wait3A_161 : memref<10000x128xf32, #tpu.memory_space<hbm>>) dst(%arg13 : memref<50x128xf32, #tpu.memory_space<vmem>>)
      %run_scoped3A_162 = arith.constant 4 : i32
      "tpu.region"() ({
        %run_scoped3A_395 = tpu.sem_alloc : memref<!tpu.dma_semaphore, #tpu.memory_space<semaphore_mem>>
        %dma_start3A_396 = arith.constant 0 : i32
        %dma_start3A_397 = tpu.memref_slice %arg8[%select_n3A_81, %run_scoped3A_162, %dma_start3A_396] : memref<2x20x50xi32, #tpu.memory_space<vmem>> -> memref<1x1x50xi32, #tpu.memory_space<vmem>>
        %dma_start3A_398 = tpu.memref_squeeze %dma_start3A_397 : memref<1x1x50xi32, #tpu.memory_space<vmem>> -> memref<50xi32, #tpu.memory_space<vmem>>
        %dma_start3A_399 = arith.constant 0 : i32
        %dma_start3A_400 = arith.constant 0 : i32
        %dma_start3A_401 = tpu.memref_slice %arg14[%dma_start3A_399, %dma_start3A_400] : memref<10240x128xf32, #tpu.memory_space<vmem_shared>> -> memref<10240x128xf32, #tpu.memory_space<vmem_shared>>
        tpu.enqueue_indirect_dma source(%arg13 : memref<50x128xf32, #tpu.memory_space<vmem>>) target(%dma_start3A_401 : memref<10240x128xf32, #tpu.memory_space<vmem_shared>>) offsets(%dma_start3A_398 : memref<50xi32, #tpu.memory_space<vmem>>) semaphore(%run_scoped3A_395 : memref<!tpu.dma_semaphore, #tpu.memory_space<semaphore_mem>>) {add = true}
        %dma_wait3A_402 = arith.constant 0 : i32
        %dma_wait3A_403 = tpu.memref_slice %arg8[%select_n3A_81, %run_scoped3A_162, %dma_wait3A_402] : memref<2x20x50xi32, #tpu.memory_space<vmem>> -> memref<1x1x50xi32, #tpu.memory_space<vmem>>
        %dma_wait3A_404 = tpu.memref_squeeze %dma_wait3A_403 : memref<1x1x50xi32, #tpu.memory_space<vmem>> -> memref<50xi32, #tpu.memory_space<vmem>>
        %dma_wait3A_405 = arith.constant 0 : i32
        %dma_wait3A_406 = arith.constant 0 : i32
        %dma_wait3A_407 = tpu.memref_slice %arg14[%dma_wait3A_405, %dma_wait3A_406] : memref<10240x128xf32, #tpu.memory_space<vmem_shared>> -> memref<10240x128xf32, #tpu.memory_space<vmem_shared>>
        tpu.wait_indirect_dma semaphore(%run_scoped3A_395 : memref<!tpu.dma_semaphore, #tpu.memory_space<semaphore_mem>>) src(%arg13 : memref<50x128xf32, #tpu.memory_space<vmem>>) dst(%dma_wait3A_407 : memref<10240x128xf32, #tpu.memory_space<vmem_shared>>)
        tpu.yield
      }) : () -> ()
      %dma_start3A_163 = arith.constant 9 : i32
      %dma_start3A_164 = arith.constant 0 : i32
      %dma_start3A_165 = tpu.memref_slice %arg7[%select_n3A_81, %dma_start3A_163, %dma_start3A_164] : memref<2x20x50xi32, #tpu.memory_space<vmem>> -> memref<1x1x50xi32, #tpu.memory_space<vmem>>
      %dma_start3A_166 = tpu.memref_squeeze %dma_start3A_165 : memref<1x1x50xi32, #tpu.memory_space<vmem>> -> memref<50xi32, #tpu.memory_space<vmem>>
      %dma_start3A_167 = arith.constant 0 : i32
      %dma_start3A_168 = arith.constant 0 : i32
      %dma_start3A_169 = tpu.memref_slice %arg2[%dma_start3A_167, %dma_start3A_168] : memref<10000x128xf32, #tpu.memory_space<hbm>> -> memref<10000x128xf32, #tpu.memory_space<hbm>>
      tpu.enqueue_indirect_dma source(%dma_start3A_169 : memref<10000x128xf32, #tpu.memory_space<hbm>>) target(%arg13 : memref<50x128xf32, #tpu.memory_space<vmem>>) offsets(%dma_start3A_166 : memref<50xi32, #tpu.memory_space<vmem>>) semaphore(%arg19 : memref<!tpu.dma_semaphore, #tpu.memory_space<semaphore_mem>>)
      %dma_wait3A_170 = arith.constant 5 : i32
      %dma_wait3A_171 = arith.constant 0 : i32
      %dma_wait3A_172 = tpu.memref_slice %arg7[%select_n3A_81, %dma_wait3A_170, %dma_wait3A_171] : memref<2x20x50xi32, #tpu.memory_space<vmem>> -> memref<1x1x50xi32, #tpu.memory_space<vmem>>
      %dma_wait3A_173 = tpu.memref_squeeze %dma_wait3A_172 : memref<1x1x50xi32, #tpu.memory_space<vmem>> -> memref<50xi32, #tpu.memory_space<vmem>>
      %dma_wait3A_174 = arith.constant 0 : i32
      %dma_wait3A_175 = arith.constant 0 : i32
      %dma_wait3A_176 = tpu.memref_slice %arg2[%dma_wait3A_174, %dma_wait3A_175] : memref<10000x128xf32, #tpu.memory_space<hbm>> -> memref<10000x128xf32, #tpu.memory_space<hbm>>
      tpu.wait_indirect_dma semaphore(%arg15 : memref<!tpu.dma_semaphore, #tpu.memory_space<semaphore_mem>>) src(%dma_wait3A_176 : memref<10000x128xf32, #tpu.memory_space<hbm>>) dst(%arg9 : memref<50x128xf32, #tpu.memory_space<vmem>>)
      %run_scoped3A_177 = arith.constant 5 : i32
      "tpu.region"() ({
        %run_scoped3A_395 = tpu.sem_alloc : memref<!tpu.dma_semaphore, #tpu.memory_space<semaphore_mem>>
        %dma_start3A_396 = arith.constant 0 : i32
        %dma_start3A_397 = tpu.memref_slice %arg8[%select_n3A_81, %run_scoped3A_177, %dma_start3A_396] : memref<2x20x50xi32, #tpu.memory_space<vmem>> -> memref<1x1x50xi32, #tpu.memory_space<vmem>>
        %dma_start3A_398 = tpu.memref_squeeze %dma_start3A_397 : memref<1x1x50xi32, #tpu.memory_space<vmem>> -> memref<50xi32, #tpu.memory_space<vmem>>
        %dma_start3A_399 = arith.constant 0 : i32
        %dma_start3A_400 = arith.constant 0 : i32
        %dma_start3A_401 = tpu.memref_slice %arg14[%dma_start3A_399, %dma_start3A_400] : memref<10240x128xf32, #tpu.memory_space<vmem_shared>> -> memref<10240x128xf32, #tpu.memory_space<vmem_shared>>
        tpu.enqueue_indirect_dma source(%arg9 : memref<50x128xf32, #tpu.memory_space<vmem>>) target(%dma_start3A_401 : memref<10240x128xf32, #tpu.memory_space<vmem_shared>>) offsets(%dma_start3A_398 : memref<50xi32, #tpu.memory_space<vmem>>) semaphore(%run_scoped3A_395 : memref<!tpu.dma_semaphore, #tpu.memory_space<semaphore_mem>>) {add = true}
        %dma_wait3A_402 = arith.constant 0 : i32
        %dma_wait3A_403 = tpu.memref_slice %arg8[%select_n3A_81, %run_scoped3A_177, %dma_wait3A_402] : memref<2x20x50xi32, #tpu.memory_space<vmem>> -> memref<1x1x50xi32, #tpu.memory_space<vmem>>
        %dma_wait3A_404 = tpu.memref_squeeze %dma_wait3A_403 : memref<1x1x50xi32, #tpu.memory_space<vmem>> -> memref<50xi32, #tpu.memory_space<vmem>>
        %dma_wait3A_405 = arith.constant 0 : i32
        %dma_wait3A_406 = arith.constant 0 : i32
        %dma_wait3A_407 = tpu.memref_slice %arg14[%dma_wait3A_405, %dma_wait3A_406] : memref<10240x128xf32, #tpu.memory_space<vmem_shared>> -> memref<10240x128xf32, #tpu.memory_space<vmem_shared>>
        tpu.wait_indirect_dma semaphore(%run_scoped3A_395 : memref<!tpu.dma_semaphore, #tpu.memory_space<semaphore_mem>>) src(%arg9 : memref<50x128xf32, #tpu.memory_space<vmem>>) dst(%dma_wait3A_407 : memref<10240x128xf32, #tpu.memory_space<vmem_shared>>)
        tpu.yield
      }) : () -> ()
      %dma_start3A_178 = arith.constant 10 : i32
      %dma_start3A_179 = arith.constant 0 : i32
      %dma_start3A_180 = tpu.memref_slice %arg7[%select_n3A_81, %dma_start3A_178, %dma_start3A_179] : memref<2x20x50xi32, #tpu.memory_space<vmem>> -> memref<1x1x50xi32, #tpu.memory_space<vmem>>
      %dma_start3A_181 = tpu.memref_squeeze %dma_start3A_180 : memref<1x1x50xi32, #tpu.memory_space<vmem>> -> memref<50xi32, #tpu.memory_space<vmem>>
      %dma_start3A_182 = arith.constant 0 : i32
      %dma_start3A_183 = arith.constant 0 : i32
      %dma_start3A_184 = tpu.memref_slice %arg2[%dma_start3A_182, %dma_start3A_183] : memref<10000x128xf32, #tpu.memory_space<hbm>> -> memref<10000x128xf32, #tpu.memory_space<hbm>>
      tpu.enqueue_indirect_dma source(%dma_start3A_184 : memref<10000x128xf32, #tpu.memory_space<hbm>>) target(%arg9 : memref<50x128xf32, #tpu.memory_space<vmem>>) offsets(%dma_start3A_181 : memref<50xi32, #tpu.memory_space<vmem>>) semaphore(%arg15 : memref<!tpu.dma_semaphore, #tpu.memory_space<semaphore_mem>>)
      %dma_wait3A_185 = arith.constant 6 : i32
      %dma_wait3A_186 = arith.constant 0 : i32
      %dma_wait3A_187 = tpu.memref_slice %arg7[%select_n3A_81, %dma_wait3A_185, %dma_wait3A_186] : memref<2x20x50xi32, #tpu.memory_space<vmem>> -> memref<1x1x50xi32, #tpu.memory_space<vmem>>
      %dma_wait3A_188 = tpu.memref_squeeze %dma_wait3A_187 : memref<1x1x50xi32, #tpu.memory_space<vmem>> -> memref<50xi32, #tpu.memory_space<vmem>>
      %dma_wait3A_189 = arith.constant 0 : i32
      %dma_wait3A_190 = arith.constant 0 : i32
      %dma_wait3A_191 = tpu.memref_slice %arg2[%dma_wait3A_189, %dma_wait3A_190] : memref<10000x128xf32, #tpu.memory_space<hbm>> -> memref<10000x128xf32, #tpu.memory_space<hbm>>
      tpu.wait_indirect_dma semaphore(%arg16 : memref<!tpu.dma_semaphore, #tpu.memory_space<semaphore_mem>>) src(%dma_wait3A_191 : memref<10000x128xf32, #tpu.memory_space<hbm>>) dst(%arg10 : memref<50x128xf32, #tpu.memory_space<vmem>>)
      %run_scoped3A_192 = arith.constant 6 : i32
      "tpu.region"() ({
        %run_scoped3A_395 = tpu.sem_alloc : memref<!tpu.dma_semaphore, #tpu.memory_space<semaphore_mem>>
        %dma_start3A_396 = arith.constant 0 : i32
        %dma_start3A_397 = tpu.memref_slice %arg8[%select_n3A_81, %run_scoped3A_192, %dma_start3A_396] : memref<2x20x50xi32, #tpu.memory_space<vmem>> -> memref<1x1x50xi32, #tpu.memory_space<vmem>>
        %dma_start3A_398 = tpu.memref_squeeze %dma_start3A_397 : memref<1x1x50xi32, #tpu.memory_space<vmem>> -> memref<50xi32, #tpu.memory_space<vmem>>
        %dma_start3A_399 = arith.constant 0 : i32
        %dma_start3A_400 = arith.constant 0 : i32
        %dma_start3A_401 = tpu.memref_slice %arg14[%dma_start3A_399, %dma_start3A_400] : memref<10240x128xf32, #tpu.memory_space<vmem_shared>> -> memref<10240x128xf32, #tpu.memory_space<vmem_shared>>
        tpu.enqueue_indirect_dma source(%arg10 : memref<50x128xf32, #tpu.memory_space<vmem>>) target(%dma_start3A_401 : memref<10240x128xf32, #tpu.memory_space<vmem_shared>>) offsets(%dma_start3A_398 : memref<50xi32, #tpu.memory_space<vmem>>) semaphore(%run_scoped3A_395 : memref<!tpu.dma_semaphore, #tpu.memory_space<semaphore_mem>>) {add = true}
        %dma_wait3A_402 = arith.constant 0 : i32
        %dma_wait3A_403 = tpu.memref_slice %arg8[%select_n3A_81, %run_scoped3A_192, %dma_wait3A_402] : memref<2x20x50xi32, #tpu.memory_space<vmem>> -> memref<1x1x50xi32, #tpu.memory_space<vmem>>
        %dma_wait3A_404 = tpu.memref_squeeze %dma_wait3A_403 : memref<1x1x50xi32, #tpu.memory_space<vmem>> -> memref<50xi32, #tpu.memory_space<vmem>>
        %dma_wait3A_405 = arith.constant 0 : i32
        %dma_wait3A_406 = arith.constant 0 : i32
        %dma_wait3A_407 = tpu.memref_slice %arg14[%dma_wait3A_405, %dma_wait3A_406] : memref<10240x128xf32, #tpu.memory_space<vmem_shared>> -> memref<10240x128xf32, #tpu.memory_space<vmem_shared>>
        tpu.wait_indirect_dma semaphore(%run_scoped3A_395 : memref<!tpu.dma_semaphore, #tpu.memory_space<semaphore_mem>>) src(%arg10 : memref<50x128xf32, #tpu.memory_space<vmem>>) dst(%dma_wait3A_407 : memref<10240x128xf32, #tpu.memory_space<vmem_shared>>)
        tpu.yield
      }) : () -> ()
      %dma_start3A_193 = arith.constant 11 : i32
      %dma_start3A_194 = arith.constant 0 : i32
      %dma_start3A_195 = tpu.memref_slice %arg7[%select_n3A_81, %dma_start3A_193, %dma_start3A_194] : memref<2x20x50xi32, #tpu.memory_space<vmem>> -> memref<1x1x50xi32, #tpu.memory_space<vmem>>
      %dma_start3A_196 = tpu.memref_squeeze %dma_start3A_195 : memref<1x1x50xi32, #tpu.memory_space<vmem>> -> memref<50xi32, #tpu.memory_space<vmem>>
      %dma_start3A_197 = arith.constant 0 : i32
      %dma_start3A_198 = arith.constant 0 : i32
      %dma_start3A_199 = tpu.memref_slice %arg2[%dma_start3A_197, %dma_start3A_198] : memref<10000x128xf32, #tpu.memory_space<hbm>> -> memref<10000x128xf32, #tpu.memory_space<hbm>>
      tpu.enqueue_indirect_dma source(%dma_start3A_199 : memref<10000x128xf32, #tpu.memory_space<hbm>>) target(%arg10 : memref<50x128xf32, #tpu.memory_space<vmem>>) offsets(%dma_start3A_196 : memref<50xi32, #tpu.memory_space<vmem>>) semaphore(%arg16 : memref<!tpu.dma_semaphore, #tpu.memory_space<semaphore_mem>>)
      %dma_wait3A_200 = arith.constant 7 : i32
      %dma_wait3A_201 = arith.constant 0 : i32
      %dma_wait3A_202 = tpu.memref_slice %arg7[%select_n3A_81, %dma_wait3A_200, %dma_wait3A_201] : memref<2x20x50xi32, #tpu.memory_space<vmem>> -> memref<1x1x50xi32, #tpu.memory_space<vmem>>
      %dma_wait3A_203 = tpu.memref_squeeze %dma_wait3A_202 : memref<1x1x50xi32, #tpu.memory_space<vmem>> -> memref<50xi32, #tpu.memory_space<vmem>>
      %dma_wait3A_204 = arith.constant 0 : i32
      %dma_wait3A_205 = arith.constant 0 : i32
      %dma_wait3A_206 = tpu.memref_slice %arg2[%dma_wait3A_204, %dma_wait3A_205] : memref<10000x128xf32, #tpu.memory_space<hbm>> -> memref<10000x128xf32, #tpu.memory_space<hbm>>
      tpu.wait_indirect_dma semaphore(%arg17 : memref<!tpu.dma_semaphore, #tpu.memory_space<semaphore_mem>>) src(%dma_wait3A_206 : memref<10000x128xf32, #tpu.memory_space<hbm>>) dst(%arg11 : memref<50x128xf32, #tpu.memory_space<vmem>>)
      %run_scoped3A_207 = arith.constant 7 : i32
      "tpu.region"() ({
        %run_scoped3A_395 = tpu.sem_alloc : memref<!tpu.dma_semaphore, #tpu.memory_space<semaphore_mem>>
        %dma_start3A_396 = arith.constant 0 : i32
        %dma_start3A_397 = tpu.memref_slice %arg8[%select_n3A_81, %run_scoped3A_207, %dma_start3A_396] : memref<2x20x50xi32, #tpu.memory_space<vmem>> -> memref<1x1x50xi32, #tpu.memory_space<vmem>>
        %dma_start3A_398 = tpu.memref_squeeze %dma_start3A_397 : memref<1x1x50xi32, #tpu.memory_space<vmem>> -> memref<50xi32, #tpu.memory_space<vmem>>
        %dma_start3A_399 = arith.constant 0 : i32
        %dma_start3A_400 = arith.constant 0 : i32
        %dma_start3A_401 = tpu.memref_slice %arg14[%dma_start3A_399, %dma_start3A_400] : memref<10240x128xf32, #tpu.memory_space<vmem_shared>> -> memref<10240x128xf32, #tpu.memory_space<vmem_shared>>
        tpu.enqueue_indirect_dma source(%arg11 : memref<50x128xf32, #tpu.memory_space<vmem>>) target(%dma_start3A_401 : memref<10240x128xf32, #tpu.memory_space<vmem_shared>>) offsets(%dma_start3A_398 : memref<50xi32, #tpu.memory_space<vmem>>) semaphore(%run_scoped3A_395 : memref<!tpu.dma_semaphore, #tpu.memory_space<semaphore_mem>>) {add = true}
        %dma_wait3A_402 = arith.constant 0 : i32
        %dma_wait3A_403 = tpu.memref_slice %arg8[%select_n3A_81, %run_scoped3A_207, %dma_wait3A_402] : memref<2x20x50xi32, #tpu.memory_space<vmem>> -> memref<1x1x50xi32, #tpu.memory_space<vmem>>
        %dma_wait3A_404 = tpu.memref_squeeze %dma_wait3A_403 : memref<1x1x50xi32, #tpu.memory_space<vmem>> -> memref<50xi32, #tpu.memory_space<vmem>>
        %dma_wait3A_405 = arith.constant 0 : i32
        %dma_wait3A_406 = arith.constant 0 : i32
        %dma_wait3A_407 = tpu.memref_slice %arg14[%dma_wait3A_405, %dma_wait3A_406] : memref<10240x128xf32, #tpu.memory_space<vmem_shared>> -> memref<10240x128xf32, #tpu.memory_space<vmem_shared>>
        tpu.wait_indirect_dma semaphore(%run_scoped3A_395 : memref<!tpu.dma_semaphore, #tpu.memory_space<semaphore_mem>>) src(%arg11 : memref<50x128xf32, #tpu.memory_space<vmem>>) dst(%dma_wait3A_407 : memref<10240x128xf32, #tpu.memory_space<vmem_shared>>)
        tpu.yield
      }) : () -> ()
      %dma_start3A_208 = arith.constant 12 : i32
      %dma_start3A_209 = arith.constant 0 : i32
      %dma_start3A_210 = tpu.memref_slice %arg7[%select_n3A_81, %dma_start3A_208, %dma_start3A_209] : memref<2x20x50xi32, #tpu.memory_space<vmem>> -> memref<1x1x50xi32, #tpu.memory_space<vmem>>
      %dma_start3A_211 = tpu.memref_squeeze %dma_start3A_210 : memref<1x1x50xi32, #tpu.memory_space<vmem>> -> memref<50xi32, #tpu.memory_space<vmem>>
      %dma_start3A_212 = arith.constant 0 : i32
      %dma_start3A_213 = arith.constant 0 : i32
      %dma_start3A_214 = tpu.memref_slice %arg2[%dma_start3A_212, %dma_start3A_213] : memref<10000x128xf32, #tpu.memory_space<hbm>> -> memref<10000x128xf32, #tpu.memory_space<hbm>>
      tpu.enqueue_indirect_dma source(%dma_start3A_214 : memref<10000x128xf32, #tpu.memory_space<hbm>>) target(%arg11 : memref<50x128xf32, #tpu.memory_space<vmem>>) offsets(%dma_start3A_211 : memref<50xi32, #tpu.memory_space<vmem>>) semaphore(%arg17 : memref<!tpu.dma_semaphore, #tpu.memory_space<semaphore_mem>>)
      %dma_wait3A_215 = arith.constant 8 : i32
      %dma_wait3A_216 = arith.constant 0 : i32
      %dma_wait3A_217 = tpu.memref_slice %arg7[%select_n3A_81, %dma_wait3A_215, %dma_wait3A_216] : memref<2x20x50xi32, #tpu.memory_space<vmem>> -> memref<1x1x50xi32, #tpu.memory_space<vmem>>
      %dma_wait3A_218 = tpu.memref_squeeze %dma_wait3A_217 : memref<1x1x50xi32, #tpu.memory_space<vmem>> -> memref<50xi32, #tpu.memory_space<vmem>>
      %dma_wait3A_219 = arith.constant 0 : i32
      %dma_wait3A_220 = arith.constant 0 : i32
      %dma_wait3A_221 = tpu.memref_slice %arg2[%dma_wait3A_219, %dma_wait3A_220] : memref<10000x128xf32, #tpu.memory_space<hbm>> -> memref<10000x128xf32, #tpu.memory_space<hbm>>
      tpu.wait_indirect_dma semaphore(%arg18 : memref<!tpu.dma_semaphore, #tpu.memory_space<semaphore_mem>>) src(%dma_wait3A_221 : memref<10000x128xf32, #tpu.memory_space<hbm>>) dst(%arg12 : memref<50x128xf32, #tpu.memory_space<vmem>>)
      %run_scoped3A_222 = arith.constant 8 : i32
      "tpu.region"() ({
        %run_scoped3A_395 = tpu.sem_alloc : memref<!tpu.dma_semaphore, #tpu.memory_space<semaphore_mem>>
        %dma_start3A_396 = arith.constant 0 : i32
        %dma_start3A_397 = tpu.memref_slice %arg8[%select_n3A_81, %run_scoped3A_222, %dma_start3A_396] : memref<2x20x50xi32, #tpu.memory_space<vmem>> -> memref<1x1x50xi32, #tpu.memory_space<vmem>>
        %dma_start3A_398 = tpu.memref_squeeze %dma_start3A_397 : memref<1x1x50xi32, #tpu.memory_space<vmem>> -> memref<50xi32, #tpu.memory_space<vmem>>
        %dma_start3A_399 = arith.constant 0 : i32
        %dma_start3A_400 = arith.constant 0 : i32
        %dma_start3A_401 = tpu.memref_slice %arg14[%dma_start3A_399, %dma_start3A_400] : memref<10240x128xf32, #tpu.memory_space<vmem_shared>> -> memref<10240x128xf32, #tpu.memory_space<vmem_shared>>
        tpu.enqueue_indirect_dma source(%arg12 : memref<50x128xf32, #tpu.memory_space<vmem>>) target(%dma_start3A_401 : memref<10240x128xf32, #tpu.memory_space<vmem_shared>>) offsets(%dma_start3A_398 : memref<50xi32, #tpu.memory_space<vmem>>) semaphore(%run_scoped3A_395 : memref<!tpu.dma_semaphore, #tpu.memory_space<semaphore_mem>>) {add = true}
        %dma_wait3A_402 = arith.constant 0 : i32
        %dma_wait3A_403 = tpu.memref_slice %arg8[%select_n3A_81, %run_scoped3A_222, %dma_wait3A_402] : memref<2x20x50xi32, #tpu.memory_space<vmem>> -> memref<1x1x50xi32, #tpu.memory_space<vmem>>
        %dma_wait3A_404 = tpu.memref_squeeze %dma_wait3A_403 : memref<1x1x50xi32, #tpu.memory_space<vmem>> -> memref<50xi32, #tpu.memory_space<vmem>>
        %dma_wait3A_405 = arith.constant 0 : i32
        %dma_wait3A_406 = arith.constant 0 : i32
        %dma_wait3A_407 = tpu.memref_slice %arg14[%dma_wait3A_405, %dma_wait3A_406] : memref<10240x128xf32, #tpu.memory_space<vmem_shared>> -> memref<10240x128xf32, #tpu.memory_space<vmem_shared>>
        tpu.wait_indirect_dma semaphore(%run_scoped3A_395 : memref<!tpu.dma_semaphore, #tpu.memory_space<semaphore_mem>>) src(%arg12 : memref<50x128xf32, #tpu.memory_space<vmem>>) dst(%dma_wait3A_407 : memref<10240x128xf32, #tpu.memory_space<vmem_shared>>)
        tpu.yield
      }) : () -> ()
      %dma_start3A_223 = arith.constant 13 : i32
      %dma_start3A_224 = arith.constant 0 : i32
      %dma_start3A_225 = tpu.memref_slice %arg7[%select_n3A_81, %dma_start3A_223, %dma_start3A_224] : memref<2x20x50xi32, #tpu.memory_space<vmem>> -> memref<1x1x50xi32, #tpu.memory_space<vmem>>
      %dma_start3A_226 = tpu.memref_squeeze %dma_start3A_225 : memref<1x1x50xi32, #tpu.memory_space<vmem>> -> memref<50xi32, #tpu.memory_space<vmem>>
      %dma_start3A_227 = arith.constant 0 : i32
      %dma_start3A_228 = arith.constant 0 : i32
      %dma_start3A_229 = tpu.memref_slice %arg2[%dma_start3A_227, %dma_start3A_228] : memref<10000x128xf32, #tpu.memory_space<hbm>> -> memref<10000x128xf32, #tpu.memory_space<hbm>>
      tpu.enqueue_indirect_dma source(%dma_start3A_229 : memref<10000x128xf32, #tpu.memory_space<hbm>>) target(%arg12 : memref<50x128xf32, #tpu.memory_space<vmem>>) offsets(%dma_start3A_226 : memref<50xi32, #tpu.memory_space<vmem>>) semaphore(%arg18 : memref<!tpu.dma_semaphore, #tpu.memory_space<semaphore_mem>>)
      %dma_wait3A_230 = arith.constant 9 : i32
      %dma_wait3A_231 = arith.constant 0 : i32
      %dma_wait3A_232 = tpu.memref_slice %arg7[%select_n3A_81, %dma_wait3A_230, %dma_wait3A_231] : memref<2x20x50xi32, #tpu.memory_space<vmem>> -> memref<1x1x50xi32, #tpu.memory_space<vmem>>
      %dma_wait3A_233 = tpu.memref_squeeze %dma_wait3A_232 : memref<1x1x50xi32, #tpu.memory_space<vmem>> -> memref<50xi32, #tpu.memory_space<vmem>>
      %dma_wait3A_234 = arith.constant 0 : i32
      %dma_wait3A_235 = arith.constant 0 : i32
      %dma_wait3A_236 = tpu.memref_slice %arg2[%dma_wait3A_234, %dma_wait3A_235] : memref<10000x128xf32, #tpu.memory_space<hbm>> -> memref<10000x128xf32, #tpu.memory_space<hbm>>
      tpu.wait_indirect_dma semaphore(%arg19 : memref<!tpu.dma_semaphore, #tpu.memory_space<semaphore_mem>>) src(%dma_wait3A_236 : memref<10000x128xf32, #tpu.memory_space<hbm>>) dst(%arg13 : memref<50x128xf32, #tpu.memory_space<vmem>>)
      %run_scoped3A_237 = arith.constant 9 : i32
      "tpu.region"() ({
        %run_scoped3A_395 = tpu.sem_alloc : memref<!tpu.dma_semaphore, #tpu.memory_space<semaphore_mem>>
        %dma_start3A_396 = arith.constant 0 : i32
        %dma_start3A_397 = tpu.memref_slice %arg8[%select_n3A_81, %run_scoped3A_237, %dma_start3A_396] : memref<2x20x50xi32, #tpu.memory_space<vmem>> -> memref<1x1x50xi32, #tpu.memory_space<vmem>>
        %dma_start3A_398 = tpu.memref_squeeze %dma_start3A_397 : memref<1x1x50xi32, #tpu.memory_space<vmem>> -> memref<50xi32, #tpu.memory_space<vmem>>
        %dma_start3A_399 = arith.constant 0 : i32
        %dma_start3A_400 = arith.constant 0 : i32
        %dma_start3A_401 = tpu.memref_slice %arg14[%dma_start3A_399, %dma_start3A_400] : memref<10240x128xf32, #tpu.memory_space<vmem_shared>> -> memref<10240x128xf32, #tpu.memory_space<vmem_shared>>
        tpu.enqueue_indirect_dma source(%arg13 : memref<50x128xf32, #tpu.memory_space<vmem>>) target(%dma_start3A_401 : memref<10240x128xf32, #tpu.memory_space<vmem_shared>>) offsets(%dma_start3A_398 : memref<50xi32, #tpu.memory_space<vmem>>) semaphore(%run_scoped3A_395 : memref<!tpu.dma_semaphore, #tpu.memory_space<semaphore_mem>>) {add = true}
        %dma_wait3A_402 = arith.constant 0 : i32
        %dma_wait3A_403 = tpu.memref_slice %arg8[%select_n3A_81, %run_scoped3A_237, %dma_wait3A_402] : memref<2x20x50xi32, #tpu.memory_space<vmem>> -> memref<1x1x50xi32, #tpu.memory_space<vmem>>
        %dma_wait3A_404 = tpu.memref_squeeze %dma_wait3A_403 : memref<1x1x50xi32, #tpu.memory_space<vmem>> -> memref<50xi32, #tpu.memory_space<vmem>>
        %dma_wait3A_405 = arith.constant 0 : i32
        %dma_wait3A_406 = arith.constant 0 : i32
        %dma_wait3A_407 = tpu.memref_slice %arg14[%dma_wait3A_405, %dma_wait3A_406] : memref<10240x128xf32, #tpu.memory_space<vmem_shared>> -> memref<10240x128xf32, #tpu.memory_space<vmem_shared>>
        tpu.wait_indirect_dma semaphore(%run_scoped3A_395 : memref<!tpu.dma_semaphore, #tpu.memory_space<semaphore_mem>>) src(%arg13 : memref<50x128xf32, #tpu.memory_space<vmem>>) dst(%dma_wait3A_407 : memref<10240x128xf32, #tpu.memory_space<vmem_shared>>)
        tpu.yield
      }) : () -> ()
      %dma_start3A_238 = arith.constant 14 : i32
      %dma_start3A_239 = arith.constant 0 : i32
      %dma_start3A_240 = tpu.memref_slice %arg7[%select_n3A_81, %dma_start3A_238, %dma_start3A_239] : memref<2x20x50xi32, #tpu.memory_space<vmem>> -> memref<1x1x50xi32, #tpu.memory_space<vmem>>
      %dma_start3A_241 = tpu.memref_squeeze %dma_start3A_240 : memref<1x1x50xi32, #tpu.memory_space<vmem>> -> memref<50xi32, #tpu.memory_space<vmem>>
      %dma_start3A_242 = arith.constant 0 : i32
      %dma_start3A_243 = arith.constant 0 : i32
      %dma_start3A_244 = tpu.memref_slice %arg2[%dma_start3A_242, %dma_start3A_243] : memref<10000x128xf32, #tpu.memory_space<hbm>> -> memref<10000x128xf32, #tpu.memory_space<hbm>>
      tpu.enqueue_indirect_dma source(%dma_start3A_244 : memref<10000x128xf32, #tpu.memory_space<hbm>>) target(%arg13 : memref<50x128xf32, #tpu.memory_space<vmem>>) offsets(%dma_start3A_241 : memref<50xi32, #tpu.memory_space<vmem>>) semaphore(%arg19 : memref<!tpu.dma_semaphore, #tpu.memory_space<semaphore_mem>>)
      %dma_wait3A_245 = arith.constant 10 : i32
      %dma_wait3A_246 = arith.constant 0 : i32
      %dma_wait3A_247 = tpu.memref_slice %arg7[%select_n3A_81, %dma_wait3A_245, %dma_wait3A_246] : memref<2x20x50xi32, #tpu.memory_space<vmem>> -> memref<1x1x50xi32, #tpu.memory_space<vmem>>
      %dma_wait3A_248 = tpu.memref_squeeze %dma_wait3A_247 : memref<1x1x50xi32, #tpu.memory_space<vmem>> -> memref<50xi32, #tpu.memory_space<vmem>>
      %dma_wait3A_249 = arith.constant 0 : i32
      %dma_wait3A_250 = arith.constant 0 : i32
      %dma_wait3A_251 = tpu.memref_slice %arg2[%dma_wait3A_249, %dma_wait3A_250] : memref<10000x128xf32, #tpu.memory_space<hbm>> -> memref<10000x128xf32, #tpu.memory_space<hbm>>
      tpu.wait_indirect_dma semaphore(%arg15 : memref<!tpu.dma_semaphore, #tpu.memory_space<semaphore_mem>>) src(%dma_wait3A_251 : memref<10000x128xf32, #tpu.memory_space<hbm>>) dst(%arg9 : memref<50x128xf32, #tpu.memory_space<vmem>>)
      %run_scoped3A_252 = arith.constant 10 : i32
      "tpu.region"() ({
        %run_scoped3A_395 = tpu.sem_alloc : memref<!tpu.dma_semaphore, #tpu.memory_space<semaphore_mem>>
        %dma_start3A_396 = arith.constant 0 : i32
        %dma_start3A_397 = tpu.memref_slice %arg8[%select_n3A_81, %run_scoped3A_252, %dma_start3A_396] : memref<2x20x50xi32, #tpu.memory_space<vmem>> -> memref<1x1x50xi32, #tpu.memory_space<vmem>>
        %dma_start3A_398 = tpu.memref_squeeze %dma_start3A_397 : memref<1x1x50xi32, #tpu.memory_space<vmem>> -> memref<50xi32, #tpu.memory_space<vmem>>
        %dma_start3A_399 = arith.constant 0 : i32
        %dma_start3A_400 = arith.constant 0 : i32
        %dma_start3A_401 = tpu.memref_slice %arg14[%dma_start3A_399, %dma_start3A_400] : memref<10240x128xf32, #tpu.memory_space<vmem_shared>> -> memref<10240x128xf32, #tpu.memory_space<vmem_shared>>
        tpu.enqueue_indirect_dma source(%arg9 : memref<50x128xf32, #tpu.memory_space<vmem>>) target(%dma_start3A_401 : memref<10240x128xf32, #tpu.memory_space<vmem_shared>>) offsets(%dma_start3A_398 : memref<50xi32, #tpu.memory_space<vmem>>) semaphore(%run_scoped3A_395 : memref<!tpu.dma_semaphore, #tpu.memory_space<semaphore_mem>>) {add = true}
        %dma_wait3A_402 = arith.constant 0 : i32
        %dma_wait3A_403 = tpu.memref_slice %arg8[%select_n3A_81, %run_scoped3A_252, %dma_wait3A_402] : memref<2x20x50xi32, #tpu.memory_space<vmem>> -> memref<1x1x50xi32, #tpu.memory_space<vmem>>
        %dma_wait3A_404 = tpu.memref_squeeze %dma_wait3A_403 : memref<1x1x50xi32, #tpu.memory_space<vmem>> -> memref<50xi32, #tpu.memory_space<vmem>>
        %dma_wait3A_405 = arith.constant 0 : i32
        %dma_wait3A_406 = arith.constant 0 : i32
        %dma_wait3A_407 = tpu.memref_slice %arg14[%dma_wait3A_405, %dma_wait3A_406] : memref<10240x128xf32, #tpu.memory_space<vmem_shared>> -> memref<10240x128xf32, #tpu.memory_space<vmem_shared>>
        tpu.wait_indirect_dma semaphore(%run_scoped3A_395 : memref<!tpu.dma_semaphore, #tpu.memory_space<semaphore_mem>>) src(%arg9 : memref<50x128xf32, #tpu.memory_space<vmem>>) dst(%dma_wait3A_407 : memref<10240x128xf32, #tpu.memory_space<vmem_shared>>)
        tpu.yield
      }) : () -> ()
      %dma_start3A_253 = arith.constant 15 : i32
      %dma_start3A_254 = arith.constant 0 : i32
      %dma_start3A_255 = tpu.memref_slice %arg7[%select_n3A_81, %dma_start3A_253, %dma_start3A_254] : memref<2x20x50xi32, #tpu.memory_space<vmem>> -> memref<1x1x50xi32, #tpu.memory_space<vmem>>
      %dma_start3A_256 = tpu.memref_squeeze %dma_start3A_255 : memref<1x1x50xi32, #tpu.memory_space<vmem>> -> memref<50xi32, #tpu.memory_space<vmem>>
      %dma_start3A_257 = arith.constant 0 : i32
      %dma_start3A_258 = arith.constant 0 : i32
      %dma_start3A_259 = tpu.memref_slice %arg2[%dma_start3A_257, %dma_start3A_258] : memref<10000x128xf32, #tpu.memory_space<hbm>> -> memref<10000x128xf32, #tpu.memory_space<hbm>>
      tpu.enqueue_indirect_dma source(%dma_start3A_259 : memref<10000x128xf32, #tpu.memory_space<hbm>>) target(%arg9 : memref<50x128xf32, #tpu.memory_space<vmem>>) offsets(%dma_start3A_256 : memref<50xi32, #tpu.memory_space<vmem>>) semaphore(%arg15 : memref<!tpu.dma_semaphore, #tpu.memory_space<semaphore_mem>>)
      %dma_wait3A_260 = arith.constant 11 : i32
      %dma_wait3A_261 = arith.constant 0 : i32
      %dma_wait3A_262 = tpu.memref_slice %arg7[%select_n3A_81, %dma_wait3A_260, %dma_wait3A_261] : memref<2x20x50xi32, #tpu.memory_space<vmem>> -> memref<1x1x50xi32, #tpu.memory_space<vmem>>
      %dma_wait3A_263 = tpu.memref_squeeze %dma_wait3A_262 : memref<1x1x50xi32, #tpu.memory_space<vmem>> -> memref<50xi32, #tpu.memory_space<vmem>>
      %dma_wait3A_264 = arith.constant 0 : i32
      %dma_wait3A_265 = arith.constant 0 : i32
      %dma_wait3A_266 = tpu.memref_slice %arg2[%dma_wait3A_264, %dma_wait3A_265] : memref<10000x128xf32, #tpu.memory_space<hbm>> -> memref<10000x128xf32, #tpu.memory_space<hbm>>
      tpu.wait_indirect_dma semaphore(%arg16 : memref<!tpu.dma_semaphore, #tpu.memory_space<semaphore_mem>>) src(%dma_wait3A_266 : memref<10000x128xf32, #tpu.memory_space<hbm>>) dst(%arg10 : memref<50x128xf32, #tpu.memory_space<vmem>>)
      %run_scoped3A_267 = arith.constant 11 : i32
      "tpu.region"() ({
        %run_scoped3A_395 = tpu.sem_alloc : memref<!tpu.dma_semaphore, #tpu.memory_space<semaphore_mem>>
        %dma_start3A_396 = arith.constant 0 : i32
        %dma_start3A_397 = tpu.memref_slice %arg8[%select_n3A_81, %run_scoped3A_267, %dma_start3A_396] : memref<2x20x50xi32, #tpu.memory_space<vmem>> -> memref<1x1x50xi32, #tpu.memory_space<vmem>>
        %dma_start3A_398 = tpu.memref_squeeze %dma_start3A_397 : memref<1x1x50xi32, #tpu.memory_space<vmem>> -> memref<50xi32, #tpu.memory_space<vmem>>
        %dma_start3A_399 = arith.constant 0 : i32
        %dma_start3A_400 = arith.constant 0 : i32
        %dma_start3A_401 = tpu.memref_slice %arg14[%dma_start3A_399, %dma_start3A_400] : memref<10240x128xf32, #tpu.memory_space<vmem_shared>> -> memref<10240x128xf32, #tpu.memory_space<vmem_shared>>
        tpu.enqueue_indirect_dma source(%arg10 : memref<50x128xf32, #tpu.memory_space<vmem>>) target(%dma_start3A_401 : memref<10240x128xf32, #tpu.memory_space<vmem_shared>>) offsets(%dma_start3A_398 : memref<50xi32, #tpu.memory_space<vmem>>) semaphore(%run_scoped3A_395 : memref<!tpu.dma_semaphore, #tpu.memory_space<semaphore_mem>>) {add = true}
        %dma_wait3A_402 = arith.constant 0 : i32
        %dma_wait3A_403 = tpu.memref_slice %arg8[%select_n3A_81, %run_scoped3A_267, %dma_wait3A_402] : memref<2x20x50xi32, #tpu.memory_space<vmem>> -> memref<1x1x50xi32, #tpu.memory_space<vmem>>
        %dma_wait3A_404 = tpu.memref_squeeze %dma_wait3A_403 : memref<1x1x50xi32, #tpu.memory_space<vmem>> -> memref<50xi32, #tpu.memory_space<vmem>>
        %dma_wait3A_405 = arith.constant 0 : i32
        %dma_wait3A_406 = arith.constant 0 : i32
        %dma_wait3A_407 = tpu.memref_slice %arg14[%dma_wait3A_405, %dma_wait3A_406] : memref<10240x128xf32, #tpu.memory_space<vmem_shared>> -> memref<10240x128xf32, #tpu.memory_space<vmem_shared>>
        tpu.wait_indirect_dma semaphore(%run_scoped3A_395 : memref<!tpu.dma_semaphore, #tpu.memory_space<semaphore_mem>>) src(%arg10 : memref<50x128xf32, #tpu.memory_space<vmem>>) dst(%dma_wait3A_407 : memref<10240x128xf32, #tpu.memory_space<vmem_shared>>)
        tpu.yield
      }) : () -> ()
      %dma_start3A_268 = arith.constant 16 : i32
      %dma_start3A_269 = arith.constant 0 : i32
      %dma_start3A_270 = tpu.memref_slice %arg7[%select_n3A_81, %dma_start3A_268, %dma_start3A_269] : memref<2x20x50xi32, #tpu.memory_space<vmem>> -> memref<1x1x50xi32, #tpu.memory_space<vmem>>
      %dma_start3A_271 = tpu.memref_squeeze %dma_start3A_270 : memref<1x1x50xi32, #tpu.memory_space<vmem>> -> memref<50xi32, #tpu.memory_space<vmem>>
      %dma_start3A_272 = arith.constant 0 : i32
      %dma_start3A_273 = arith.constant 0 : i32
      %dma_start3A_274 = tpu.memref_slice %arg2[%dma_start3A_272, %dma_start3A_273] : memref<10000x128xf32, #tpu.memory_space<hbm>> -> memref<10000x128xf32, #tpu.memory_space<hbm>>
      tpu.enqueue_indirect_dma source(%dma_start3A_274 : memref<10000x128xf32, #tpu.memory_space<hbm>>) target(%arg10 : memref<50x128xf32, #tpu.memory_space<vmem>>) offsets(%dma_start3A_271 : memref<50xi32, #tpu.memory_space<vmem>>) semaphore(%arg16 : memref<!tpu.dma_semaphore, #tpu.memory_space<semaphore_mem>>)
      %dma_wait3A_275 = arith.constant 12 : i32
      %dma_wait3A_276 = arith.constant 0 : i32
      %dma_wait3A_277 = tpu.memref_slice %arg7[%select_n3A_81, %dma_wait3A_275, %dma_wait3A_276] : memref<2x20x50xi32, #tpu.memory_space<vmem>> -> memref<1x1x50xi32, #tpu.memory_space<vmem>>
      %dma_wait3A_278 = tpu.memref_squeeze %dma_wait3A_277 : memref<1x1x50xi32, #tpu.memory_space<vmem>> -> memref<50xi32, #tpu.memory_space<vmem>>
      %dma_wait3A_279 = arith.constant 0 : i32
      %dma_wait3A_280 = arith.constant 0 : i32
      %dma_wait3A_281 = tpu.memref_slice %arg2[%dma_wait3A_279, %dma_wait3A_280] : memref<10000x128xf32, #tpu.memory_space<hbm>> -> memref<10000x128xf32, #tpu.memory_space<hbm>>
      tpu.wait_indirect_dma semaphore(%arg17 : memref<!tpu.dma_semaphore, #tpu.memory_space<semaphore_mem>>) src(%dma_wait3A_281 : memref<10000x128xf32, #tpu.memory_space<hbm>>) dst(%arg11 : memref<50x128xf32, #tpu.memory_space<vmem>>)
      %run_scoped3A_282 = arith.constant 12 : i32
      "tpu.region"() ({
        %run_scoped3A_395 = tpu.sem_alloc : memref<!tpu.dma_semaphore, #tpu.memory_space<semaphore_mem>>
        %dma_start3A_396 = arith.constant 0 : i32
        %dma_start3A_397 = tpu.memref_slice %arg8[%select_n3A_81, %run_scoped3A_282, %dma_start3A_396] : memref<2x20x50xi32, #tpu.memory_space<vmem>> -> memref<1x1x50xi32, #tpu.memory_space<vmem>>
        %dma_start3A_398 = tpu.memref_squeeze %dma_start3A_397 : memref<1x1x50xi32, #tpu.memory_space<vmem>> -> memref<50xi32, #tpu.memory_space<vmem>>
        %dma_start3A_399 = arith.constant 0 : i32
        %dma_start3A_400 = arith.constant 0 : i32
        %dma_start3A_401 = tpu.memref_slice %arg14[%dma_start3A_399, %dma_start3A_400] : memref<10240x128xf32, #tpu.memory_space<vmem_shared>> -> memref<10240x128xf32, #tpu.memory_space<vmem_shared>>
        tpu.enqueue_indirect_dma source(%arg11 : memref<50x128xf32, #tpu.memory_space<vmem>>) target(%dma_start3A_401 : memref<10240x128xf32, #tpu.memory_space<vmem_shared>>) offsets(%dma_start3A_398 : memref<50xi32, #tpu.memory_space<vmem>>) semaphore(%run_scoped3A_395 : memref<!tpu.dma_semaphore, #tpu.memory_space<semaphore_mem>>) {add = true}
        %dma_wait3A_402 = arith.constant 0 : i32
        %dma_wait3A_403 = tpu.memref_slice %arg8[%select_n3A_81, %run_scoped3A_282, %dma_wait3A_402] : memref<2x20x50xi32, #tpu.memory_space<vmem>> -> memref<1x1x50xi32, #tpu.memory_space<vmem>>
        %dma_wait3A_404 = tpu.memref_squeeze %dma_wait3A_403 : memref<1x1x50xi32, #tpu.memory_space<vmem>> -> memref<50xi32, #tpu.memory_space<vmem>>
        %dma_wait3A_405 = arith.constant 0 : i32
        %dma_wait3A_406 = arith.constant 0 : i32
        %dma_wait3A_407 = tpu.memref_slice %arg14[%dma_wait3A_405, %dma_wait3A_406] : memref<10240x128xf32, #tpu.memory_space<vmem_shared>> -> memref<10240x128xf32, #tpu.memory_space<vmem_shared>>
        tpu.wait_indirect_dma semaphore(%run_scoped3A_395 : memref<!tpu.dma_semaphore, #tpu.memory_space<semaphore_mem>>) src(%arg11 : memref<50x128xf32, #tpu.memory_space<vmem>>) dst(%dma_wait3A_407 : memref<10240x128xf32, #tpu.memory_space<vmem_shared>>)
        tpu.yield
      }) : () -> ()
      %dma_start3A_283 = arith.constant 17 : i32
      %dma_start3A_284 = arith.constant 0 : i32
      %dma_start3A_285 = tpu.memref_slice %arg7[%select_n3A_81, %dma_start3A_283, %dma_start3A_284] : memref<2x20x50xi32, #tpu.memory_space<vmem>> -> memref<1x1x50xi32, #tpu.memory_space<vmem>>
      %dma_start3A_286 = tpu.memref_squeeze %dma_start3A_285 : memref<1x1x50xi32, #tpu.memory_space<vmem>> -> memref<50xi32, #tpu.memory_space<vmem>>
      %dma_start3A_287 = arith.constant 0 : i32
      %dma_start3A_288 = arith.constant 0 : i32
      %dma_start3A_289 = tpu.memref_slice %arg2[%dma_start3A_287, %dma_start3A_288] : memref<10000x128xf32, #tpu.memory_space<hbm>> -> memref<10000x128xf32, #tpu.memory_space<hbm>>
      tpu.enqueue_indirect_dma source(%dma_start3A_289 : memref<10000x128xf32, #tpu.memory_space<hbm>>) target(%arg11 : memref<50x128xf32, #tpu.memory_space<vmem>>) offsets(%dma_start3A_286 : memref<50xi32, #tpu.memory_space<vmem>>) semaphore(%arg17 : memref<!tpu.dma_semaphore, #tpu.memory_space<semaphore_mem>>)
      %dma_wait3A_290 = arith.constant 13 : i32
      %dma_wait3A_291 = arith.constant 0 : i32
      %dma_wait3A_292 = tpu.memref_slice %arg7[%select_n3A_81, %dma_wait3A_290, %dma_wait3A_291] : memref<2x20x50xi32, #tpu.memory_space<vmem>> -> memref<1x1x50xi32, #tpu.memory_space<vmem>>
      %dma_wait3A_293 = tpu.memref_squeeze %dma_wait3A_292 : memref<1x1x50xi32, #tpu.memory_space<vmem>> -> memref<50xi32, #tpu.memory_space<vmem>>
      %dma_wait3A_294 = arith.constant 0 : i32
      %dma_wait3A_295 = arith.constant 0 : i32
      %dma_wait3A_296 = tpu.memref_slice %arg2[%dma_wait3A_294, %dma_wait3A_295] : memref<10000x128xf32, #tpu.memory_space<hbm>> -> memref<10000x128xf32, #tpu.memory_space<hbm>>
      tpu.wait_indirect_dma semaphore(%arg18 : memref<!tpu.dma_semaphore, #tpu.memory_space<semaphore_mem>>) src(%dma_wait3A_296 : memref<10000x128xf32, #tpu.memory_space<hbm>>) dst(%arg12 : memref<50x128xf32, #tpu.memory_space<vmem>>)
      %run_scoped3A_297 = arith.constant 13 : i32
      "tpu.region"() ({
        %run_scoped3A_395 = tpu.sem_alloc : memref<!tpu.dma_semaphore, #tpu.memory_space<semaphore_mem>>
        %dma_start3A_396 = arith.constant 0 : i32
        %dma_start3A_397 = tpu.memref_slice %arg8[%select_n3A_81, %run_scoped3A_297, %dma_start3A_396] : memref<2x20x50xi32, #tpu.memory_space<vmem>> -> memref<1x1x50xi32, #tpu.memory_space<vmem>>
        %dma_start3A_398 = tpu.memref_squeeze %dma_start3A_397 : memref<1x1x50xi32, #tpu.memory_space<vmem>> -> memref<50xi32, #tpu.memory_space<vmem>>
        %dma_start3A_399 = arith.constant 0 : i32
        %dma_start3A_400 = arith.constant 0 : i32
        %dma_start3A_401 = tpu.memref_slice %arg14[%dma_start3A_399, %dma_start3A_400] : memref<10240x128xf32, #tpu.memory_space<vmem_shared>> -> memref<10240x128xf32, #tpu.memory_space<vmem_shared>>
        tpu.enqueue_indirect_dma source(%arg12 : memref<50x128xf32, #tpu.memory_space<vmem>>) target(%dma_start3A_401 : memref<10240x128xf32, #tpu.memory_space<vmem_shared>>) offsets(%dma_start3A_398 : memref<50xi32, #tpu.memory_space<vmem>>) semaphore(%run_scoped3A_395 : memref<!tpu.dma_semaphore, #tpu.memory_space<semaphore_mem>>) {add = true}
        %dma_wait3A_402 = arith.constant 0 : i32
        %dma_wait3A_403 = tpu.memref_slice %arg8[%select_n3A_81, %run_scoped3A_297, %dma_wait3A_402] : memref<2x20x50xi32, #tpu.memory_space<vmem>> -> memref<1x1x50xi32, #tpu.memory_space<vmem>>
        %dma_wait3A_404 = tpu.memref_squeeze %dma_wait3A_403 : memref<1x1x50xi32, #tpu.memory_space<vmem>> -> memref<50xi32, #tpu.memory_space<vmem>>
        %dma_wait3A_405 = arith.constant 0 : i32
        %dma_wait3A_406 = arith.constant 0 : i32
        %dma_wait3A_407 = tpu.memref_slice %arg14[%dma_wait3A_405, %dma_wait3A_406] : memref<10240x128xf32, #tpu.memory_space<vmem_shared>> -> memref<10240x128xf32, #tpu.memory_space<vmem_shared>>
        tpu.wait_indirect_dma semaphore(%run_scoped3A_395 : memref<!tpu.dma_semaphore, #tpu.memory_space<semaphore_mem>>) src(%arg12 : memref<50x128xf32, #tpu.memory_space<vmem>>) dst(%dma_wait3A_407 : memref<10240x128xf32, #tpu.memory_space<vmem_shared>>)
        tpu.yield
      }) : () -> ()
      %dma_start3A_298 = arith.constant 18 : i32
      %dma_start3A_299 = arith.constant 0 : i32
      %dma_start3A_300 = tpu.memref_slice %arg7[%select_n3A_81, %dma_start3A_298, %dma_start3A_299] : memref<2x20x50xi32, #tpu.memory_space<vmem>> -> memref<1x1x50xi32, #tpu.memory_space<vmem>>
      %dma_start3A_301 = tpu.memref_squeeze %dma_start3A_300 : memref<1x1x50xi32, #tpu.memory_space<vmem>> -> memref<50xi32, #tpu.memory_space<vmem>>
      %dma_start3A_302 = arith.constant 0 : i32
      %dma_start3A_303 = arith.constant 0 : i32
      %dma_start3A_304 = tpu.memref_slice %arg2[%dma_start3A_302, %dma_start3A_303] : memref<10000x128xf32, #tpu.memory_space<hbm>> -> memref<10000x128xf32, #tpu.memory_space<hbm>>
      tpu.enqueue_indirect_dma source(%dma_start3A_304 : memref<10000x128xf32, #tpu.memory_space<hbm>>) target(%arg12 : memref<50x128xf32, #tpu.memory_space<vmem>>) offsets(%dma_start3A_301 : memref<50xi32, #tpu.memory_space<vmem>>) semaphore(%arg18 : memref<!tpu.dma_semaphore, #tpu.memory_space<semaphore_mem>>)
      %dma_wait3A_305 = arith.constant 14 : i32
      %dma_wait3A_306 = arith.constant 0 : i32
      %dma_wait3A_307 = tpu.memref_slice %arg7[%select_n3A_81, %dma_wait3A_305, %dma_wait3A_306] : memref<2x20x50xi32, #tpu.memory_space<vmem>> -> memref<1x1x50xi32, #tpu.memory_space<vmem>>
      %dma_wait3A_308 = tpu.memref_squeeze %dma_wait3A_307 : memref<1x1x50xi32, #tpu.memory_space<vmem>> -> memref<50xi32, #tpu.memory_space<vmem>>
      %dma_wait3A_309 = arith.constant 0 : i32
      %dma_wait3A_310 = arith.constant 0 : i32
      %dma_wait3A_311 = tpu.memref_slice %arg2[%dma_wait3A_309, %dma_wait3A_310] : memref<10000x128xf32, #tpu.memory_space<hbm>> -> memref<10000x128xf32, #tpu.memory_space<hbm>>
      tpu.wait_indirect_dma semaphore(%arg19 : memref<!tpu.dma_semaphore, #tpu.memory_space<semaphore_mem>>) src(%dma_wait3A_311 : memref<10000x128xf32, #tpu.memory_space<hbm>>) dst(%arg13 : memref<50x128xf32, #tpu.memory_space<vmem>>)
      %run_scoped3A_312 = arith.constant 14 : i32
      "tpu.region"() ({
        %run_scoped3A_395 = tpu.sem_alloc : memref<!tpu.dma_semaphore, #tpu.memory_space<semaphore_mem>>
        %dma_start3A_396 = arith.constant 0 : i32
        %dma_start3A_397 = tpu.memref_slice %arg8[%select_n3A_81, %run_scoped3A_312, %dma_start3A_396] : memref<2x20x50xi32, #tpu.memory_space<vmem>> -> memref<1x1x50xi32, #tpu.memory_space<vmem>>
        %dma_start3A_398 = tpu.memref_squeeze %dma_start3A_397 : memref<1x1x50xi32, #tpu.memory_space<vmem>> -> memref<50xi32, #tpu.memory_space<vmem>>
        %dma_start3A_399 = arith.constant 0 : i32
        %dma_start3A_400 = arith.constant 0 : i32
        %dma_start3A_401 = tpu.memref_slice %arg14[%dma_start3A_399, %dma_start3A_400] : memref<10240x128xf32, #tpu.memory_space<vmem_shared>> -> memref<10240x128xf32, #tpu.memory_space<vmem_shared>>
        tpu.enqueue_indirect_dma source(%arg13 : memref<50x128xf32, #tpu.memory_space<vmem>>) target(%dma_start3A_401 : memref<10240x128xf32, #tpu.memory_space<vmem_shared>>) offsets(%dma_start3A_398 : memref<50xi32, #tpu.memory_space<vmem>>) semaphore(%run_scoped3A_395 : memref<!tpu.dma_semaphore, #tpu.memory_space<semaphore_mem>>) {add = true}
        %dma_wait3A_402 = arith.constant 0 : i32
        %dma_wait3A_403 = tpu.memref_slice %arg8[%select_n3A_81, %run_scoped3A_312, %dma_wait3A_402] : memref<2x20x50xi32, #tpu.memory_space<vmem>> -> memref<1x1x50xi32, #tpu.memory_space<vmem>>
        %dma_wait3A_404 = tpu.memref_squeeze %dma_wait3A_403 : memref<1x1x50xi32, #tpu.memory_space<vmem>> -> memref<50xi32, #tpu.memory_space<vmem>>
        %dma_wait3A_405 = arith.constant 0 : i32
        %dma_wait3A_406 = arith.constant 0 : i32
        %dma_wait3A_407 = tpu.memref_slice %arg14[%dma_wait3A_405, %dma_wait3A_406] : memref<10240x128xf32, #tpu.memory_space<vmem_shared>> -> memref<10240x128xf32, #tpu.memory_space<vmem_shared>>
        tpu.wait_indirect_dma semaphore(%run_scoped3A_395 : memref<!tpu.dma_semaphore, #tpu.memory_space<semaphore_mem>>) src(%arg13 : memref<50x128xf32, #tpu.memory_space<vmem>>) dst(%dma_wait3A_407 : memref<10240x128xf32, #tpu.memory_space<vmem_shared>>)
        tpu.yield
      }) : () -> ()
      %dma_start3A_313 = arith.constant 19 : i32
      %dma_start3A_314 = arith.constant 0 : i32
      %dma_start3A_315 = tpu.memref_slice %arg7[%select_n3A_81, %dma_start3A_313, %dma_start3A_314] : memref<2x20x50xi32, #tpu.memory_space<vmem>> -> memref<1x1x50xi32, #tpu.memory_space<vmem>>
      %dma_start3A_316 = tpu.memref_squeeze %dma_start3A_315 : memref<1x1x50xi32, #tpu.memory_space<vmem>> -> memref<50xi32, #tpu.memory_space<vmem>>
      %dma_start3A_317 = arith.constant 0 : i32
      %dma_start3A_318 = arith.constant 0 : i32
      %dma_start3A_319 = tpu.memref_slice %arg2[%dma_start3A_317, %dma_start3A_318] : memref<10000x128xf32, #tpu.memory_space<hbm>> -> memref<10000x128xf32, #tpu.memory_space<hbm>>
      tpu.enqueue_indirect_dma source(%dma_start3A_319 : memref<10000x128xf32, #tpu.memory_space<hbm>>) target(%arg13 : memref<50x128xf32, #tpu.memory_space<vmem>>) offsets(%dma_start3A_316 : memref<50xi32, #tpu.memory_space<vmem>>) semaphore(%arg19 : memref<!tpu.dma_semaphore, #tpu.memory_space<semaphore_mem>>)
      %dma_wait3A_320 = arith.constant 15 : i32
      %dma_wait3A_321 = arith.constant 0 : i32
      %dma_wait3A_322 = tpu.memref_slice %arg7[%select_n3A_81, %dma_wait3A_320, %dma_wait3A_321] : memref<2x20x50xi32, #tpu.memory_space<vmem>> -> memref<1x1x50xi32, #tpu.memory_space<vmem>>
      %dma_wait3A_323 = tpu.memref_squeeze %dma_wait3A_322 : memref<1x1x50xi32, #tpu.memory_space<vmem>> -> memref<50xi32, #tpu.memory_space<vmem>>
      %dma_wait3A_324 = arith.constant 0 : i32
      %dma_wait3A_325 = arith.constant 0 : i32
      %dma_wait3A_326 = tpu.memref_slice %arg2[%dma_wait3A_324, %dma_wait3A_325] : memref<10000x128xf32, #tpu.memory_space<hbm>> -> memref<10000x128xf32, #tpu.memory_space<hbm>>
      tpu.wait_indirect_dma semaphore(%arg15 : memref<!tpu.dma_semaphore, #tpu.memory_space<semaphore_mem>>) src(%dma_wait3A_326 : memref<10000x128xf32, #tpu.memory_space<hbm>>) dst(%arg9 : memref<50x128xf32, #tpu.memory_space<vmem>>)
      %run_scoped3A_327 = arith.constant 15 : i32
      "tpu.region"() ({
        %run_scoped3A_395 = tpu.sem_alloc : memref<!tpu.dma_semaphore, #tpu.memory_space<semaphore_mem>>
        %dma_start3A_396 = arith.constant 0 : i32
        %dma_start3A_397 = tpu.memref_slice %arg8[%select_n3A_81, %run_scoped3A_327, %dma_start3A_396] : memref<2x20x50xi32, #tpu.memory_space<vmem>> -> memref<1x1x50xi32, #tpu.memory_space<vmem>>
        %dma_start3A_398 = tpu.memref_squeeze %dma_start3A_397 : memref<1x1x50xi32, #tpu.memory_space<vmem>> -> memref<50xi32, #tpu.memory_space<vmem>>
        %dma_start3A_399 = arith.constant 0 : i32
        %dma_start3A_400 = arith.constant 0 : i32
        %dma_start3A_401 = tpu.memref_slice %arg14[%dma_start3A_399, %dma_start3A_400] : memref<10240x128xf32, #tpu.memory_space<vmem_shared>> -> memref<10240x128xf32, #tpu.memory_space<vmem_shared>>
        tpu.enqueue_indirect_dma source(%arg9 : memref<50x128xf32, #tpu.memory_space<vmem>>) target(%dma_start3A_401 : memref<10240x128xf32, #tpu.memory_space<vmem_shared>>) offsets(%dma_start3A_398 : memref<50xi32, #tpu.memory_space<vmem>>) semaphore(%run_scoped3A_395 : memref<!tpu.dma_semaphore, #tpu.memory_space<semaphore_mem>>) {add = true}
        %dma_wait3A_402 = arith.constant 0 : i32
        %dma_wait3A_403 = tpu.memref_slice %arg8[%select_n3A_81, %run_scoped3A_327, %dma_wait3A_402] : memref<2x20x50xi32, #tpu.memory_space<vmem>> -> memref<1x1x50xi32, #tpu.memory_space<vmem>>
        %dma_wait3A_404 = tpu.memref_squeeze %dma_wait3A_403 : memref<1x1x50xi32, #tpu.memory_space<vmem>> -> memref<50xi32, #tpu.memory_space<vmem>>
        %dma_wait3A_405 = arith.constant 0 : i32
        %dma_wait3A_406 = arith.constant 0 : i32
        %dma_wait3A_407 = tpu.memref_slice %arg14[%dma_wait3A_405, %dma_wait3A_406] : memref<10240x128xf32, #tpu.memory_space<vmem_shared>> -> memref<10240x128xf32, #tpu.memory_space<vmem_shared>>
        tpu.wait_indirect_dma semaphore(%run_scoped3A_395 : memref<!tpu.dma_semaphore, #tpu.memory_space<semaphore_mem>>) src(%arg9 : memref<50x128xf32, #tpu.memory_space<vmem>>) dst(%dma_wait3A_407 : memref<10240x128xf32, #tpu.memory_space<vmem_shared>>)
        tpu.yield
      }) : () -> ()
      %add3A_328 = arith.constant 1 : i32
      %add3A_329 = arith.addi %scan3A_69, %add3A_328 : i32
      %lt3A_330 = arith.constant 10 : i32
      %lt3A_331 = arith.cmpi slt, %add3A_329, %lt3A_330 : i32
      %convert_element_type3A_332 = arith.extui %lt3A_331 : i1 to i32
      %cond3A_333 = arith.constant 0 : i32
      %cond3A_334 = arith.cmpi ne, %convert_element_type3A_332, %cond3A_333 : i32
      scf.if %cond3A_334 {
        %add3A_395 = arith.constant 1 : i32
        %add3A_396 = arith.addi %scan3A_69, %add3A_395 : i32
        %sub3A = arith.constant 1 : i32
        %sub3A_397 = arith.subi %sub3A, %select_n3A_81 : i32
        %dma_wait3A_398 = arith.constant 0 : i32
        %dma_wait3A_399 = arith.constant 0 : i32
        %dma_wait3A_400 = tpu.memref_slice %arg7[%sub3A_397, %dma_wait3A_398, %dma_wait3A_399] : memref<2x20x50xi32, #tpu.memory_space<vmem>> -> memref<1x20x50xi32, #tpu.memory_space<vmem>>
        %dma_wait3A_401 = tpu.memref_squeeze %dma_wait3A_400 : memref<1x20x50xi32, #tpu.memory_space<vmem>> -> memref<20x50xi32, #tpu.memory_space<vmem>>
        %dma_wait3A_402 = arith.constant 0 : i32
        %dma_wait3A_403 = arith.constant 0 : i32
        %dma_wait3A_404 = tpu.memref_slice %arg3[%add3A, %add3A_396, %dma_wait3A_402, %dma_wait3A_403] : memref<32x10x20x50xi32, #tpu.memory_space<hbm>> -> memref<1x1x20x50xi32, #tpu.memory_space<hbm>>
        %dma_wait3A_405 = tpu.memref_squeeze %dma_wait3A_404 : memref<1x1x20x50xi32, #tpu.memory_space<hbm>> -> memref<20x50xi32, #tpu.memory_space<hbm>>
        %dma_wait3A_406 = arith.constant 0 : i32
        %dma_wait3A_407 = arith.constant 0 : i32
        %dma_wait3A_408 = tpu.memref_slice %arg7[%sub3A_397, %dma_wait3A_406, %dma_wait3A_407] : memref<2x20x50xi32, #tpu.memory_space<vmem>> -> memref<1x20x50xi32, #tpu.memory_space<vmem>>
        %dma_wait3A_409 = tpu.memref_squeeze %dma_wait3A_408 : memref<1x20x50xi32, #tpu.memory_space<vmem>> -> memref<20x50xi32, #tpu.memory_space<vmem>>
        %dma_wait3A_410 = arith.constant 0 : i32
        %dma_wait3A_411 = arith.constant 0 : i32
        %dma_wait3A_412 = tpu.memref_slice %arg3[%add3A, %add3A_396, %dma_wait3A_410, %dma_wait3A_411] : memref<32x10x20x50xi32, #tpu.memory_space<hbm>> -> memref<1x1x20x50xi32, #tpu.memory_space<hbm>>
        %dma_wait3A_413 = tpu.memref_squeeze %dma_wait3A_412 : memref<1x1x20x50xi32, #tpu.memory_space<hbm>> -> memref<20x50xi32, #tpu.memory_space<hbm>>
        tpu.wait_dma2 semaphore(%arg20 : memref<!tpu.dma_semaphore, #tpu.memory_space<semaphore_mem>>) src(%dma_wait3A_413 : memref<20x50xi32, #tpu.memory_space<hbm>>) dst(%dma_wait3A_409 : memref<20x50xi32, #tpu.memory_space<vmem>>)
        %add3A_414 = arith.constant 1 : i32
        %add3A_415 = arith.addi %scan3A_69, %add3A_414 : i32
        %sub3A_416 = arith.constant 1 : i32
        %sub3A_417 = arith.subi %sub3A_416, %select_n3A_81 : i32
        %dma_wait3A_418 = arith.constant 0 : i32
        %dma_wait3A_419 = arith.constant 0 : i32
        %dma_wait3A_420 = tpu.memref_slice %arg8[%sub3A_417, %dma_wait3A_418, %dma_wait3A_419] : memref<2x20x50xi32, #tpu.memory_space<vmem>> -> memref<1x20x50xi32, #tpu.memory_space<vmem>>
        %dma_wait3A_421 = tpu.memref_squeeze %dma_wait3A_420 : memref<1x20x50xi32, #tpu.memory_space<vmem>> -> memref<20x50xi32, #tpu.memory_space<vmem>>
        %dma_wait3A_422 = arith.constant 0 : i32
        %dma_wait3A_423 = arith.constant 0 : i32
        %dma_wait3A_424 = tpu.memref_slice %arg4[%add3A, %add3A_415, %dma_wait3A_422, %dma_wait3A_423] : memref<32x10x20x50xi32, #tpu.memory_space<hbm>> -> memref<1x1x20x50xi32, #tpu.memory_space<hbm>>
        %dma_wait3A_425 = tpu.memref_squeeze %dma_wait3A_424 : memref<1x1x20x50xi32, #tpu.memory_space<hbm>> -> memref<20x50xi32, #tpu.memory_space<hbm>>
        %dma_wait3A_426 = arith.constant 0 : i32
        %dma_wait3A_427 = arith.constant 0 : i32
        %dma_wait3A_428 = tpu.memref_slice %arg8[%sub3A_417, %dma_wait3A_426, %dma_wait3A_427] : memref<2x20x50xi32, #tpu.memory_space<vmem>> -> memref<1x20x50xi32, #tpu.memory_space<vmem>>
        %dma_wait3A_429 = tpu.memref_squeeze %dma_wait3A_428 : memref<1x20x50xi32, #tpu.memory_space<vmem>> -> memref<20x50xi32, #tpu.memory_space<vmem>>
        %dma_wait3A_430 = arith.constant 0 : i32
        %dma_wait3A_431 = arith.constant 0 : i32
        %dma_wait3A_432 = tpu.memref_slice %arg4[%add3A, %add3A_415, %dma_wait3A_430, %dma_wait3A_431] : memref<32x10x20x50xi32, #tpu.memory_space<hbm>> -> memref<1x1x20x50xi32, #tpu.memory_space<hbm>>
        %dma_wait3A_433 = tpu.memref_squeeze %dma_wait3A_432 : memref<1x1x20x50xi32, #tpu.memory_space<hbm>> -> memref<20x50xi32, #tpu.memory_space<hbm>>
        tpu.wait_dma2 semaphore(%arg20 : memref<!tpu.dma_semaphore, #tpu.memory_space<semaphore_mem>>) src(%dma_wait3A_433 : memref<20x50xi32, #tpu.memory_space<hbm>>) dst(%dma_wait3A_429 : memref<20x50xi32, #tpu.memory_space<vmem>>)
      } else {
      }
      %add3A_335 = arith.constant 1 : i32
      %add3A_336 = arith.addi %scan3A_69, %add3A_335 : i32
      %lt3A_337 = arith.constant 10 : i32
      %lt3A_338 = arith.cmpi slt, %add3A_336, %lt3A_337 : i32
      %convert_element_type3A_339 = arith.extui %lt3A_338 : i1 to i32
      %cond3A_340 = arith.constant 0 : i32
      %cond3A_341 = arith.cmpi ne, %convert_element_type3A_339, %cond3A_340 : i32
      scf.if %cond3A_341 {
        %sub3A = arith.constant 1 : i32
        %sub3A_395 = arith.subi %sub3A, %select_n3A_81 : i32
        %dma_start3A_396 = arith.constant 0 : i32
        %dma_start3A_397 = arith.constant 0 : i32
        %dma_start3A_398 = tpu.memref_slice %arg7[%sub3A_395, %dma_start3A_396, %dma_start3A_397] : memref<2x20x50xi32, #tpu.memory_space<vmem>> -> memref<1x1x50xi32, #tpu.memory_space<vmem>>
        %dma_start3A_399 = tpu.memref_squeeze %dma_start3A_398 : memref<1x1x50xi32, #tpu.memory_space<vmem>> -> memref<50xi32, #tpu.memory_space<vmem>>
        %dma_start3A_400 = arith.constant 0 : i32
        %dma_start3A_401 = arith.constant 0 : i32
        %dma_start3A_402 = tpu.memref_slice %arg2[%dma_start3A_400, %dma_start3A_401] : memref<10000x128xf32, #tpu.memory_space<hbm>> -> memref<10000x128xf32, #tpu.memory_space<hbm>>
        tpu.enqueue_indirect_dma source(%dma_start3A_402 : memref<10000x128xf32, #tpu.memory_space<hbm>>) target(%arg9 : memref<50x128xf32, #tpu.memory_space<vmem>>) offsets(%dma_start3A_399 : memref<50xi32, #tpu.memory_space<vmem>>) semaphore(%arg15 : memref<!tpu.dma_semaphore, #tpu.memory_space<semaphore_mem>>)
      } else {
      }
      %dma_wait3A_342 = arith.constant 16 : i32
      %dma_wait3A_343 = arith.constant 0 : i32
      %dma_wait3A_344 = tpu.memref_slice %arg7[%select_n3A_81, %dma_wait3A_342, %dma_wait3A_343] : memref<2x20x50xi32, #tpu.memory_space<vmem>> -> memref<1x1x50xi32, #tpu.memory_space<vmem>>
      %dma_wait3A_345 = tpu.memref_squeeze %dma_wait3A_344 : memref<1x1x50xi32, #tpu.memory_space<vmem>> -> memref<50xi32, #tpu.memory_space<vmem>>
      %dma_wait3A_346 = arith.constant 0 : i32
      %dma_wait3A_347 = arith.constant 0 : i32
      %dma_wait3A_348 = tpu.memref_slice %arg2[%dma_wait3A_346, %dma_wait3A_347] : memref<10000x128xf32, #tpu.memory_space<hbm>> -> memref<10000x128xf32, #tpu.memory_space<hbm>>
      tpu.wait_indirect_dma semaphore(%arg16 : memref<!tpu.dma_semaphore, #tpu.memory_space<semaphore_mem>>) src(%dma_wait3A_348 : memref<10000x128xf32, #tpu.memory_space<hbm>>) dst(%arg10 : memref<50x128xf32, #tpu.memory_space<vmem>>)
      %run_scoped3A_349 = arith.constant 16 : i32
      "tpu.region"() ({
        %run_scoped3A_395 = tpu.sem_alloc : memref<!tpu.dma_semaphore, #tpu.memory_space<semaphore_mem>>
        %dma_start3A_396 = arith.constant 0 : i32
        %dma_start3A_397 = tpu.memref_slice %arg8[%select_n3A_81, %run_scoped3A_349, %dma_start3A_396] : memref<2x20x50xi32, #tpu.memory_space<vmem>> -> memref<1x1x50xi32, #tpu.memory_space<vmem>>
        %dma_start3A_398 = tpu.memref_squeeze %dma_start3A_397 : memref<1x1x50xi32, #tpu.memory_space<vmem>> -> memref<50xi32, #tpu.memory_space<vmem>>
        %dma_start3A_399 = arith.constant 0 : i32
        %dma_start3A_400 = arith.constant 0 : i32
        %dma_start3A_401 = tpu.memref_slice %arg14[%dma_start3A_399, %dma_start3A_400] : memref<10240x128xf32, #tpu.memory_space<vmem_shared>> -> memref<10240x128xf32, #tpu.memory_space<vmem_shared>>
        tpu.enqueue_indirect_dma source(%arg10 : memref<50x128xf32, #tpu.memory_space<vmem>>) target(%dma_start3A_401 : memref<10240x128xf32, #tpu.memory_space<vmem_shared>>) offsets(%dma_start3A_398 : memref<50xi32, #tpu.memory_space<vmem>>) semaphore(%run_scoped3A_395 : memref<!tpu.dma_semaphore, #tpu.memory_space<semaphore_mem>>) {add = true}
        %dma_wait3A_402 = arith.constant 0 : i32
        %dma_wait3A_403 = tpu.memref_slice %arg8[%select_n3A_81, %run_scoped3A_349, %dma_wait3A_402] : memref<2x20x50xi32, #tpu.memory_space<vmem>> -> memref<1x1x50xi32, #tpu.memory_space<vmem>>
        %dma_wait3A_404 = tpu.memref_squeeze %dma_wait3A_403 : memref<1x1x50xi32, #tpu.memory_space<vmem>> -> memref<50xi32, #tpu.memory_space<vmem>>
        %dma_wait3A_405 = arith.constant 0 : i32
        %dma_wait3A_406 = arith.constant 0 : i32
        %dma_wait3A_407 = tpu.memref_slice %arg14[%dma_wait3A_405, %dma_wait3A_406] : memref<10240x128xf32, #tpu.memory_space<vmem_shared>> -> memref<10240x128xf32, #tpu.memory_space<vmem_shared>>
        tpu.wait_indirect_dma semaphore(%run_scoped3A_395 : memref<!tpu.dma_semaphore, #tpu.memory_space<semaphore_mem>>) src(%arg10 : memref<50x128xf32, #tpu.memory_space<vmem>>) dst(%dma_wait3A_407 : memref<10240x128xf32, #tpu.memory_space<vmem_shared>>)
        tpu.yield
      }) : () -> ()
      %add3A_350 = arith.constant 1 : i32
      %add3A_351 = arith.addi %scan3A_69, %add3A_350 : i32
      %lt3A_352 = arith.constant 10 : i32
      %lt3A_353 = arith.cmpi slt, %add3A_351, %lt3A_352 : i32
      %convert_element_type3A_354 = arith.extui %lt3A_353 : i1 to i32
      %cond3A_355 = arith.constant 0 : i32
      %cond3A_356 = arith.cmpi ne, %convert_element_type3A_354, %cond3A_355 : i32
      scf.if %cond3A_356 {
        %sub3A = arith.constant 1 : i32
        %sub3A_395 = arith.subi %sub3A, %select_n3A_81 : i32
        %dma_start3A_396 = arith.constant 1 : i32
        %dma_start3A_397 = arith.constant 0 : i32
        %dma_start3A_398 = tpu.memref_slice %arg7[%sub3A_395, %dma_start3A_396, %dma_start3A_397] : memref<2x20x50xi32, #tpu.memory_space<vmem>> -> memref<1x1x50xi32, #tpu.memory_space<vmem>>
        %dma_start3A_399 = tpu.memref_squeeze %dma_start3A_398 : memref<1x1x50xi32, #tpu.memory_space<vmem>> -> memref<50xi32, #tpu.memory_space<vmem>>
        %dma_start3A_400 = arith.constant 0 : i32
        %dma_start3A_401 = arith.constant 0 : i32
        %dma_start3A_402 = tpu.memref_slice %arg2[%dma_start3A_400, %dma_start3A_401] : memref<10000x128xf32, #tpu.memory_space<hbm>> -> memref<10000x128xf32, #tpu.memory_space<hbm>>
        tpu.enqueue_indirect_dma source(%dma_start3A_402 : memref<10000x128xf32, #tpu.memory_space<hbm>>) target(%arg10 : memref<50x128xf32, #tpu.memory_space<vmem>>) offsets(%dma_start3A_399 : memref<50xi32, #tpu.memory_space<vmem>>) semaphore(%arg16 : memref<!tpu.dma_semaphore, #tpu.memory_space<semaphore_mem>>)
      } else {
      }
      %dma_wait3A_357 = arith.constant 17 : i32
      %dma_wait3A_358 = arith.constant 0 : i32
      %dma_wait3A_359 = tpu.memref_slice %arg7[%select_n3A_81, %dma_wait3A_357, %dma_wait3A_358] : memref<2x20x50xi32, #tpu.memory_space<vmem>> -> memref<1x1x50xi32, #tpu.memory_space<vmem>>
      %dma_wait3A_360 = tpu.memref_squeeze %dma_wait3A_359 : memref<1x1x50xi32, #tpu.memory_space<vmem>> -> memref<50xi32, #tpu.memory_space<vmem>>
      %dma_wait3A_361 = arith.constant 0 : i32
      %dma_wait3A_362 = arith.constant 0 : i32
      %dma_wait3A_363 = tpu.memref_slice %arg2[%dma_wait3A_361, %dma_wait3A_362] : memref<10000x128xf32, #tpu.memory_space<hbm>> -> memref<10000x128xf32, #tpu.memory_space<hbm>>
      tpu.wait_indirect_dma semaphore(%arg17 : memref<!tpu.dma_semaphore, #tpu.memory_space<semaphore_mem>>) src(%dma_wait3A_363 : memref<10000x128xf32, #tpu.memory_space<hbm>>) dst(%arg11 : memref<50x128xf32, #tpu.memory_space<vmem>>)
      %run_scoped3A_364 = arith.constant 17 : i32
      "tpu.region"() ({
        %run_scoped3A_395 = tpu.sem_alloc : memref<!tpu.dma_semaphore, #tpu.memory_space<semaphore_mem>>
        %dma_start3A_396 = arith.constant 0 : i32
        %dma_start3A_397 = tpu.memref_slice %arg8[%select_n3A_81, %run_scoped3A_364, %dma_start3A_396] : memref<2x20x50xi32, #tpu.memory_space<vmem>> -> memref<1x1x50xi32, #tpu.memory_space<vmem>>
        %dma_start3A_398 = tpu.memref_squeeze %dma_start3A_397 : memref<1x1x50xi32, #tpu.memory_space<vmem>> -> memref<50xi32, #tpu.memory_space<vmem>>
        %dma_start3A_399 = arith.constant 0 : i32
        %dma_start3A_400 = arith.constant 0 : i32
        %dma_start3A_401 = tpu.memref_slice %arg14[%dma_start3A_399, %dma_start3A_400] : memref<10240x128xf32, #tpu.memory_space<vmem_shared>> -> memref<10240x128xf32, #tpu.memory_space<vmem_shared>>
        tpu.enqueue_indirect_dma source(%arg11 : memref<50x128xf32, #tpu.memory_space<vmem>>) target(%dma_start3A_401 : memref<10240x128xf32, #tpu.memory_space<vmem_shared>>) offsets(%dma_start3A_398 : memref<50xi32, #tpu.memory_space<vmem>>) semaphore(%run_scoped3A_395 : memref<!tpu.dma_semaphore, #tpu.memory_space<semaphore_mem>>) {add = true}
        %dma_wait3A_402 = arith.constant 0 : i32
        %dma_wait3A_403 = tpu.memref_slice %arg8[%select_n3A_81, %run_scoped3A_364, %dma_wait3A_402] : memref<2x20x50xi32, #tpu.memory_space<vmem>> -> memref<1x1x50xi32, #tpu.memory_space<vmem>>
        %dma_wait3A_404 = tpu.memref_squeeze %dma_wait3A_403 : memref<1x1x50xi32, #tpu.memory_space<vmem>> -> memref<50xi32, #tpu.memory_space<vmem>>
        %dma_wait3A_405 = arith.constant 0 : i32
        %dma_wait3A_406 = arith.constant 0 : i32
        %dma_wait3A_407 = tpu.memref_slice %arg14[%dma_wait3A_405, %dma_wait3A_406] : memref<10240x128xf32, #tpu.memory_space<vmem_shared>> -> memref<10240x128xf32, #tpu.memory_space<vmem_shared>>
        tpu.wait_indirect_dma semaphore(%run_scoped3A_395 : memref<!tpu.dma_semaphore, #tpu.memory_space<semaphore_mem>>) src(%arg11 : memref<50x128xf32, #tpu.memory_space<vmem>>) dst(%dma_wait3A_407 : memref<10240x128xf32, #tpu.memory_space<vmem_shared>>)
        tpu.yield
      }) : () -> ()
      %add3A_365 = arith.constant 1 : i32
      %add3A_366 = arith.addi %scan3A_69, %add3A_365 : i32
      %lt3A_367 = arith.constant 10 : i32
      %lt3A_368 = arith.cmpi slt, %add3A_366, %lt3A_367 : i32
      %convert_element_type3A_369 = arith.extui %lt3A_368 : i1 to i32
      %cond3A_370 = arith.constant 0 : i32
      %cond3A_371 = arith.cmpi ne, %convert_element_type3A_369, %cond3A_370 : i32
      scf.if %cond3A_371 {
        %sub3A = arith.constant 1 : i32
        %sub3A_395 = arith.subi %sub3A, %select_n3A_81 : i32
        %dma_start3A_396 = arith.constant 2 : i32
        %dma_start3A_397 = arith.constant 0 : i32
        %dma_start3A_398 = tpu.memref_slice %arg7[%sub3A_395, %dma_start3A_396, %dma_start3A_397] : memref<2x20x50xi32, #tpu.memory_space<vmem>> -> memref<1x1x50xi32, #tpu.memory_space<vmem>>
        %dma_start3A_399 = tpu.memref_squeeze %dma_start3A_398 : memref<1x1x50xi32, #tpu.memory_space<vmem>> -> memref<50xi32, #tpu.memory_space<vmem>>
        %dma_start3A_400 = arith.constant 0 : i32
        %dma_start3A_401 = arith.constant 0 : i32
        %dma_start3A_402 = tpu.memref_slice %arg2[%dma_start3A_400, %dma_start3A_401] : memref<10000x128xf32, #tpu.memory_space<hbm>> -> memref<10000x128xf32, #tpu.memory_space<hbm>>
        tpu.enqueue_indirect_dma source(%dma_start3A_402 : memref<10000x128xf32, #tpu.memory_space<hbm>>) target(%arg11 : memref<50x128xf32, #tpu.memory_space<vmem>>) offsets(%dma_start3A_399 : memref<50xi32, #tpu.memory_space<vmem>>) semaphore(%arg17 : memref<!tpu.dma_semaphore, #tpu.memory_space<semaphore_mem>>)
      } else {
      }
      %dma_wait3A_372 = arith.constant 18 : i32
      %dma_wait3A_373 = arith.constant 0 : i32
      %dma_wait3A_374 = tpu.memref_slice %arg7[%select_n3A_81, %dma_wait3A_372, %dma_wait3A_373] : memref<2x20x50xi32, #tpu.memory_space<vmem>> -> memref<1x1x50xi32, #tpu.memory_space<vmem>>
      %dma_wait3A_375 = tpu.memref_squeeze %dma_wait3A_374 : memref<1x1x50xi32, #tpu.memory_space<vmem>> -> memref<50xi32, #tpu.memory_space<vmem>>
      %dma_wait3A_376 = arith.constant 0 : i32
      %dma_wait3A_377 = arith.constant 0 : i32
      %dma_wait3A_378 = tpu.memref_slice %arg2[%dma_wait3A_376, %dma_wait3A_377] : memref<10000x128xf32, #tpu.memory_space<hbm>> -> memref<10000x128xf32, #tpu.memory_space<hbm>>
      tpu.wait_indirect_dma semaphore(%arg18 : memref<!tpu.dma_semaphore, #tpu.memory_space<semaphore_mem>>) src(%dma_wait3A_378 : memref<10000x128xf32, #tpu.memory_space<hbm>>) dst(%arg12 : memref<50x128xf32, #tpu.memory_space<vmem>>)
      %run_scoped3A_379 = arith.constant 18 : i32
      "tpu.region"() ({
        %run_scoped3A_395 = tpu.sem_alloc : memref<!tpu.dma_semaphore, #tpu.memory_space<semaphore_mem>>
        %dma_start3A_396 = arith.constant 0 : i32
        %dma_start3A_397 = tpu.memref_slice %arg8[%select_n3A_81, %run_scoped3A_379, %dma_start3A_396] : memref<2x20x50xi32, #tpu.memory_space<vmem>> -> memref<1x1x50xi32, #tpu.memory_space<vmem>>
        %dma_start3A_398 = tpu.memref_squeeze %dma_start3A_397 : memref<1x1x50xi32, #tpu.memory_space<vmem>> -> memref<50xi32, #tpu.memory_space<vmem>>
        %dma_start3A_399 = arith.constant 0 : i32
        %dma_start3A_400 = arith.constant 0 : i32
        %dma_start3A_401 = tpu.memref_slice %arg14[%dma_start3A_399, %dma_start3A_400] : memref<10240x128xf32, #tpu.memory_space<vmem_shared>> -> memref<10240x128xf32, #tpu.memory_space<vmem_shared>>
        tpu.enqueue_indirect_dma source(%arg12 : memref<50x128xf32, #tpu.memory_space<vmem>>) target(%dma_start3A_401 : memref<10240x128xf32, #tpu.memory_space<vmem_shared>>) offsets(%dma_start3A_398 : memref<50xi32, #tpu.memory_space<vmem>>) semaphore(%run_scoped3A_395 : memref<!tpu.dma_semaphore, #tpu.memory_space<semaphore_mem>>) {add = true}
        %dma_wait3A_402 = arith.constant 0 : i32
        %dma_wait3A_403 = tpu.memref_slice %arg8[%select_n3A_81, %run_scoped3A_379, %dma_wait3A_402] : memref<2x20x50xi32, #tpu.memory_space<vmem>> -> memref<1x1x50xi32, #tpu.memory_space<vmem>>
        %dma_wait3A_404 = tpu.memref_squeeze %dma_wait3A_403 : memref<1x1x50xi32, #tpu.memory_space<vmem>> -> memref<50xi32, #tpu.memory_space<vmem>>
        %dma_wait3A_405 = arith.constant 0 : i32
        %dma_wait3A_406 = arith.constant 0 : i32
        %dma_wait3A_407 = tpu.memref_slice %arg14[%dma_wait3A_405, %dma_wait3A_406] : memref<10240x128xf32, #tpu.memory_space<vmem_shared>> -> memref<10240x128xf32, #tpu.memory_space<vmem_shared>>
        tpu.wait_indirect_dma semaphore(%run_scoped3A_395 : memref<!tpu.dma_semaphore, #tpu.memory_space<semaphore_mem>>) src(%arg12 : memref<50x128xf32, #tpu.memory_space<vmem>>) dst(%dma_wait3A_407 : memref<10240x128xf32, #tpu.memory_space<vmem_shared>>)
        tpu.yield
      }) : () -> ()
      %add3A_380 = arith.constant 1 : i32
      %add3A_381 = arith.addi %scan3A_69, %add3A_380 : i32
      %lt3A_382 = arith.constant 10 : i32
      %lt3A_383 = arith.cmpi slt, %add3A_381, %lt3A_382 : i32
      %convert_element_type3A_384 = arith.extui %lt3A_383 : i1 to i32
      %cond3A_385 = arith.constant 0 : i32
      %cond3A_386 = arith.cmpi ne, %convert_element_type3A_384, %cond3A_385 : i32
      scf.if %cond3A_386 {
        %sub3A = arith.constant 1 : i32
        %sub3A_395 = arith.subi %sub3A, %select_n3A_81 : i32
        %dma_start3A_396 = arith.constant 3 : i32
        %dma_start3A_397 = arith.constant 0 : i32
        %dma_start3A_398 = tpu.memref_slice %arg7[%sub3A_395, %dma_start3A_396, %dma_start3A_397] : memref<2x20x50xi32, #tpu.memory_space<vmem>> -> memref<1x1x50xi32, #tpu.memory_space<vmem>>
        %dma_start3A_399 = tpu.memref_squeeze %dma_start3A_398 : memref<1x1x50xi32, #tpu.memory_space<vmem>> -> memref<50xi32, #tpu.memory_space<vmem>>
        %dma_start3A_400 = arith.constant 0 : i32
        %dma_start3A_401 = arith.constant 0 : i32
        %dma_start3A_402 = tpu.memref_slice %arg2[%dma_start3A_400, %dma_start3A_401] : memref<10000x128xf32, #tpu.memory_space<hbm>> -> memref<10000x128xf32, #tpu.memory_space<hbm>>
        tpu.enqueue_indirect_dma source(%dma_start3A_402 : memref<10000x128xf32, #tpu.memory_space<hbm>>) target(%arg12 : memref<50x128xf32, #tpu.memory_space<vmem>>) offsets(%dma_start3A_399 : memref<50xi32, #tpu.memory_space<vmem>>) semaphore(%arg18 : memref<!tpu.dma_semaphore, #tpu.memory_space<semaphore_mem>>)
      } else {
      }
      %dma_wait3A_387 = arith.constant 19 : i32
      %dma_wait3A_388 = arith.constant 0 : i32
      %dma_wait3A_389 = tpu.memref_slice %arg7[%select_n3A_81, %dma_wait3A_387, %dma_wait3A_388] : memref<2x20x50xi32, #tpu.memory_space<vmem>> -> memref<1x1x50xi32, #tpu.memory_space<vmem>>
      %dma_wait3A_390 = tpu.memref_squeeze %dma_wait3A_389 : memref<1x1x50xi32, #tpu.memory_space<vmem>> -> memref<50xi32, #tpu.memory_space<vmem>>
      %dma_wait3A_391 = arith.constant 0 : i32
      %dma_wait3A_392 = arith.constant 0 : i32
      %dma_wait3A_393 = tpu.memref_slice %arg2[%dma_wait3A_391, %dma_wait3A_392] : memref<10000x128xf32, #tpu.memory_space<hbm>> -> memref<10000x128xf32, #tpu.memory_space<hbm>>
      tpu.wait_indirect_dma semaphore(%arg19 : memref<!tpu.dma_semaphore, #tpu.memory_space<semaphore_mem>>) src(%dma_wait3A_393 : memref<10000x128xf32, #tpu.memory_space<hbm>>) dst(%arg13 : memref<50x128xf32, #tpu.memory_space<vmem>>)
      %run_scoped3A_394 = arith.constant 19 : i32
      "tpu.region"() ({
        %run_scoped3A_395 = tpu.sem_alloc : memref<!tpu.dma_semaphore, #tpu.memory_space<semaphore_mem>>
        %dma_start3A_396 = arith.constant 0 : i32
        %dma_start3A_397 = tpu.memref_slice %arg8[%select_n3A_81, %run_scoped3A_394, %dma_start3A_396] : memref<2x20x50xi32, #tpu.memory_space<vmem>> -> memref<1x1x50xi32, #tpu.memory_space<vmem>>
        %dma_start3A_398 = tpu.memref_squeeze %dma_start3A_397 : memref<1x1x50xi32, #tpu.memory_space<vmem>> -> memref<50xi32, #tpu.memory_space<vmem>>
        %dma_start3A_399 = arith.constant 0 : i32
        %dma_start3A_400 = arith.constant 0 : i32
        %dma_start3A_401 = tpu.memref_slice %arg14[%dma_start3A_399, %dma_start3A_400] : memref<10240x128xf32, #tpu.memory_space<vmem_shared>> -> memref<10240x128xf32, #tpu.memory_space<vmem_shared>>
        tpu.enqueue_indirect_dma source(%arg13 : memref<50x128xf32, #tpu.memory_space<vmem>>) target(%dma_start3A_401 : memref<10240x128xf32, #tpu.memory_space<vmem_shared>>) offsets(%dma_start3A_398 : memref<50xi32, #tpu.memory_space<vmem>>) semaphore(%run_scoped3A_395 : memref<!tpu.dma_semaphore, #tpu.memory_space<semaphore_mem>>) {add = true}
        %dma_wait3A_402 = arith.constant 0 : i32
        %dma_wait3A_403 = tpu.memref_slice %arg8[%select_n3A_81, %run_scoped3A_394, %dma_wait3A_402] : memref<2x20x50xi32, #tpu.memory_space<vmem>> -> memref<1x1x50xi32, #tpu.memory_space<vmem>>
        %dma_wait3A_404 = tpu.memref_squeeze %dma_wait3A_403 : memref<1x1x50xi32, #tpu.memory_space<vmem>> -> memref<50xi32, #tpu.memory_space<vmem>>
        %dma_wait3A_405 = arith.constant 0 : i32
        %dma_wait3A_406 = arith.constant 0 : i32
        %dma_wait3A_407 = tpu.memref_slice %arg14[%dma_wait3A_405, %dma_wait3A_406] : memref<10240x128xf32, #tpu.memory_space<vmem_shared>> -> memref<10240x128xf32, #tpu.memory_space<vmem_shared>>
        tpu.wait_indirect_dma semaphore(%run_scoped3A_395 : memref<!tpu.dma_semaphore, #tpu.memory_space<semaphore_mem>>) src(%arg13 : memref<50x128xf32, #tpu.memory_space<vmem>>) dst(%dma_wait3A_407 : memref<10240x128xf32, #tpu.memory_space<vmem_shared>>)
        tpu.yield
      }) : () -> ()
    }
    %scan3A_57 = arith.constant 10 : i32
    %barrier3A_58 = arith.constant 0 : index
    tpu.barrier barrier_id(%barrier3A_58)
    %lt3A_59 = arith.constant 15 : i32
    %lt3A_60 = arith.cmpi slt, %arg1, %lt3A_59 : i32
    %convert_element_type3A_61 = arith.extui %lt3A_60 : i1 to i32
    %cond3A_62 = arith.constant 0 : i32
    %cond3A_63 = arith.cmpi ne, %convert_element_type3A_61, %cond3A_62 : i32
    scf.if %cond3A_63 {
      "tpu.region"() ({
        %run_scoped3A_69 = tpu.sem_alloc : memref<!tpu.dma_semaphore, #tpu.memory_space<semaphore_mem>>
        %dma_start3A_70 = arith.constant 0 : i32
        %dma_start3A_71 = tpu.memref_slice %arg6[%arg0, %mul3A_2, %dma_start3A_70] : memref<2x10000x128xf32, #tpu.memory_space<hbm>> -> memref<1x640x128xf32, #tpu.memory_space<hbm>>
        %dma_start3A_72 = tpu.memref_squeeze %dma_start3A_71 : memref<1x640x128xf32, #tpu.memory_space<hbm>> -> memref<640x128xf32, #tpu.memory_space<hbm>>
        %dma_start3A_73 = arith.constant 0 : i32
        %dma_start3A_74 = tpu.memref_slice %arg14[%mul3A_2, %dma_start3A_73] : memref<10240x128xf32, #tpu.memory_space<vmem_shared>> -> memref<640x128xf32, #tpu.memory_space<vmem_shared>>
        tpu.enqueue_dma source(%dma_start3A_74 : memref<640x128xf32, #tpu.memory_space<vmem_shared>>) target(%dma_start3A_72 : memref<640x128xf32, #tpu.memory_space<hbm>>) target_semaphore(%run_scoped3A_69 : memref<!tpu.dma_semaphore, #tpu.memory_space<semaphore_mem>>)
        %dma_wait3A = arith.constant 0 : i32
        %dma_wait3A_75 = tpu.memref_slice %arg6[%arg0, %mul3A_2, %dma_wait3A] : memref<2x10000x128xf32, #tpu.memory_space<hbm>> -> memref<1x640x128xf32, #tpu.memory_space<hbm>>
        %dma_wait3A_76 = tpu.memref_squeeze %dma_wait3A_75 : memref<1x640x128xf32, #tpu.memory_space<hbm>> -> memref<640x128xf32, #tpu.memory_space<hbm>>
        %dma_wait3A_77 = arith.constant 0 : i32
        %dma_wait3A_78 = tpu.memref_slice %arg14[%mul3A_2, %dma_wait3A_77] : memref<10240x128xf32, #tpu.memory_space<vmem_shared>> -> memref<640x128xf32, #tpu.memory_space<vmem_shared>>
        tpu.wait_dma2 semaphore(%run_scoped3A_69 : memref<!tpu.dma_semaphore, #tpu.memory_space<semaphore_mem>>) src(%dma_wait3A_78 : memref<640x128xf32, #tpu.memory_space<vmem_shared>>) dst(%dma_wait3A_76 : memref<640x128xf32, #tpu.memory_space<hbm>>)
        tpu.yield
      }) : () -> ()
    } else {
    }
    %eq3A_64 = arith.constant 15 : i32
    %eq3A_65 = arith.cmpi eq, %arg1, %eq3A_64 : i32
    %convert_element_type3A_66 = arith.extui %eq3A_65 : i1 to i32
    %cond3A_67 = arith.constant 0 : i32
    %cond3A_68 = arith.cmpi ne, %convert_element_type3A_66, %cond3A_67 : i32
    scf.if %cond3A_68 {
      "tpu.region"() ({
        %run_scoped3A_69 = tpu.sem_alloc : memref<!tpu.dma_semaphore, #tpu.memory_space<semaphore_mem>>
        %dma_start3A_70 = arith.constant 0 : i32
        %dma_start3A_71 = tpu.memref_slice %arg6[%arg0, %mul3A_2, %dma_start3A_70] : memref<2x10000x128xf32, #tpu.memory_space<hbm>> -> memref<1x400x128xf32, #tpu.memory_space<hbm>>
        %dma_start3A_72 = tpu.memref_squeeze %dma_start3A_71 : memref<1x400x128xf32, #tpu.memory_space<hbm>> -> memref<400x128xf32, #tpu.memory_space<hbm>>
        %dma_start3A_73 = arith.constant 0 : i32
        %dma_start3A_74 = tpu.memref_slice %arg14[%mul3A_2, %dma_start3A_73] : memref<10240x128xf32, #tpu.memory_space<vmem_shared>> -> memref<400x128xf32, #tpu.memory_space<vmem_shared>>
        tpu.enqueue_dma source(%dma_start3A_74 : memref<400x128xf32, #tpu.memory_space<vmem_shared>>) target(%dma_start3A_72 : memref<400x128xf32, #tpu.memory_space<hbm>>) target_semaphore(%run_scoped3A_69 : memref<!tpu.dma_semaphore, #tpu.memory_space<semaphore_mem>>)
        %dma_wait3A = arith.constant 0 : i32
        %dma_wait3A_75 = tpu.memref_slice %arg6[%arg0, %mul3A_2, %dma_wait3A] : memref<2x10000x128xf32, #tpu.memory_space<hbm>> -> memref<1x400x128xf32, #tpu.memory_space<hbm>>
        %dma_wait3A_76 = tpu.memref_squeeze %dma_wait3A_75 : memref<1x400x128xf32, #tpu.memory_space<hbm>> -> memref<400x128xf32, #tpu.memory_space<hbm>>
        %dma_wait3A_77 = arith.constant 0 : i32
        %dma_wait3A_78 = tpu.memref_slice %arg14[%mul3A_2, %dma_wait3A_77] : memref<10240x128xf32, #tpu.memory_space<vmem_shared>> -> memref<400x128xf32, #tpu.memory_space<vmem_shared>>
        tpu.wait_dma2 semaphore(%run_scoped3A_69 : memref<!tpu.dma_semaphore, #tpu.memory_space<semaphore_mem>>) src(%dma_wait3A_78 : memref<400x128xf32, #tpu.memory_space<vmem_shared>>) dst(%dma_wait3A_76 : memref<400x128xf32, #tpu.memory_space<hbm>>)
        tpu.yield
      }) : () -> ()
    } else {
    }
    return
  }
}

#map = affine_map<(d0, d1) -> (0, 0, 0)>
#map1 = affine_map<(d0, d1) -> (0)>
#map2 = affine_map<(d0, d1) -> (0, 0)>
module attributes {stable_mosaic.version = 14 : i64} {
  func.func @deg_kernel(%arg0: i32, %arg1: i32, %arg2: memref<32x80x125xi32, #tpu.memory_space<hbm>>, %arg3: memref<10240xf32, #tpu.memory_space<hbm>>, %arg4: memref<2x10240xf32, #tpu.memory_space<hbm>>, %arg5: memref<80x125xi32, #tpu.memory_space<vmem>>, %arg6: memref<128xf32, #tpu.memory_space<vmem>>, %arg7: memref<10240xf32, #tpu.memory_space<vmem_shared>>, %arg8: memref<!tpu.dma_semaphore, #tpu.memory_space<semaphore_mem>>) attributes {dimension_semantics = [#tpu.dimension_semantics<core_parallel>, #tpu.dimension_semantics<subcore_parallel>], iteration_bounds = array<i64: 2, 16>, scalar_prefetch = 0 : i64, scratch_operands = 4 : i64, tpu.core_type = #tpu.core_type<sc_vector_subcore>, window_params = [{transform_indices = #map}, {transform_indices = #map1}, {transform_indices = #map2}]} {
    %mul3A = arith.constant 2 : i32
    %mul3A_0 = arith.muli %arg1, %mul3A : i32
    %add3A = arith.addi %mul3A_0, %arg0 : i32
    %mul3A_1 = arith.constant 640 : i32
    %mul3A_2 = arith.muli %arg1, %mul3A_1 : i32
    %mul3A_3 = arith.constant 640 : i32
    %mul3A_4 = arith.muli %arg1, %mul3A_3 : i32
    "tpu.region"() ({
      %run_scoped3A = tpu.sem_alloc : memref<!tpu.dma_semaphore, #tpu.memory_space<semaphore_mem>>
      %dma_start3A = tpu.memref_slice %arg7[%mul3A_4] : memref<10240xf32, #tpu.memory_space<vmem_shared>> -> memref<640xf32, #tpu.memory_space<vmem_shared>>
      %dma_start3A_47 = tpu.memref_slice %arg3[%mul3A_2] : memref<10240xf32, #tpu.memory_space<hbm>> -> memref<640xf32, #tpu.memory_space<hbm>>
      tpu.enqueue_dma source(%dma_start3A_47 : memref<640xf32, #tpu.memory_space<hbm>>) target(%dma_start3A : memref<640xf32, #tpu.memory_space<vmem_shared>>) target_semaphore(%run_scoped3A : memref<!tpu.dma_semaphore, #tpu.memory_space<semaphore_mem>>)
      %dma_wait3A = tpu.memref_slice %arg7[%mul3A_4] : memref<10240xf32, #tpu.memory_space<vmem_shared>> -> memref<640xf32, #tpu.memory_space<vmem_shared>>
      %dma_wait3A_48 = tpu.memref_slice %arg3[%mul3A_2] : memref<10240xf32, #tpu.memory_space<hbm>> -> memref<640xf32, #tpu.memory_space<hbm>>
      tpu.wait_dma2 semaphore(%run_scoped3A : memref<!tpu.dma_semaphore, #tpu.memory_space<semaphore_mem>>) src(%dma_wait3A_48 : memref<640xf32, #tpu.memory_space<hbm>>) dst(%dma_wait3A : memref<640xf32, #tpu.memory_space<vmem_shared>>)
      tpu.yield
    }) : () -> ()
    "tpu.region"() ({
      %run_scoped3A = tpu.sem_alloc : memref<!tpu.dma_semaphore, #tpu.memory_space<semaphore_mem>>
      %dma_start3A = arith.constant 0 : i32
      %dma_start3A_47 = arith.constant 0 : i32
      %dma_start3A_48 = tpu.memref_slice %arg2[%add3A, %dma_start3A, %dma_start3A_47] : memref<32x80x125xi32, #tpu.memory_space<hbm>> -> memref<1x80x125xi32, #tpu.memory_space<hbm>>
      %dma_start3A_49 = tpu.memref_squeeze %dma_start3A_48 : memref<1x80x125xi32, #tpu.memory_space<hbm>> -> memref<80x125xi32, #tpu.memory_space<hbm>>
      %dma_start3A_50 = arith.constant 0 : i32
      %dma_start3A_51 = arith.constant 0 : i32
      %dma_start3A_52 = tpu.memref_slice %arg2[%add3A, %dma_start3A_50, %dma_start3A_51] : memref<32x80x125xi32, #tpu.memory_space<hbm>> -> memref<1x80x125xi32, #tpu.memory_space<hbm>>
      %dma_start3A_53 = tpu.memref_squeeze %dma_start3A_52 : memref<1x80x125xi32, #tpu.memory_space<hbm>> -> memref<80x125xi32, #tpu.memory_space<hbm>>
      tpu.enqueue_dma source(%dma_start3A_53 : memref<80x125xi32, #tpu.memory_space<hbm>>) target(%arg5 : memref<80x125xi32, #tpu.memory_space<vmem>>) target_semaphore(%run_scoped3A : memref<!tpu.dma_semaphore, #tpu.memory_space<semaphore_mem>>)
      %dma_wait3A = arith.constant 0 : i32
      %dma_wait3A_54 = arith.constant 0 : i32
      %dma_wait3A_55 = tpu.memref_slice %arg2[%add3A, %dma_wait3A, %dma_wait3A_54] : memref<32x80x125xi32, #tpu.memory_space<hbm>> -> memref<1x80x125xi32, #tpu.memory_space<hbm>>
      %dma_wait3A_56 = tpu.memref_squeeze %dma_wait3A_55 : memref<1x80x125xi32, #tpu.memory_space<hbm>> -> memref<80x125xi32, #tpu.memory_space<hbm>>
      %dma_wait3A_57 = arith.constant 0 : i32
      %dma_wait3A_58 = arith.constant 0 : i32
      %dma_wait3A_59 = tpu.memref_slice %arg2[%add3A, %dma_wait3A_57, %dma_wait3A_58] : memref<32x80x125xi32, #tpu.memory_space<hbm>> -> memref<1x80x125xi32, #tpu.memory_space<hbm>>
      %dma_wait3A_60 = tpu.memref_squeeze %dma_wait3A_59 : memref<1x80x125xi32, #tpu.memory_space<hbm>> -> memref<80x125xi32, #tpu.memory_space<hbm>>
      tpu.wait_dma2 semaphore(%run_scoped3A : memref<!tpu.dma_semaphore, #tpu.memory_space<semaphore_mem>>) src(%dma_wait3A_60 : memref<80x125xi32, #tpu.memory_space<hbm>>) dst(%arg5 : memref<80x125xi32, #tpu.memory_space<vmem>>)
      tpu.yield
    }) : () -> ()
    %broadcast_in_dim3A = arith.constant 1.000000e+00 : f32
    %broadcast_in_dim3A_5 = vector.broadcast %broadcast_in_dim3A : f32 to vector<16xf32>
    %swap3A = arith.constant 0 : index
    %swap3A_6 = tpu.vector_load %arg6[%swap3A] {strides = array<i32>} : memref<128xf32, #tpu.memory_space<vmem>>, vector<16xf32>,
    %swap3A_7 = vector.shape_cast %swap3A_6 : vector<16xf32> to vector<16xf32>
    %swap3A_8 = vector.shape_cast %broadcast_in_dim3A_5 : vector<16xf32> to vector<16xf32>
    tpu.vector_store %arg6[%swap3A], %swap3A_8 {strides = array<i32>} : memref<128xf32, #tpu.memory_space<vmem>>, vector<16xf32>,
    %swap3A_9 = arith.constant 16 : index
    %swap3A_10 = tpu.vector_load %arg6[%swap3A_9] {strides = array<i32>} : memref<128xf32, #tpu.memory_space<vmem>>, vector<16xf32>,
    %swap3A_11 = vector.shape_cast %swap3A_10 : vector<16xf32> to vector<16xf32>
    %swap3A_12 = vector.shape_cast %broadcast_in_dim3A_5 : vector<16xf32> to vector<16xf32>
    tpu.vector_store %arg6[%swap3A_9], %swap3A_12 {strides = array<i32>} : memref<128xf32, #tpu.memory_space<vmem>>, vector<16xf32>,
    %swap3A_13 = arith.constant 32 : index
    %swap3A_14 = tpu.vector_load %arg6[%swap3A_13] {strides = array<i32>} : memref<128xf32, #tpu.memory_space<vmem>>, vector<16xf32>,
    %swap3A_15 = vector.shape_cast %swap3A_14 : vector<16xf32> to vector<16xf32>
    %swap3A_16 = vector.shape_cast %broadcast_in_dim3A_5 : vector<16xf32> to vector<16xf32>
    tpu.vector_store %arg6[%swap3A_13], %swap3A_16 {strides = array<i32>} : memref<128xf32, #tpu.memory_space<vmem>>, vector<16xf32>,
    %swap3A_17 = arith.constant 48 : index
    %swap3A_18 = tpu.vector_load %arg6[%swap3A_17] {strides = array<i32>} : memref<128xf32, #tpu.memory_space<vmem>>, vector<16xf32>,
    %swap3A_19 = vector.shape_cast %swap3A_18 : vector<16xf32> to vector<16xf32>
    %swap3A_20 = vector.shape_cast %broadcast_in_dim3A_5 : vector<16xf32> to vector<16xf32>
    tpu.vector_store %arg6[%swap3A_17], %swap3A_20 {strides = array<i32>} : memref<128xf32, #tpu.memory_space<vmem>>, vector<16xf32>,
    %swap3A_21 = arith.constant 64 : index
    %swap3A_22 = tpu.vector_load %arg6[%swap3A_21] {strides = array<i32>} : memref<128xf32, #tpu.memory_space<vmem>>, vector<16xf32>,
    %swap3A_23 = vector.shape_cast %swap3A_22 : vector<16xf32> to vector<16xf32>
    %swap3A_24 = vector.shape_cast %broadcast_in_dim3A_5 : vector<16xf32> to vector<16xf32>
    tpu.vector_store %arg6[%swap3A_21], %swap3A_24 {strides = array<i32>} : memref<128xf32, #tpu.memory_space<vmem>>, vector<16xf32>,
    %swap3A_25 = arith.constant 80 : index
    %swap3A_26 = tpu.vector_load %arg6[%swap3A_25] {strides = array<i32>} : memref<128xf32, #tpu.memory_space<vmem>>, vector<16xf32>,
    %swap3A_27 = vector.shape_cast %swap3A_26 : vector<16xf32> to vector<16xf32>
    %swap3A_28 = vector.shape_cast %broadcast_in_dim3A_5 : vector<16xf32> to vector<16xf32>
    tpu.vector_store %arg6[%swap3A_25], %swap3A_28 {strides = array<i32>} : memref<128xf32, #tpu.memory_space<vmem>>, vector<16xf32>,
    %swap3A_29 = arith.constant 96 : index
    %swap3A_30 = tpu.vector_load %arg6[%swap3A_29] {strides = array<i32>} : memref<128xf32, #tpu.memory_space<vmem>>, vector<16xf32>,
    %swap3A_31 = vector.shape_cast %swap3A_30 : vector<16xf32> to vector<16xf32>
    %swap3A_32 = vector.shape_cast %broadcast_in_dim3A_5 : vector<16xf32> to vector<16xf32>
    tpu.vector_store %arg6[%swap3A_29], %swap3A_32 {strides = array<i32>} : memref<128xf32, #tpu.memory_space<vmem>>, vector<16xf32>,
    %swap3A_33 = arith.constant 112 : index
    %swap3A_34 = tpu.vector_load %arg6[%swap3A_33] {strides = array<i32>} : memref<128xf32, #tpu.memory_space<vmem>>, vector<16xf32>,
    %swap3A_35 = vector.shape_cast %swap3A_34 : vector<16xf32> to vector<16xf32>
    %swap3A_36 = vector.shape_cast %broadcast_in_dim3A_5 : vector<16xf32> to vector<16xf32>
    tpu.vector_store %arg6[%swap3A_33], %swap3A_36 {strides = array<i32>} : memref<128xf32, #tpu.memory_space<vmem>>, vector<16xf32>,
    %barrier3A = arith.constant 0 : index
    tpu.barrier barrier_id(%barrier3A)
    %scan3A = arith.constant 0 : i32
    %scan3A_37 = arith.constant 0 : i32
    %scan3A_38 = arith.constant 4 : i32
    %scan3A_39 = arith.addi %scan3A_37, %scan3A_38 : i32
    %scan3A_40 = arith.constant 1 : i32
    scf.for %scan3A_47 = %scan3A_37 to %scan3A_39 step %scan3A_40  : i32 {
      %mul3A_48 = arith.constant 20 : i32
      %mul3A_49 = arith.muli %scan3A_47, %mul3A_48 : i32
      %add3A_50 = arith.constant 0 : i32
      %add3A_51 = arith.addi %mul3A_49, %add3A_50 : i32
      %dma_start3A = arith.constant 0 : i32
      %dma_start3A_52 = tpu.memref_slice %arg6[%dma_start3A] : memref<128xf32, #tpu.memory_space<vmem>> -> memref<125xf32, #tpu.memory_space<vmem>>
      %dma_start3A_53 = arith.constant 0 : i32
      %dma_start3A_54 = tpu.memref_slice %arg5[%add3A_51, %dma_start3A_53] : memref<80x125xi32, #tpu.memory_space<vmem>> -> memref<1x125xi32, #tpu.memory_space<vmem>>
      %dma_start3A_55 = tpu.memref_squeeze %dma_start3A_54 : memref<1x125xi32, #tpu.memory_space<vmem>> -> memref<125xi32, #tpu.memory_space<vmem>>
      %dma_start3A_56 = arith.constant 0 : i32
      %dma_start3A_57 = tpu.memref_slice %arg7[%dma_start3A_56] : memref<10240xf32, #tpu.memory_space<vmem_shared>> -> memref<10240xf32, #tpu.memory_space<vmem_shared>>
      tpu.enqueue_indirect_dma source(%dma_start3A_52 : memref<125xf32, #tpu.memory_space<vmem>>) target(%dma_start3A_57 : memref<10240xf32, #tpu.memory_space<vmem_shared>>) offsets(%dma_start3A_55 : memref<125xi32, #tpu.memory_space<vmem>>) semaphore(%arg8 : memref<!tpu.dma_semaphore, #tpu.memory_space<semaphore_mem>>) {add = true}
      %mul3A_58 = arith.constant 20 : i32
      %mul3A_59 = arith.muli %scan3A_47, %mul3A_58 : i32
      %add3A_60 = arith.constant 1 : i32
      %add3A_61 = arith.addi %mul3A_59, %add3A_60 : i32
      %dma_start3A_62 = arith.constant 0 : i32
      %dma_start3A_63 = tpu.memref_slice %arg6[%dma_start3A_62] : memref<128xf32, #tpu.memory_space<vmem>> -> memref<125xf32, #tpu.memory_space<vmem>>
      %dma_start3A_64 = arith.constant 0 : i32
      %dma_start3A_65 = tpu.memref_slice %arg5[%add3A_61, %dma_start3A_64] : memref<80x125xi32, #tpu.memory_space<vmem>> -> memref<1x125xi32, #tpu.memory_space<vmem>>
      %dma_start3A_66 = tpu.memref_squeeze %dma_start3A_65 : memref<1x125xi32, #tpu.memory_space<vmem>> -> memref<125xi32, #tpu.memory_space<vmem>>
      %dma_start3A_67 = arith.constant 0 : i32
      %dma_start3A_68 = tpu.memref_slice %arg7[%dma_start3A_67] : memref<10240xf32, #tpu.memory_space<vmem_shared>> -> memref<10240xf32, #tpu.memory_space<vmem_shared>>
      tpu.enqueue_indirect_dma source(%dma_start3A_63 : memref<125xf32, #tpu.memory_space<vmem>>) target(%dma_start3A_68 : memref<10240xf32, #tpu.memory_space<vmem_shared>>) offsets(%dma_start3A_66 : memref<125xi32, #tpu.memory_space<vmem>>) semaphore(%arg8 : memref<!tpu.dma_semaphore, #tpu.memory_space<semaphore_mem>>) {add = true}
      %mul3A_69 = arith.constant 20 : i32
      %mul3A_70 = arith.muli %scan3A_47, %mul3A_69 : i32
      %add3A_71 = arith.constant 2 : i32
      %add3A_72 = arith.addi %mul3A_70, %add3A_71 : i32
      %dma_start3A_73 = arith.constant 0 : i32
      %dma_start3A_74 = tpu.memref_slice %arg6[%dma_start3A_73] : memref<128xf32, #tpu.memory_space<vmem>> -> memref<125xf32, #tpu.memory_space<vmem>>
      %dma_start3A_75 = arith.constant 0 : i32
      %dma_start3A_76 = tpu.memref_slice %arg5[%add3A_72, %dma_start3A_75] : memref<80x125xi32, #tpu.memory_space<vmem>> -> memref<1x125xi32, #tpu.memory_space<vmem>>
      %dma_start3A_77 = tpu.memref_squeeze %dma_start3A_76 : memref<1x125xi32, #tpu.memory_space<vmem>> -> memref<125xi32, #tpu.memory_space<vmem>>
      %dma_start3A_78 = arith.constant 0 : i32
      %dma_start3A_79 = tpu.memref_slice %arg7[%dma_start3A_78] : memref<10240xf32, #tpu.memory_space<vmem_shared>> -> memref<10240xf32, #tpu.memory_space<vmem_shared>>
      tpu.enqueue_indirect_dma source(%dma_start3A_74 : memref<125xf32, #tpu.memory_space<vmem>>) target(%dma_start3A_79 : memref<10240xf32, #tpu.memory_space<vmem_shared>>) offsets(%dma_start3A_77 : memref<125xi32, #tpu.memory_space<vmem>>) semaphore(%arg8 : memref<!tpu.dma_semaphore, #tpu.memory_space<semaphore_mem>>) {add = true}
      %mul3A_80 = arith.constant 20 : i32
      %mul3A_81 = arith.muli %scan3A_47, %mul3A_80 : i32
      %add3A_82 = arith.constant 3 : i32
      %add3A_83 = arith.addi %mul3A_81, %add3A_82 : i32
      %dma_start3A_84 = arith.constant 0 : i32
      %dma_start3A_85 = tpu.memref_slice %arg6[%dma_start3A_84] : memref<128xf32, #tpu.memory_space<vmem>> -> memref<125xf32, #tpu.memory_space<vmem>>
      %dma_start3A_86 = arith.constant 0 : i32
      %dma_start3A_87 = tpu.memref_slice %arg5[%add3A_83, %dma_start3A_86] : memref<80x125xi32, #tpu.memory_space<vmem>> -> memref<1x125xi32, #tpu.memory_space<vmem>>
      %dma_start3A_88 = tpu.memref_squeeze %dma_start3A_87 : memref<1x125xi32, #tpu.memory_space<vmem>> -> memref<125xi32, #tpu.memory_space<vmem>>
      %dma_start3A_89 = arith.constant 0 : i32
      %dma_start3A_90 = tpu.memref_slice %arg7[%dma_start3A_89] : memref<10240xf32, #tpu.memory_space<vmem_shared>> -> memref<10240xf32, #tpu.memory_space<vmem_shared>>
      tpu.enqueue_indirect_dma source(%dma_start3A_85 : memref<125xf32, #tpu.memory_space<vmem>>) target(%dma_start3A_90 : memref<10240xf32, #tpu.memory_space<vmem_shared>>) offsets(%dma_start3A_88 : memref<125xi32, #tpu.memory_space<vmem>>) semaphore(%arg8 : memref<!tpu.dma_semaphore, #tpu.memory_space<semaphore_mem>>) {add = true}
      %mul3A_91 = arith.constant 20 : i32
      %mul3A_92 = arith.muli %scan3A_47, %mul3A_91 : i32
      %add3A_93 = arith.constant 4 : i32
      %add3A_94 = arith.addi %mul3A_92, %add3A_93 : i32
      %dma_start3A_95 = arith.constant 0 : i32
      %dma_start3A_96 = tpu.memref_slice %arg6[%dma_start3A_95] : memref<128xf32, #tpu.memory_space<vmem>> -> memref<125xf32, #tpu.memory_space<vmem>>
      %dma_start3A_97 = arith.constant 0 : i32
      %dma_start3A_98 = tpu.memref_slice %arg5[%add3A_94, %dma_start3A_97] : memref<80x125xi32, #tpu.memory_space<vmem>> -> memref<1x125xi32, #tpu.memory_space<vmem>>
      %dma_start3A_99 = tpu.memref_squeeze %dma_start3A_98 : memref<1x125xi32, #tpu.memory_space<vmem>> -> memref<125xi32, #tpu.memory_space<vmem>>
      %dma_start3A_100 = arith.constant 0 : i32
      %dma_start3A_101 = tpu.memref_slice %arg7[%dma_start3A_100] : memref<10240xf32, #tpu.memory_space<vmem_shared>> -> memref<10240xf32, #tpu.memory_space<vmem_shared>>
      tpu.enqueue_indirect_dma source(%dma_start3A_96 : memref<125xf32, #tpu.memory_space<vmem>>) target(%dma_start3A_101 : memref<10240xf32, #tpu.memory_space<vmem_shared>>) offsets(%dma_start3A_99 : memref<125xi32, #tpu.memory_space<vmem>>) semaphore(%arg8 : memref<!tpu.dma_semaphore, #tpu.memory_space<semaphore_mem>>) {add = true}
      %mul3A_102 = arith.constant 20 : i32
      %mul3A_103 = arith.muli %scan3A_47, %mul3A_102 : i32
      %add3A_104 = arith.constant 5 : i32
      %add3A_105 = arith.addi %mul3A_103, %add3A_104 : i32
      %dma_start3A_106 = arith.constant 0 : i32
      %dma_start3A_107 = tpu.memref_slice %arg6[%dma_start3A_106] : memref<128xf32, #tpu.memory_space<vmem>> -> memref<125xf32, #tpu.memory_space<vmem>>
      %dma_start3A_108 = arith.constant 0 : i32
      %dma_start3A_109 = tpu.memref_slice %arg5[%add3A_105, %dma_start3A_108] : memref<80x125xi32, #tpu.memory_space<vmem>> -> memref<1x125xi32, #tpu.memory_space<vmem>>
      %dma_start3A_110 = tpu.memref_squeeze %dma_start3A_109 : memref<1x125xi32, #tpu.memory_space<vmem>> -> memref<125xi32, #tpu.memory_space<vmem>>
      %dma_start3A_111 = arith.constant 0 : i32
      %dma_start3A_112 = tpu.memref_slice %arg7[%dma_start3A_111] : memref<10240xf32, #tpu.memory_space<vmem_shared>> -> memref<10240xf32, #tpu.memory_space<vmem_shared>>
      tpu.enqueue_indirect_dma source(%dma_start3A_107 : memref<125xf32, #tpu.memory_space<vmem>>) target(%dma_start3A_112 : memref<10240xf32, #tpu.memory_space<vmem_shared>>) offsets(%dma_start3A_110 : memref<125xi32, #tpu.memory_space<vmem>>) semaphore(%arg8 : memref<!tpu.dma_semaphore, #tpu.memory_space<semaphore_mem>>) {add = true}
      %mul3A_113 = arith.constant 20 : i32
      %mul3A_114 = arith.muli %scan3A_47, %mul3A_113 : i32
      %add3A_115 = arith.constant 6 : i32
      %add3A_116 = arith.addi %mul3A_114, %add3A_115 : i32
      %dma_start3A_117 = arith.constant 0 : i32
      %dma_start3A_118 = tpu.memref_slice %arg6[%dma_start3A_117] : memref<128xf32, #tpu.memory_space<vmem>> -> memref<125xf32, #tpu.memory_space<vmem>>
      %dma_start3A_119 = arith.constant 0 : i32
      %dma_start3A_120 = tpu.memref_slice %arg5[%add3A_116, %dma_start3A_119] : memref<80x125xi32, #tpu.memory_space<vmem>> -> memref<1x125xi32, #tpu.memory_space<vmem>>
      %dma_start3A_121 = tpu.memref_squeeze %dma_start3A_120 : memref<1x125xi32, #tpu.memory_space<vmem>> -> memref<125xi32, #tpu.memory_space<vmem>>
      %dma_start3A_122 = arith.constant 0 : i32
      %dma_start3A_123 = tpu.memref_slice %arg7[%dma_start3A_122] : memref<10240xf32, #tpu.memory_space<vmem_shared>> -> memref<10240xf32, #tpu.memory_space<vmem_shared>>
      tpu.enqueue_indirect_dma source(%dma_start3A_118 : memref<125xf32, #tpu.memory_space<vmem>>) target(%dma_start3A_123 : memref<10240xf32, #tpu.memory_space<vmem_shared>>) offsets(%dma_start3A_121 : memref<125xi32, #tpu.memory_space<vmem>>) semaphore(%arg8 : memref<!tpu.dma_semaphore, #tpu.memory_space<semaphore_mem>>) {add = true}
      %mul3A_124 = arith.constant 20 : i32
      %mul3A_125 = arith.muli %scan3A_47, %mul3A_124 : i32
      %add3A_126 = arith.constant 7 : i32
      %add3A_127 = arith.addi %mul3A_125, %add3A_126 : i32
      %dma_start3A_128 = arith.constant 0 : i32
      %dma_start3A_129 = tpu.memref_slice %arg6[%dma_start3A_128] : memref<128xf32, #tpu.memory_space<vmem>> -> memref<125xf32, #tpu.memory_space<vmem>>
      %dma_start3A_130 = arith.constant 0 : i32
      %dma_start3A_131 = tpu.memref_slice %arg5[%add3A_127, %dma_start3A_130] : memref<80x125xi32, #tpu.memory_space<vmem>> -> memref<1x125xi32, #tpu.memory_space<vmem>>
      %dma_start3A_132 = tpu.memref_squeeze %dma_start3A_131 : memref<1x125xi32, #tpu.memory_space<vmem>> -> memref<125xi32, #tpu.memory_space<vmem>>
      %dma_start3A_133 = arith.constant 0 : i32
      %dma_start3A_134 = tpu.memref_slice %arg7[%dma_start3A_133] : memref<10240xf32, #tpu.memory_space<vmem_shared>> -> memref<10240xf32, #tpu.memory_space<vmem_shared>>
      tpu.enqueue_indirect_dma source(%dma_start3A_129 : memref<125xf32, #tpu.memory_space<vmem>>) target(%dma_start3A_134 : memref<10240xf32, #tpu.memory_space<vmem_shared>>) offsets(%dma_start3A_132 : memref<125xi32, #tpu.memory_space<vmem>>) semaphore(%arg8 : memref<!tpu.dma_semaphore, #tpu.memory_space<semaphore_mem>>) {add = true}
      %mul3A_135 = arith.constant 20 : i32
      %mul3A_136 = arith.muli %scan3A_47, %mul3A_135 : i32
      %add3A_137 = arith.constant 8 : i32
      %add3A_138 = arith.addi %mul3A_136, %add3A_137 : i32
      %dma_start3A_139 = arith.constant 0 : i32
      %dma_start3A_140 = tpu.memref_slice %arg6[%dma_start3A_139] : memref<128xf32, #tpu.memory_space<vmem>> -> memref<125xf32, #tpu.memory_space<vmem>>
      %dma_start3A_141 = arith.constant 0 : i32
      %dma_start3A_142 = tpu.memref_slice %arg5[%add3A_138, %dma_start3A_141] : memref<80x125xi32, #tpu.memory_space<vmem>> -> memref<1x125xi32, #tpu.memory_space<vmem>>
      %dma_start3A_143 = tpu.memref_squeeze %dma_start3A_142 : memref<1x125xi32, #tpu.memory_space<vmem>> -> memref<125xi32, #tpu.memory_space<vmem>>
      %dma_start3A_144 = arith.constant 0 : i32
      %dma_start3A_145 = tpu.memref_slice %arg7[%dma_start3A_144] : memref<10240xf32, #tpu.memory_space<vmem_shared>> -> memref<10240xf32, #tpu.memory_space<vmem_shared>>
      tpu.enqueue_indirect_dma source(%dma_start3A_140 : memref<125xf32, #tpu.memory_space<vmem>>) target(%dma_start3A_145 : memref<10240xf32, #tpu.memory_space<vmem_shared>>) offsets(%dma_start3A_143 : memref<125xi32, #tpu.memory_space<vmem>>) semaphore(%arg8 : memref<!tpu.dma_semaphore, #tpu.memory_space<semaphore_mem>>) {add = true}
      %mul3A_146 = arith.constant 20 : i32
      %mul3A_147 = arith.muli %scan3A_47, %mul3A_146 : i32
      %add3A_148 = arith.constant 9 : i32
      %add3A_149 = arith.addi %mul3A_147, %add3A_148 : i32
      %dma_start3A_150 = arith.constant 0 : i32
      %dma_start3A_151 = tpu.memref_slice %arg6[%dma_start3A_150] : memref<128xf32, #tpu.memory_space<vmem>> -> memref<125xf32, #tpu.memory_space<vmem>>
      %dma_start3A_152 = arith.constant 0 : i32
      %dma_start3A_153 = tpu.memref_slice %arg5[%add3A_149, %dma_start3A_152] : memref<80x125xi32, #tpu.memory_space<vmem>> -> memref<1x125xi32, #tpu.memory_space<vmem>>
      %dma_start3A_154 = tpu.memref_squeeze %dma_start3A_153 : memref<1x125xi32, #tpu.memory_space<vmem>> -> memref<125xi32, #tpu.memory_space<vmem>>
      %dma_start3A_155 = arith.constant 0 : i32
      %dma_start3A_156 = tpu.memref_slice %arg7[%dma_start3A_155] : memref<10240xf32, #tpu.memory_space<vmem_shared>> -> memref<10240xf32, #tpu.memory_space<vmem_shared>>
      tpu.enqueue_indirect_dma source(%dma_start3A_151 : memref<125xf32, #tpu.memory_space<vmem>>) target(%dma_start3A_156 : memref<10240xf32, #tpu.memory_space<vmem_shared>>) offsets(%dma_start3A_154 : memref<125xi32, #tpu.memory_space<vmem>>) semaphore(%arg8 : memref<!tpu.dma_semaphore, #tpu.memory_space<semaphore_mem>>) {add = true}
      %mul3A_157 = arith.constant 20 : i32
      %mul3A_158 = arith.muli %scan3A_47, %mul3A_157 : i32
      %add3A_159 = arith.constant 10 : i32
      %add3A_160 = arith.addi %mul3A_158, %add3A_159 : i32
      %dma_start3A_161 = arith.constant 0 : i32
      %dma_start3A_162 = tpu.memref_slice %arg6[%dma_start3A_161] : memref<128xf32, #tpu.memory_space<vmem>> -> memref<125xf32, #tpu.memory_space<vmem>>
      %dma_start3A_163 = arith.constant 0 : i32
      %dma_start3A_164 = tpu.memref_slice %arg5[%add3A_160, %dma_start3A_163] : memref<80x125xi32, #tpu.memory_space<vmem>> -> memref<1x125xi32, #tpu.memory_space<vmem>>
      %dma_start3A_165 = tpu.memref_squeeze %dma_start3A_164 : memref<1x125xi32, #tpu.memory_space<vmem>> -> memref<125xi32, #tpu.memory_space<vmem>>
      %dma_start3A_166 = arith.constant 0 : i32
      %dma_start3A_167 = tpu.memref_slice %arg7[%dma_start3A_166] : memref<10240xf32, #tpu.memory_space<vmem_shared>> -> memref<10240xf32, #tpu.memory_space<vmem_shared>>
      tpu.enqueue_indirect_dma source(%dma_start3A_162 : memref<125xf32, #tpu.memory_space<vmem>>) target(%dma_start3A_167 : memref<10240xf32, #tpu.memory_space<vmem_shared>>) offsets(%dma_start3A_165 : memref<125xi32, #tpu.memory_space<vmem>>) semaphore(%arg8 : memref<!tpu.dma_semaphore, #tpu.memory_space<semaphore_mem>>) {add = true}
      %mul3A_168 = arith.constant 20 : i32
      %mul3A_169 = arith.muli %scan3A_47, %mul3A_168 : i32
      %add3A_170 = arith.constant 11 : i32
      %add3A_171 = arith.addi %mul3A_169, %add3A_170 : i32
      %dma_start3A_172 = arith.constant 0 : i32
      %dma_start3A_173 = tpu.memref_slice %arg6[%dma_start3A_172] : memref<128xf32, #tpu.memory_space<vmem>> -> memref<125xf32, #tpu.memory_space<vmem>>
      %dma_start3A_174 = arith.constant 0 : i32
      %dma_start3A_175 = tpu.memref_slice %arg5[%add3A_171, %dma_start3A_174] : memref<80x125xi32, #tpu.memory_space<vmem>> -> memref<1x125xi32, #tpu.memory_space<vmem>>
      %dma_start3A_176 = tpu.memref_squeeze %dma_start3A_175 : memref<1x125xi32, #tpu.memory_space<vmem>> -> memref<125xi32, #tpu.memory_space<vmem>>
      %dma_start3A_177 = arith.constant 0 : i32
      %dma_start3A_178 = tpu.memref_slice %arg7[%dma_start3A_177] : memref<10240xf32, #tpu.memory_space<vmem_shared>> -> memref<10240xf32, #tpu.memory_space<vmem_shared>>
      tpu.enqueue_indirect_dma source(%dma_start3A_173 : memref<125xf32, #tpu.memory_space<vmem>>) target(%dma_start3A_178 : memref<10240xf32, #tpu.memory_space<vmem_shared>>) offsets(%dma_start3A_176 : memref<125xi32, #tpu.memory_space<vmem>>) semaphore(%arg8 : memref<!tpu.dma_semaphore, #tpu.memory_space<semaphore_mem>>) {add = true}
      %mul3A_179 = arith.constant 20 : i32
      %mul3A_180 = arith.muli %scan3A_47, %mul3A_179 : i32
      %add3A_181 = arith.constant 12 : i32
      %add3A_182 = arith.addi %mul3A_180, %add3A_181 : i32
      %dma_start3A_183 = arith.constant 0 : i32
      %dma_start3A_184 = tpu.memref_slice %arg6[%dma_start3A_183] : memref<128xf32, #tpu.memory_space<vmem>> -> memref<125xf32, #tpu.memory_space<vmem>>
      %dma_start3A_185 = arith.constant 0 : i32
      %dma_start3A_186 = tpu.memref_slice %arg5[%add3A_182, %dma_start3A_185] : memref<80x125xi32, #tpu.memory_space<vmem>> -> memref<1x125xi32, #tpu.memory_space<vmem>>
      %dma_start3A_187 = tpu.memref_squeeze %dma_start3A_186 : memref<1x125xi32, #tpu.memory_space<vmem>> -> memref<125xi32, #tpu.memory_space<vmem>>
      %dma_start3A_188 = arith.constant 0 : i32
      %dma_start3A_189 = tpu.memref_slice %arg7[%dma_start3A_188] : memref<10240xf32, #tpu.memory_space<vmem_shared>> -> memref<10240xf32, #tpu.memory_space<vmem_shared>>
      tpu.enqueue_indirect_dma source(%dma_start3A_184 : memref<125xf32, #tpu.memory_space<vmem>>) target(%dma_start3A_189 : memref<10240xf32, #tpu.memory_space<vmem_shared>>) offsets(%dma_start3A_187 : memref<125xi32, #tpu.memory_space<vmem>>) semaphore(%arg8 : memref<!tpu.dma_semaphore, #tpu.memory_space<semaphore_mem>>) {add = true}
      %mul3A_190 = arith.constant 20 : i32
      %mul3A_191 = arith.muli %scan3A_47, %mul3A_190 : i32
      %add3A_192 = arith.constant 13 : i32
      %add3A_193 = arith.addi %mul3A_191, %add3A_192 : i32
      %dma_start3A_194 = arith.constant 0 : i32
      %dma_start3A_195 = tpu.memref_slice %arg6[%dma_start3A_194] : memref<128xf32, #tpu.memory_space<vmem>> -> memref<125xf32, #tpu.memory_space<vmem>>
      %dma_start3A_196 = arith.constant 0 : i32
      %dma_start3A_197 = tpu.memref_slice %arg5[%add3A_193, %dma_start3A_196] : memref<80x125xi32, #tpu.memory_space<vmem>> -> memref<1x125xi32, #tpu.memory_space<vmem>>
      %dma_start3A_198 = tpu.memref_squeeze %dma_start3A_197 : memref<1x125xi32, #tpu.memory_space<vmem>> -> memref<125xi32, #tpu.memory_space<vmem>>
      %dma_start3A_199 = arith.constant 0 : i32
      %dma_start3A_200 = tpu.memref_slice %arg7[%dma_start3A_199] : memref<10240xf32, #tpu.memory_space<vmem_shared>> -> memref<10240xf32, #tpu.memory_space<vmem_shared>>
      tpu.enqueue_indirect_dma source(%dma_start3A_195 : memref<125xf32, #tpu.memory_space<vmem>>) target(%dma_start3A_200 : memref<10240xf32, #tpu.memory_space<vmem_shared>>) offsets(%dma_start3A_198 : memref<125xi32, #tpu.memory_space<vmem>>) semaphore(%arg8 : memref<!tpu.dma_semaphore, #tpu.memory_space<semaphore_mem>>) {add = true}
      %mul3A_201 = arith.constant 20 : i32
      %mul3A_202 = arith.muli %scan3A_47, %mul3A_201 : i32
      %add3A_203 = arith.constant 14 : i32
      %add3A_204 = arith.addi %mul3A_202, %add3A_203 : i32
      %dma_start3A_205 = arith.constant 0 : i32
      %dma_start3A_206 = tpu.memref_slice %arg6[%dma_start3A_205] : memref<128xf32, #tpu.memory_space<vmem>> -> memref<125xf32, #tpu.memory_space<vmem>>
      %dma_start3A_207 = arith.constant 0 : i32
      %dma_start3A_208 = tpu.memref_slice %arg5[%add3A_204, %dma_start3A_207] : memref<80x125xi32, #tpu.memory_space<vmem>> -> memref<1x125xi32, #tpu.memory_space<vmem>>
      %dma_start3A_209 = tpu.memref_squeeze %dma_start3A_208 : memref<1x125xi32, #tpu.memory_space<vmem>> -> memref<125xi32, #tpu.memory_space<vmem>>
      %dma_start3A_210 = arith.constant 0 : i32
      %dma_start3A_211 = tpu.memref_slice %arg7[%dma_start3A_210] : memref<10240xf32, #tpu.memory_space<vmem_shared>> -> memref<10240xf32, #tpu.memory_space<vmem_shared>>
      tpu.enqueue_indirect_dma source(%dma_start3A_206 : memref<125xf32, #tpu.memory_space<vmem>>) target(%dma_start3A_211 : memref<10240xf32, #tpu.memory_space<vmem_shared>>) offsets(%dma_start3A_209 : memref<125xi32, #tpu.memory_space<vmem>>) semaphore(%arg8 : memref<!tpu.dma_semaphore, #tpu.memory_space<semaphore_mem>>) {add = true}
      %mul3A_212 = arith.constant 20 : i32
      %mul3A_213 = arith.muli %scan3A_47, %mul3A_212 : i32
      %add3A_214 = arith.constant 15 : i32
      %add3A_215 = arith.addi %mul3A_213, %add3A_214 : i32
      %dma_start3A_216 = arith.constant 0 : i32
      %dma_start3A_217 = tpu.memref_slice %arg6[%dma_start3A_216] : memref<128xf32, #tpu.memory_space<vmem>> -> memref<125xf32, #tpu.memory_space<vmem>>
      %dma_start3A_218 = arith.constant 0 : i32
      %dma_start3A_219 = tpu.memref_slice %arg5[%add3A_215, %dma_start3A_218] : memref<80x125xi32, #tpu.memory_space<vmem>> -> memref<1x125xi32, #tpu.memory_space<vmem>>
      %dma_start3A_220 = tpu.memref_squeeze %dma_start3A_219 : memref<1x125xi32, #tpu.memory_space<vmem>> -> memref<125xi32, #tpu.memory_space<vmem>>
      %dma_start3A_221 = arith.constant 0 : i32
      %dma_start3A_222 = tpu.memref_slice %arg7[%dma_start3A_221] : memref<10240xf32, #tpu.memory_space<vmem_shared>> -> memref<10240xf32, #tpu.memory_space<vmem_shared>>
      tpu.enqueue_indirect_dma source(%dma_start3A_217 : memref<125xf32, #tpu.memory_space<vmem>>) target(%dma_start3A_222 : memref<10240xf32, #tpu.memory_space<vmem_shared>>) offsets(%dma_start3A_220 : memref<125xi32, #tpu.memory_space<vmem>>) semaphore(%arg8 : memref<!tpu.dma_semaphore, #tpu.memory_space<semaphore_mem>>) {add = true}
      %mul3A_223 = arith.constant 20 : i32
      %mul3A_224 = arith.muli %scan3A_47, %mul3A_223 : i32
      %add3A_225 = arith.constant 16 : i32
      %add3A_226 = arith.addi %mul3A_224, %add3A_225 : i32
      %dma_start3A_227 = arith.constant 0 : i32
      %dma_start3A_228 = tpu.memref_slice %arg6[%dma_start3A_227] : memref<128xf32, #tpu.memory_space<vmem>> -> memref<125xf32, #tpu.memory_space<vmem>>
      %dma_start3A_229 = arith.constant 0 : i32
      %dma_start3A_230 = tpu.memref_slice %arg5[%add3A_226, %dma_start3A_229] : memref<80x125xi32, #tpu.memory_space<vmem>> -> memref<1x125xi32, #tpu.memory_space<vmem>>
      %dma_start3A_231 = tpu.memref_squeeze %dma_start3A_230 : memref<1x125xi32, #tpu.memory_space<vmem>> -> memref<125xi32, #tpu.memory_space<vmem>>
      %dma_start3A_232 = arith.constant 0 : i32
      %dma_start3A_233 = tpu.memref_slice %arg7[%dma_start3A_232] : memref<10240xf32, #tpu.memory_space<vmem_shared>> -> memref<10240xf32, #tpu.memory_space<vmem_shared>>
      tpu.enqueue_indirect_dma source(%dma_start3A_228 : memref<125xf32, #tpu.memory_space<vmem>>) target(%dma_start3A_233 : memref<10240xf32, #tpu.memory_space<vmem_shared>>) offsets(%dma_start3A_231 : memref<125xi32, #tpu.memory_space<vmem>>) semaphore(%arg8 : memref<!tpu.dma_semaphore, #tpu.memory_space<semaphore_mem>>) {add = true}
      %mul3A_234 = arith.constant 20 : i32
      %mul3A_235 = arith.muli %scan3A_47, %mul3A_234 : i32
      %add3A_236 = arith.constant 17 : i32
      %add3A_237 = arith.addi %mul3A_235, %add3A_236 : i32
      %dma_start3A_238 = arith.constant 0 : i32
      %dma_start3A_239 = tpu.memref_slice %arg6[%dma_start3A_238] : memref<128xf32, #tpu.memory_space<vmem>> -> memref<125xf32, #tpu.memory_space<vmem>>
      %dma_start3A_240 = arith.constant 0 : i32
      %dma_start3A_241 = tpu.memref_slice %arg5[%add3A_237, %dma_start3A_240] : memref<80x125xi32, #tpu.memory_space<vmem>> -> memref<1x125xi32, #tpu.memory_space<vmem>>
      %dma_start3A_242 = tpu.memref_squeeze %dma_start3A_241 : memref<1x125xi32, #tpu.memory_space<vmem>> -> memref<125xi32, #tpu.memory_space<vmem>>
      %dma_start3A_243 = arith.constant 0 : i32
      %dma_start3A_244 = tpu.memref_slice %arg7[%dma_start3A_243] : memref<10240xf32, #tpu.memory_space<vmem_shared>> -> memref<10240xf32, #tpu.memory_space<vmem_shared>>
      tpu.enqueue_indirect_dma source(%dma_start3A_239 : memref<125xf32, #tpu.memory_space<vmem>>) target(%dma_start3A_244 : memref<10240xf32, #tpu.memory_space<vmem_shared>>) offsets(%dma_start3A_242 : memref<125xi32, #tpu.memory_space<vmem>>) semaphore(%arg8 : memref<!tpu.dma_semaphore, #tpu.memory_space<semaphore_mem>>) {add = true}
      %mul3A_245 = arith.constant 20 : i32
      %mul3A_246 = arith.muli %scan3A_47, %mul3A_245 : i32
      %add3A_247 = arith.constant 18 : i32
      %add3A_248 = arith.addi %mul3A_246, %add3A_247 : i32
      %dma_start3A_249 = arith.constant 0 : i32
      %dma_start3A_250 = tpu.memref_slice %arg6[%dma_start3A_249] : memref<128xf32, #tpu.memory_space<vmem>> -> memref<125xf32, #tpu.memory_space<vmem>>
      %dma_start3A_251 = arith.constant 0 : i32
      %dma_start3A_252 = tpu.memref_slice %arg5[%add3A_248, %dma_start3A_251] : memref<80x125xi32, #tpu.memory_space<vmem>> -> memref<1x125xi32, #tpu.memory_space<vmem>>
      %dma_start3A_253 = tpu.memref_squeeze %dma_start3A_252 : memref<1x125xi32, #tpu.memory_space<vmem>> -> memref<125xi32, #tpu.memory_space<vmem>>
      %dma_start3A_254 = arith.constant 0 : i32
      %dma_start3A_255 = tpu.memref_slice %arg7[%dma_start3A_254] : memref<10240xf32, #tpu.memory_space<vmem_shared>> -> memref<10240xf32, #tpu.memory_space<vmem_shared>>
      tpu.enqueue_indirect_dma source(%dma_start3A_250 : memref<125xf32, #tpu.memory_space<vmem>>) target(%dma_start3A_255 : memref<10240xf32, #tpu.memory_space<vmem_shared>>) offsets(%dma_start3A_253 : memref<125xi32, #tpu.memory_space<vmem>>) semaphore(%arg8 : memref<!tpu.dma_semaphore, #tpu.memory_space<semaphore_mem>>) {add = true}
      %mul3A_256 = arith.constant 20 : i32
      %mul3A_257 = arith.muli %scan3A_47, %mul3A_256 : i32
      %add3A_258 = arith.constant 19 : i32
      %add3A_259 = arith.addi %mul3A_257, %add3A_258 : i32
      %dma_start3A_260 = arith.constant 0 : i32
      %dma_start3A_261 = tpu.memref_slice %arg6[%dma_start3A_260] : memref<128xf32, #tpu.memory_space<vmem>> -> memref<125xf32, #tpu.memory_space<vmem>>
      %dma_start3A_262 = arith.constant 0 : i32
      %dma_start3A_263 = tpu.memref_slice %arg5[%add3A_259, %dma_start3A_262] : memref<80x125xi32, #tpu.memory_space<vmem>> -> memref<1x125xi32, #tpu.memory_space<vmem>>
      %dma_start3A_264 = tpu.memref_squeeze %dma_start3A_263 : memref<1x125xi32, #tpu.memory_space<vmem>> -> memref<125xi32, #tpu.memory_space<vmem>>
      %dma_start3A_265 = arith.constant 0 : i32
      %dma_start3A_266 = tpu.memref_slice %arg7[%dma_start3A_265] : memref<10240xf32, #tpu.memory_space<vmem_shared>> -> memref<10240xf32, #tpu.memory_space<vmem_shared>>
      tpu.enqueue_indirect_dma source(%dma_start3A_261 : memref<125xf32, #tpu.memory_space<vmem>>) target(%dma_start3A_266 : memref<10240xf32, #tpu.memory_space<vmem_shared>>) offsets(%dma_start3A_264 : memref<125xi32, #tpu.memory_space<vmem>>) semaphore(%arg8 : memref<!tpu.dma_semaphore, #tpu.memory_space<semaphore_mem>>) {add = true}
      %mul3A_267 = arith.constant 20 : i32
      %mul3A_268 = arith.muli %scan3A_47, %mul3A_267 : i32
      %add3A_269 = arith.constant 0 : i32
      %add3A_270 = arith.addi %mul3A_268, %add3A_269 : i32
      %dma_wait3A = arith.constant 0 : i32
      %dma_wait3A_271 = tpu.memref_slice %arg6[%dma_wait3A] : memref<128xf32, #tpu.memory_space<vmem>> -> memref<125xf32, #tpu.memory_space<vmem>>
      %dma_wait3A_272 = arith.constant 0 : i32
      %dma_wait3A_273 = tpu.memref_slice %arg5[%add3A_270, %dma_wait3A_272] : memref<80x125xi32, #tpu.memory_space<vmem>> -> memref<1x125xi32, #tpu.memory_space<vmem>>
      %dma_wait3A_274 = tpu.memref_squeeze %dma_wait3A_273 : memref<1x125xi32, #tpu.memory_space<vmem>> -> memref<125xi32, #tpu.memory_space<vmem>>
      %dma_wait3A_275 = arith.constant 0 : i32
      %dma_wait3A_276 = tpu.memref_slice %arg7[%dma_wait3A_275] : memref<10240xf32, #tpu.memory_space<vmem_shared>> -> memref<10240xf32, #tpu.memory_space<vmem_shared>>
      tpu.wait_indirect_dma semaphore(%arg8 : memref<!tpu.dma_semaphore, #tpu.memory_space<semaphore_mem>>) src(%dma_wait3A_271 : memref<125xf32, #tpu.memory_space<vmem>>) dst(%dma_wait3A_276 : memref<10240xf32, #tpu.memory_space<vmem_shared>>)
      %mul3A_277 = arith.constant 20 : i32
      %mul3A_278 = arith.muli %scan3A_47, %mul3A_277 : i32
      %add3A_279 = arith.constant 1 : i32
      %add3A_280 = arith.addi %mul3A_278, %add3A_279 : i32
      %dma_wait3A_281 = arith.constant 0 : i32
      %dma_wait3A_282 = tpu.memref_slice %arg6[%dma_wait3A_281] : memref<128xf32, #tpu.memory_space<vmem>> -> memref<125xf32, #tpu.memory_space<vmem>>
      %dma_wait3A_283 = arith.constant 0 : i32
      %dma_wait3A_284 = tpu.memref_slice %arg5[%add3A_280, %dma_wait3A_283] : memref<80x125xi32, #tpu.memory_space<vmem>> -> memref<1x125xi32, #tpu.memory_space<vmem>>
      %dma_wait3A_285 = tpu.memref_squeeze %dma_wait3A_284 : memref<1x125xi32, #tpu.memory_space<vmem>> -> memref<125xi32, #tpu.memory_space<vmem>>
      %dma_wait3A_286 = arith.constant 0 : i32
      %dma_wait3A_287 = tpu.memref_slice %arg7[%dma_wait3A_286] : memref<10240xf32, #tpu.memory_space<vmem_shared>> -> memref<10240xf32, #tpu.memory_space<vmem_shared>>
      tpu.wait_indirect_dma semaphore(%arg8 : memref<!tpu.dma_semaphore, #tpu.memory_space<semaphore_mem>>) src(%dma_wait3A_282 : memref<125xf32, #tpu.memory_space<vmem>>) dst(%dma_wait3A_287 : memref<10240xf32, #tpu.memory_space<vmem_shared>>)
      %mul3A_288 = arith.constant 20 : i32
      %mul3A_289 = arith.muli %scan3A_47, %mul3A_288 : i32
      %add3A_290 = arith.constant 2 : i32
      %add3A_291 = arith.addi %mul3A_289, %add3A_290 : i32
      %dma_wait3A_292 = arith.constant 0 : i32
      %dma_wait3A_293 = tpu.memref_slice %arg6[%dma_wait3A_292] : memref<128xf32, #tpu.memory_space<vmem>> -> memref<125xf32, #tpu.memory_space<vmem>>
      %dma_wait3A_294 = arith.constant 0 : i32
      %dma_wait3A_295 = tpu.memref_slice %arg5[%add3A_291, %dma_wait3A_294] : memref<80x125xi32, #tpu.memory_space<vmem>> -> memref<1x125xi32, #tpu.memory_space<vmem>>
      %dma_wait3A_296 = tpu.memref_squeeze %dma_wait3A_295 : memref<1x125xi32, #tpu.memory_space<vmem>> -> memref<125xi32, #tpu.memory_space<vmem>>
      %dma_wait3A_297 = arith.constant 0 : i32
      %dma_wait3A_298 = tpu.memref_slice %arg7[%dma_wait3A_297] : memref<10240xf32, #tpu.memory_space<vmem_shared>> -> memref<10240xf32, #tpu.memory_space<vmem_shared>>
      tpu.wait_indirect_dma semaphore(%arg8 : memref<!tpu.dma_semaphore, #tpu.memory_space<semaphore_mem>>) src(%dma_wait3A_293 : memref<125xf32, #tpu.memory_space<vmem>>) dst(%dma_wait3A_298 : memref<10240xf32, #tpu.memory_space<vmem_shared>>)
      %mul3A_299 = arith.constant 20 : i32
      %mul3A_300 = arith.muli %scan3A_47, %mul3A_299 : i32
      %add3A_301 = arith.constant 3 : i32
      %add3A_302 = arith.addi %mul3A_300, %add3A_301 : i32
      %dma_wait3A_303 = arith.constant 0 : i32
      %dma_wait3A_304 = tpu.memref_slice %arg6[%dma_wait3A_303] : memref<128xf32, #tpu.memory_space<vmem>> -> memref<125xf32, #tpu.memory_space<vmem>>
      %dma_wait3A_305 = arith.constant 0 : i32
      %dma_wait3A_306 = tpu.memref_slice %arg5[%add3A_302, %dma_wait3A_305] : memref<80x125xi32, #tpu.memory_space<vmem>> -> memref<1x125xi32, #tpu.memory_space<vmem>>
      %dma_wait3A_307 = tpu.memref_squeeze %dma_wait3A_306 : memref<1x125xi32, #tpu.memory_space<vmem>> -> memref<125xi32, #tpu.memory_space<vmem>>
      %dma_wait3A_308 = arith.constant 0 : i32
      %dma_wait3A_309 = tpu.memref_slice %arg7[%dma_wait3A_308] : memref<10240xf32, #tpu.memory_space<vmem_shared>> -> memref<10240xf32, #tpu.memory_space<vmem_shared>>
      tpu.wait_indirect_dma semaphore(%arg8 : memref<!tpu.dma_semaphore, #tpu.memory_space<semaphore_mem>>) src(%dma_wait3A_304 : memref<125xf32, #tpu.memory_space<vmem>>) dst(%dma_wait3A_309 : memref<10240xf32, #tpu.memory_space<vmem_shared>>)
      %mul3A_310 = arith.constant 20 : i32
      %mul3A_311 = arith.muli %scan3A_47, %mul3A_310 : i32
      %add3A_312 = arith.constant 4 : i32
      %add3A_313 = arith.addi %mul3A_311, %add3A_312 : i32
      %dma_wait3A_314 = arith.constant 0 : i32
      %dma_wait3A_315 = tpu.memref_slice %arg6[%dma_wait3A_314] : memref<128xf32, #tpu.memory_space<vmem>> -> memref<125xf32, #tpu.memory_space<vmem>>
      %dma_wait3A_316 = arith.constant 0 : i32
      %dma_wait3A_317 = tpu.memref_slice %arg5[%add3A_313, %dma_wait3A_316] : memref<80x125xi32, #tpu.memory_space<vmem>> -> memref<1x125xi32, #tpu.memory_space<vmem>>
      %dma_wait3A_318 = tpu.memref_squeeze %dma_wait3A_317 : memref<1x125xi32, #tpu.memory_space<vmem>> -> memref<125xi32, #tpu.memory_space<vmem>>
      %dma_wait3A_319 = arith.constant 0 : i32
      %dma_wait3A_320 = tpu.memref_slice %arg7[%dma_wait3A_319] : memref<10240xf32, #tpu.memory_space<vmem_shared>> -> memref<10240xf32, #tpu.memory_space<vmem_shared>>
      tpu.wait_indirect_dma semaphore(%arg8 : memref<!tpu.dma_semaphore, #tpu.memory_space<semaphore_mem>>) src(%dma_wait3A_315 : memref<125xf32, #tpu.memory_space<vmem>>) dst(%dma_wait3A_320 : memref<10240xf32, #tpu.memory_space<vmem_shared>>)
      %mul3A_321 = arith.constant 20 : i32
      %mul3A_322 = arith.muli %scan3A_47, %mul3A_321 : i32
      %add3A_323 = arith.constant 5 : i32
      %add3A_324 = arith.addi %mul3A_322, %add3A_323 : i32
      %dma_wait3A_325 = arith.constant 0 : i32
      %dma_wait3A_326 = tpu.memref_slice %arg6[%dma_wait3A_325] : memref<128xf32, #tpu.memory_space<vmem>> -> memref<125xf32, #tpu.memory_space<vmem>>
      %dma_wait3A_327 = arith.constant 0 : i32
      %dma_wait3A_328 = tpu.memref_slice %arg5[%add3A_324, %dma_wait3A_327] : memref<80x125xi32, #tpu.memory_space<vmem>> -> memref<1x125xi32, #tpu.memory_space<vmem>>
      %dma_wait3A_329 = tpu.memref_squeeze %dma_wait3A_328 : memref<1x125xi32, #tpu.memory_space<vmem>> -> memref<125xi32, #tpu.memory_space<vmem>>
      %dma_wait3A_330 = arith.constant 0 : i32
      %dma_wait3A_331 = tpu.memref_slice %arg7[%dma_wait3A_330] : memref<10240xf32, #tpu.memory_space<vmem_shared>> -> memref<10240xf32, #tpu.memory_space<vmem_shared>>
      tpu.wait_indirect_dma semaphore(%arg8 : memref<!tpu.dma_semaphore, #tpu.memory_space<semaphore_mem>>) src(%dma_wait3A_326 : memref<125xf32, #tpu.memory_space<vmem>>) dst(%dma_wait3A_331 : memref<10240xf32, #tpu.memory_space<vmem_shared>>)
      %mul3A_332 = arith.constant 20 : i32
      %mul3A_333 = arith.muli %scan3A_47, %mul3A_332 : i32
      %add3A_334 = arith.constant 6 : i32
      %add3A_335 = arith.addi %mul3A_333, %add3A_334 : i32
      %dma_wait3A_336 = arith.constant 0 : i32
      %dma_wait3A_337 = tpu.memref_slice %arg6[%dma_wait3A_336] : memref<128xf32, #tpu.memory_space<vmem>> -> memref<125xf32, #tpu.memory_space<vmem>>
      %dma_wait3A_338 = arith.constant 0 : i32
      %dma_wait3A_339 = tpu.memref_slice %arg5[%add3A_335, %dma_wait3A_338] : memref<80x125xi32, #tpu.memory_space<vmem>> -> memref<1x125xi32, #tpu.memory_space<vmem>>
      %dma_wait3A_340 = tpu.memref_squeeze %dma_wait3A_339 : memref<1x125xi32, #tpu.memory_space<vmem>> -> memref<125xi32, #tpu.memory_space<vmem>>
      %dma_wait3A_341 = arith.constant 0 : i32
      %dma_wait3A_342 = tpu.memref_slice %arg7[%dma_wait3A_341] : memref<10240xf32, #tpu.memory_space<vmem_shared>> -> memref<10240xf32, #tpu.memory_space<vmem_shared>>
      tpu.wait_indirect_dma semaphore(%arg8 : memref<!tpu.dma_semaphore, #tpu.memory_space<semaphore_mem>>) src(%dma_wait3A_337 : memref<125xf32, #tpu.memory_space<vmem>>) dst(%dma_wait3A_342 : memref<10240xf32, #tpu.memory_space<vmem_shared>>)
      %mul3A_343 = arith.constant 20 : i32
      %mul3A_344 = arith.muli %scan3A_47, %mul3A_343 : i32
      %add3A_345 = arith.constant 7 : i32
      %add3A_346 = arith.addi %mul3A_344, %add3A_345 : i32
      %dma_wait3A_347 = arith.constant 0 : i32
      %dma_wait3A_348 = tpu.memref_slice %arg6[%dma_wait3A_347] : memref<128xf32, #tpu.memory_space<vmem>> -> memref<125xf32, #tpu.memory_space<vmem>>
      %dma_wait3A_349 = arith.constant 0 : i32
      %dma_wait3A_350 = tpu.memref_slice %arg5[%add3A_346, %dma_wait3A_349] : memref<80x125xi32, #tpu.memory_space<vmem>> -> memref<1x125xi32, #tpu.memory_space<vmem>>
      %dma_wait3A_351 = tpu.memref_squeeze %dma_wait3A_350 : memref<1x125xi32, #tpu.memory_space<vmem>> -> memref<125xi32, #tpu.memory_space<vmem>>
      %dma_wait3A_352 = arith.constant 0 : i32
      %dma_wait3A_353 = tpu.memref_slice %arg7[%dma_wait3A_352] : memref<10240xf32, #tpu.memory_space<vmem_shared>> -> memref<10240xf32, #tpu.memory_space<vmem_shared>>
      tpu.wait_indirect_dma semaphore(%arg8 : memref<!tpu.dma_semaphore, #tpu.memory_space<semaphore_mem>>) src(%dma_wait3A_348 : memref<125xf32, #tpu.memory_space<vmem>>) dst(%dma_wait3A_353 : memref<10240xf32, #tpu.memory_space<vmem_shared>>)
      %mul3A_354 = arith.constant 20 : i32
      %mul3A_355 = arith.muli %scan3A_47, %mul3A_354 : i32
      %add3A_356 = arith.constant 8 : i32
      %add3A_357 = arith.addi %mul3A_355, %add3A_356 : i32
      %dma_wait3A_358 = arith.constant 0 : i32
      %dma_wait3A_359 = tpu.memref_slice %arg6[%dma_wait3A_358] : memref<128xf32, #tpu.memory_space<vmem>> -> memref<125xf32, #tpu.memory_space<vmem>>
      %dma_wait3A_360 = arith.constant 0 : i32
      %dma_wait3A_361 = tpu.memref_slice %arg5[%add3A_357, %dma_wait3A_360] : memref<80x125xi32, #tpu.memory_space<vmem>> -> memref<1x125xi32, #tpu.memory_space<vmem>>
      %dma_wait3A_362 = tpu.memref_squeeze %dma_wait3A_361 : memref<1x125xi32, #tpu.memory_space<vmem>> -> memref<125xi32, #tpu.memory_space<vmem>>
      %dma_wait3A_363 = arith.constant 0 : i32
      %dma_wait3A_364 = tpu.memref_slice %arg7[%dma_wait3A_363] : memref<10240xf32, #tpu.memory_space<vmem_shared>> -> memref<10240xf32, #tpu.memory_space<vmem_shared>>
      tpu.wait_indirect_dma semaphore(%arg8 : memref<!tpu.dma_semaphore, #tpu.memory_space<semaphore_mem>>) src(%dma_wait3A_359 : memref<125xf32, #tpu.memory_space<vmem>>) dst(%dma_wait3A_364 : memref<10240xf32, #tpu.memory_space<vmem_shared>>)
      %mul3A_365 = arith.constant 20 : i32
      %mul3A_366 = arith.muli %scan3A_47, %mul3A_365 : i32
      %add3A_367 = arith.constant 9 : i32
      %add3A_368 = arith.addi %mul3A_366, %add3A_367 : i32
      %dma_wait3A_369 = arith.constant 0 : i32
      %dma_wait3A_370 = tpu.memref_slice %arg6[%dma_wait3A_369] : memref<128xf32, #tpu.memory_space<vmem>> -> memref<125xf32, #tpu.memory_space<vmem>>
      %dma_wait3A_371 = arith.constant 0 : i32
      %dma_wait3A_372 = tpu.memref_slice %arg5[%add3A_368, %dma_wait3A_371] : memref<80x125xi32, #tpu.memory_space<vmem>> -> memref<1x125xi32, #tpu.memory_space<vmem>>
      %dma_wait3A_373 = tpu.memref_squeeze %dma_wait3A_372 : memref<1x125xi32, #tpu.memory_space<vmem>> -> memref<125xi32, #tpu.memory_space<vmem>>
      %dma_wait3A_374 = arith.constant 0 : i32
      %dma_wait3A_375 = tpu.memref_slice %arg7[%dma_wait3A_374] : memref<10240xf32, #tpu.memory_space<vmem_shared>> -> memref<10240xf32, #tpu.memory_space<vmem_shared>>
      tpu.wait_indirect_dma semaphore(%arg8 : memref<!tpu.dma_semaphore, #tpu.memory_space<semaphore_mem>>) src(%dma_wait3A_370 : memref<125xf32, #tpu.memory_space<vmem>>) dst(%dma_wait3A_375 : memref<10240xf32, #tpu.memory_space<vmem_shared>>)
      %mul3A_376 = arith.constant 20 : i32
      %mul3A_377 = arith.muli %scan3A_47, %mul3A_376 : i32
      %add3A_378 = arith.constant 10 : i32
      %add3A_379 = arith.addi %mul3A_377, %add3A_378 : i32
      %dma_wait3A_380 = arith.constant 0 : i32
      %dma_wait3A_381 = tpu.memref_slice %arg6[%dma_wait3A_380] : memref<128xf32, #tpu.memory_space<vmem>> -> memref<125xf32, #tpu.memory_space<vmem>>
      %dma_wait3A_382 = arith.constant 0 : i32
      %dma_wait3A_383 = tpu.memref_slice %arg5[%add3A_379, %dma_wait3A_382] : memref<80x125xi32, #tpu.memory_space<vmem>> -> memref<1x125xi32, #tpu.memory_space<vmem>>
      %dma_wait3A_384 = tpu.memref_squeeze %dma_wait3A_383 : memref<1x125xi32, #tpu.memory_space<vmem>> -> memref<125xi32, #tpu.memory_space<vmem>>
      %dma_wait3A_385 = arith.constant 0 : i32
      %dma_wait3A_386 = tpu.memref_slice %arg7[%dma_wait3A_385] : memref<10240xf32, #tpu.memory_space<vmem_shared>> -> memref<10240xf32, #tpu.memory_space<vmem_shared>>
      tpu.wait_indirect_dma semaphore(%arg8 : memref<!tpu.dma_semaphore, #tpu.memory_space<semaphore_mem>>) src(%dma_wait3A_381 : memref<125xf32, #tpu.memory_space<vmem>>) dst(%dma_wait3A_386 : memref<10240xf32, #tpu.memory_space<vmem_shared>>)
      %mul3A_387 = arith.constant 20 : i32
      %mul3A_388 = arith.muli %scan3A_47, %mul3A_387 : i32
      %add3A_389 = arith.constant 11 : i32
      %add3A_390 = arith.addi %mul3A_388, %add3A_389 : i32
      %dma_wait3A_391 = arith.constant 0 : i32
      %dma_wait3A_392 = tpu.memref_slice %arg6[%dma_wait3A_391] : memref<128xf32, #tpu.memory_space<vmem>> -> memref<125xf32, #tpu.memory_space<vmem>>
      %dma_wait3A_393 = arith.constant 0 : i32
      %dma_wait3A_394 = tpu.memref_slice %arg5[%add3A_390, %dma_wait3A_393] : memref<80x125xi32, #tpu.memory_space<vmem>> -> memref<1x125xi32, #tpu.memory_space<vmem>>
      %dma_wait3A_395 = tpu.memref_squeeze %dma_wait3A_394 : memref<1x125xi32, #tpu.memory_space<vmem>> -> memref<125xi32, #tpu.memory_space<vmem>>
      %dma_wait3A_396 = arith.constant 0 : i32
      %dma_wait3A_397 = tpu.memref_slice %arg7[%dma_wait3A_396] : memref<10240xf32, #tpu.memory_space<vmem_shared>> -> memref<10240xf32, #tpu.memory_space<vmem_shared>>
      tpu.wait_indirect_dma semaphore(%arg8 : memref<!tpu.dma_semaphore, #tpu.memory_space<semaphore_mem>>) src(%dma_wait3A_392 : memref<125xf32, #tpu.memory_space<vmem>>) dst(%dma_wait3A_397 : memref<10240xf32, #tpu.memory_space<vmem_shared>>)
      %mul3A_398 = arith.constant 20 : i32
      %mul3A_399 = arith.muli %scan3A_47, %mul3A_398 : i32
      %add3A_400 = arith.constant 12 : i32
      %add3A_401 = arith.addi %mul3A_399, %add3A_400 : i32
      %dma_wait3A_402 = arith.constant 0 : i32
      %dma_wait3A_403 = tpu.memref_slice %arg6[%dma_wait3A_402] : memref<128xf32, #tpu.memory_space<vmem>> -> memref<125xf32, #tpu.memory_space<vmem>>
      %dma_wait3A_404 = arith.constant 0 : i32
      %dma_wait3A_405 = tpu.memref_slice %arg5[%add3A_401, %dma_wait3A_404] : memref<80x125xi32, #tpu.memory_space<vmem>> -> memref<1x125xi32, #tpu.memory_space<vmem>>
      %dma_wait3A_406 = tpu.memref_squeeze %dma_wait3A_405 : memref<1x125xi32, #tpu.memory_space<vmem>> -> memref<125xi32, #tpu.memory_space<vmem>>
      %dma_wait3A_407 = arith.constant 0 : i32
      %dma_wait3A_408 = tpu.memref_slice %arg7[%dma_wait3A_407] : memref<10240xf32, #tpu.memory_space<vmem_shared>> -> memref<10240xf32, #tpu.memory_space<vmem_shared>>
      tpu.wait_indirect_dma semaphore(%arg8 : memref<!tpu.dma_semaphore, #tpu.memory_space<semaphore_mem>>) src(%dma_wait3A_403 : memref<125xf32, #tpu.memory_space<vmem>>) dst(%dma_wait3A_408 : memref<10240xf32, #tpu.memory_space<vmem_shared>>)
      %mul3A_409 = arith.constant 20 : i32
      %mul3A_410 = arith.muli %scan3A_47, %mul3A_409 : i32
      %add3A_411 = arith.constant 13 : i32
      %add3A_412 = arith.addi %mul3A_410, %add3A_411 : i32
      %dma_wait3A_413 = arith.constant 0 : i32
      %dma_wait3A_414 = tpu.memref_slice %arg6[%dma_wait3A_413] : memref<128xf32, #tpu.memory_space<vmem>> -> memref<125xf32, #tpu.memory_space<vmem>>
      %dma_wait3A_415 = arith.constant 0 : i32
      %dma_wait3A_416 = tpu.memref_slice %arg5[%add3A_412, %dma_wait3A_415] : memref<80x125xi32, #tpu.memory_space<vmem>> -> memref<1x125xi32, #tpu.memory_space<vmem>>
      %dma_wait3A_417 = tpu.memref_squeeze %dma_wait3A_416 : memref<1x125xi32, #tpu.memory_space<vmem>> -> memref<125xi32, #tpu.memory_space<vmem>>
      %dma_wait3A_418 = arith.constant 0 : i32
      %dma_wait3A_419 = tpu.memref_slice %arg7[%dma_wait3A_418] : memref<10240xf32, #tpu.memory_space<vmem_shared>> -> memref<10240xf32, #tpu.memory_space<vmem_shared>>
      tpu.wait_indirect_dma semaphore(%arg8 : memref<!tpu.dma_semaphore, #tpu.memory_space<semaphore_mem>>) src(%dma_wait3A_414 : memref<125xf32, #tpu.memory_space<vmem>>) dst(%dma_wait3A_419 : memref<10240xf32, #tpu.memory_space<vmem_shared>>)
      %mul3A_420 = arith.constant 20 : i32
      %mul3A_421 = arith.muli %scan3A_47, %mul3A_420 : i32
      %add3A_422 = arith.constant 14 : i32
      %add3A_423 = arith.addi %mul3A_421, %add3A_422 : i32
      %dma_wait3A_424 = arith.constant 0 : i32
      %dma_wait3A_425 = tpu.memref_slice %arg6[%dma_wait3A_424] : memref<128xf32, #tpu.memory_space<vmem>> -> memref<125xf32, #tpu.memory_space<vmem>>
      %dma_wait3A_426 = arith.constant 0 : i32
      %dma_wait3A_427 = tpu.memref_slice %arg5[%add3A_423, %dma_wait3A_426] : memref<80x125xi32, #tpu.memory_space<vmem>> -> memref<1x125xi32, #tpu.memory_space<vmem>>
      %dma_wait3A_428 = tpu.memref_squeeze %dma_wait3A_427 : memref<1x125xi32, #tpu.memory_space<vmem>> -> memref<125xi32, #tpu.memory_space<vmem>>
      %dma_wait3A_429 = arith.constant 0 : i32
      %dma_wait3A_430 = tpu.memref_slice %arg7[%dma_wait3A_429] : memref<10240xf32, #tpu.memory_space<vmem_shared>> -> memref<10240xf32, #tpu.memory_space<vmem_shared>>
      tpu.wait_indirect_dma semaphore(%arg8 : memref<!tpu.dma_semaphore, #tpu.memory_space<semaphore_mem>>) src(%dma_wait3A_425 : memref<125xf32, #tpu.memory_space<vmem>>) dst(%dma_wait3A_430 : memref<10240xf32, #tpu.memory_space<vmem_shared>>)
      %mul3A_431 = arith.constant 20 : i32
      %mul3A_432 = arith.muli %scan3A_47, %mul3A_431 : i32
      %add3A_433 = arith.constant 15 : i32
      %add3A_434 = arith.addi %mul3A_432, %add3A_433 : i32
      %dma_wait3A_435 = arith.constant 0 : i32
      %dma_wait3A_436 = tpu.memref_slice %arg6[%dma_wait3A_435] : memref<128xf32, #tpu.memory_space<vmem>> -> memref<125xf32, #tpu.memory_space<vmem>>
      %dma_wait3A_437 = arith.constant 0 : i32
      %dma_wait3A_438 = tpu.memref_slice %arg5[%add3A_434, %dma_wait3A_437] : memref<80x125xi32, #tpu.memory_space<vmem>> -> memref<1x125xi32, #tpu.memory_space<vmem>>
      %dma_wait3A_439 = tpu.memref_squeeze %dma_wait3A_438 : memref<1x125xi32, #tpu.memory_space<vmem>> -> memref<125xi32, #tpu.memory_space<vmem>>
      %dma_wait3A_440 = arith.constant 0 : i32
      %dma_wait3A_441 = tpu.memref_slice %arg7[%dma_wait3A_440] : memref<10240xf32, #tpu.memory_space<vmem_shared>> -> memref<10240xf32, #tpu.memory_space<vmem_shared>>
      tpu.wait_indirect_dma semaphore(%arg8 : memref<!tpu.dma_semaphore, #tpu.memory_space<semaphore_mem>>) src(%dma_wait3A_436 : memref<125xf32, #tpu.memory_space<vmem>>) dst(%dma_wait3A_441 : memref<10240xf32, #tpu.memory_space<vmem_shared>>)
      %mul3A_442 = arith.constant 20 : i32
      %mul3A_443 = arith.muli %scan3A_47, %mul3A_442 : i32
      %add3A_444 = arith.constant 16 : i32
      %add3A_445 = arith.addi %mul3A_443, %add3A_444 : i32
      %dma_wait3A_446 = arith.constant 0 : i32
      %dma_wait3A_447 = tpu.memref_slice %arg6[%dma_wait3A_446] : memref<128xf32, #tpu.memory_space<vmem>> -> memref<125xf32, #tpu.memory_space<vmem>>
      %dma_wait3A_448 = arith.constant 0 : i32
      %dma_wait3A_449 = tpu.memref_slice %arg5[%add3A_445, %dma_wait3A_448] : memref<80x125xi32, #tpu.memory_space<vmem>> -> memref<1x125xi32, #tpu.memory_space<vmem>>
      %dma_wait3A_450 = tpu.memref_squeeze %dma_wait3A_449 : memref<1x125xi32, #tpu.memory_space<vmem>> -> memref<125xi32, #tpu.memory_space<vmem>>
      %dma_wait3A_451 = arith.constant 0 : i32
      %dma_wait3A_452 = tpu.memref_slice %arg7[%dma_wait3A_451] : memref<10240xf32, #tpu.memory_space<vmem_shared>> -> memref<10240xf32, #tpu.memory_space<vmem_shared>>
      tpu.wait_indirect_dma semaphore(%arg8 : memref<!tpu.dma_semaphore, #tpu.memory_space<semaphore_mem>>) src(%dma_wait3A_447 : memref<125xf32, #tpu.memory_space<vmem>>) dst(%dma_wait3A_452 : memref<10240xf32, #tpu.memory_space<vmem_shared>>)
      %mul3A_453 = arith.constant 20 : i32
      %mul3A_454 = arith.muli %scan3A_47, %mul3A_453 : i32
      %add3A_455 = arith.constant 17 : i32
      %add3A_456 = arith.addi %mul3A_454, %add3A_455 : i32
      %dma_wait3A_457 = arith.constant 0 : i32
      %dma_wait3A_458 = tpu.memref_slice %arg6[%dma_wait3A_457] : memref<128xf32, #tpu.memory_space<vmem>> -> memref<125xf32, #tpu.memory_space<vmem>>
      %dma_wait3A_459 = arith.constant 0 : i32
      %dma_wait3A_460 = tpu.memref_slice %arg5[%add3A_456, %dma_wait3A_459] : memref<80x125xi32, #tpu.memory_space<vmem>> -> memref<1x125xi32, #tpu.memory_space<vmem>>
      %dma_wait3A_461 = tpu.memref_squeeze %dma_wait3A_460 : memref<1x125xi32, #tpu.memory_space<vmem>> -> memref<125xi32, #tpu.memory_space<vmem>>
      %dma_wait3A_462 = arith.constant 0 : i32
      %dma_wait3A_463 = tpu.memref_slice %arg7[%dma_wait3A_462] : memref<10240xf32, #tpu.memory_space<vmem_shared>> -> memref<10240xf32, #tpu.memory_space<vmem_shared>>
      tpu.wait_indirect_dma semaphore(%arg8 : memref<!tpu.dma_semaphore, #tpu.memory_space<semaphore_mem>>) src(%dma_wait3A_458 : memref<125xf32, #tpu.memory_space<vmem>>) dst(%dma_wait3A_463 : memref<10240xf32, #tpu.memory_space<vmem_shared>>)
      %mul3A_464 = arith.constant 20 : i32
      %mul3A_465 = arith.muli %scan3A_47, %mul3A_464 : i32
      %add3A_466 = arith.constant 18 : i32
      %add3A_467 = arith.addi %mul3A_465, %add3A_466 : i32
      %dma_wait3A_468 = arith.constant 0 : i32
      %dma_wait3A_469 = tpu.memref_slice %arg6[%dma_wait3A_468] : memref<128xf32, #tpu.memory_space<vmem>> -> memref<125xf32, #tpu.memory_space<vmem>>
      %dma_wait3A_470 = arith.constant 0 : i32
      %dma_wait3A_471 = tpu.memref_slice %arg5[%add3A_467, %dma_wait3A_470] : memref<80x125xi32, #tpu.memory_space<vmem>> -> memref<1x125xi32, #tpu.memory_space<vmem>>
      %dma_wait3A_472 = tpu.memref_squeeze %dma_wait3A_471 : memref<1x125xi32, #tpu.memory_space<vmem>> -> memref<125xi32, #tpu.memory_space<vmem>>
      %dma_wait3A_473 = arith.constant 0 : i32
      %dma_wait3A_474 = tpu.memref_slice %arg7[%dma_wait3A_473] : memref<10240xf32, #tpu.memory_space<vmem_shared>> -> memref<10240xf32, #tpu.memory_space<vmem_shared>>
      tpu.wait_indirect_dma semaphore(%arg8 : memref<!tpu.dma_semaphore, #tpu.memory_space<semaphore_mem>>) src(%dma_wait3A_469 : memref<125xf32, #tpu.memory_space<vmem>>) dst(%dma_wait3A_474 : memref<10240xf32, #tpu.memory_space<vmem_shared>>)
      %mul3A_475 = arith.constant 20 : i32
      %mul3A_476 = arith.muli %scan3A_47, %mul3A_475 : i32
      %add3A_477 = arith.constant 19 : i32
      %add3A_478 = arith.addi %mul3A_476, %add3A_477 : i32
      %dma_wait3A_479 = arith.constant 0 : i32
      %dma_wait3A_480 = tpu.memref_slice %arg6[%dma_wait3A_479] : memref<128xf32, #tpu.memory_space<vmem>> -> memref<125xf32, #tpu.memory_space<vmem>>
      %dma_wait3A_481 = arith.constant 0 : i32
      %dma_wait3A_482 = tpu.memref_slice %arg5[%add3A_478, %dma_wait3A_481] : memref<80x125xi32, #tpu.memory_space<vmem>> -> memref<1x125xi32, #tpu.memory_space<vmem>>
      %dma_wait3A_483 = tpu.memref_squeeze %dma_wait3A_482 : memref<1x125xi32, #tpu.memory_space<vmem>> -> memref<125xi32, #tpu.memory_space<vmem>>
      %dma_wait3A_484 = arith.constant 0 : i32
      %dma_wait3A_485 = tpu.memref_slice %arg7[%dma_wait3A_484] : memref<10240xf32, #tpu.memory_space<vmem_shared>> -> memref<10240xf32, #tpu.memory_space<vmem_shared>>
      tpu.wait_indirect_dma semaphore(%arg8 : memref<!tpu.dma_semaphore, #tpu.memory_space<semaphore_mem>>) src(%dma_wait3A_480 : memref<125xf32, #tpu.memory_space<vmem>>) dst(%dma_wait3A_485 : memref<10240xf32, #tpu.memory_space<vmem_shared>>)
    }
    %scan3A_41 = arith.constant 4 : i32
    %barrier3A_42 = arith.constant 0 : index
    tpu.barrier barrier_id(%barrier3A_42)
    %mul3A_43 = arith.constant 640 : i32
    %mul3A_44 = arith.muli %arg1, %mul3A_43 : i32
    %mul3A_45 = arith.constant 640 : i32
    %mul3A_46 = arith.muli %arg1, %mul3A_45 : i32
    "tpu.region"() ({
      %run_scoped3A = tpu.sem_alloc : memref<!tpu.dma_semaphore, #tpu.memory_space<semaphore_mem>>
      %dma_start3A = tpu.memref_slice %arg4[%arg0, %mul3A_46] : memref<2x10240xf32, #tpu.memory_space<hbm>> -> memref<1x640xf32, #tpu.memory_space<hbm>>
      %dma_start3A_47 = tpu.memref_squeeze %dma_start3A : memref<1x640xf32, #tpu.memory_space<hbm>> -> memref<640xf32, #tpu.memory_space<hbm>>
      %dma_start3A_48 = tpu.memref_slice %arg7[%mul3A_44] : memref<10240xf32, #tpu.memory_space<vmem_shared>> -> memref<640xf32, #tpu.memory_space<vmem_shared>>
      tpu.enqueue_dma source(%dma_start3A_48 : memref<640xf32, #tpu.memory_space<vmem_shared>>) target(%dma_start3A_47 : memref<640xf32, #tpu.memory_space<hbm>>) target_semaphore(%run_scoped3A : memref<!tpu.dma_semaphore, #tpu.memory_space<semaphore_mem>>)
      %dma_wait3A = tpu.memref_slice %arg4[%arg0, %mul3A_46] : memref<2x10240xf32, #tpu.memory_space<hbm>> -> memref<1x640xf32, #tpu.memory_space<hbm>>
      %dma_wait3A_49 = tpu.memref_squeeze %dma_wait3A : memref<1x640xf32, #tpu.memory_space<hbm>> -> memref<640xf32, #tpu.memory_space<hbm>>
      %dma_wait3A_50 = tpu.memref_slice %arg7[%mul3A_44] : memref<10240xf32, #tpu.memory_space<vmem_shared>> -> memref<640xf32, #tpu.memory_space<vmem_shared>>
      tpu.wait_dma2 semaphore(%run_scoped3A : memref<!tpu.dma_semaphore, #tpu.memory_space<semaphore_mem>>) src(%dma_wait3A_50 : memref<640xf32, #tpu.memory_space<vmem_shared>>) dst(%dma_wait3A_49 : memref<640xf32, #tpu.memory_space<hbm>>)
      tpu.yield
    }) : () -> ()
    return
  }
}

module attributes {stable_mosaic.version = 14 : i64} {
  func.func @_scale_body(%arg0: i32, %arg1: memref<2000x128xf32, #tpu.memory_space<vmem>>, %arg2: memref<128x128xf32, #tpu.memory_space<vmem>>, %arg3: memref<2000x2xf32, #tpu.memory_space<vmem>>, %arg4: memref<2000x128xf32, #tpu.memory_space<vmem>>) attributes {dimension_semantics = [#tpu.dimension_semantics<arbitrary>], iteration_bounds = array<i64: 5>, scalar_prefetch = 0 : i64, scratch_operands = 0 : i64, tpu.core_type = #tpu.core_type<tc>, window_params = [{transform_indices = @transform_0, window_bounds = array<i64: 2000, 128>}, {pipeline_mode = #tpu.pipeline_mode<synchronous>, transform_indices = @transform_1, window_bounds = array<i64: 128, 128>}, {transform_indices = @transform_2, window_bounds = array<i64: 2000, 2>}, {transform_indices = @transform_3, window_bounds = array<i64: 2000, 128>}]} {
    %get3A = arith.constant 0 : index
    %get3A_0 = arith.constant 0 : index
    %get3A_1 = vector.load %arg3[%get3A, %get3A_0] : memref<2000x2xf32, #tpu.memory_space<vmem>>, vector<2000x2xf32>
    %reduce_sum3A = arith.constant dense<0.000000e+00> : vector<2000xf32>
    %reduce_sum3A_2 = vector.multi_reduction <add>, %get3A_1, %reduce_sum3A [1] : vector<2000x2xf32> to vector<2000xf32>
    %broadcast_in_dim3A = vector.shape_cast %reduce_sum3A_2 : vector<2000xf32> to vector<2000x1xf32>
    %add3A = arith.constant 1.000000e+00 : f32
    %add3A_3 = vector.broadcast %add3A : f32 to vector<2000x1xf32>
    %add3A_4 = arith.addf %broadcast_in_dim3A, %add3A_3 : vector<2000x1xf32>
    %rsqrt3A = math.rsqrt %add3A_4 : vector<2000x1xf32>
    %get3A_5 = arith.constant 0 : index
    %get3A_6 = arith.constant 0 : index
    %get3A_7 = vector.load %arg1[%get3A_5, %get3A_6] : memref<2000x128xf32, #tpu.memory_space<vmem>>, vector<2000x128xf32>
    %get3A_8 = arith.constant 0 : index
    %get3A_9 = arith.constant 0 : index
    %get3A_10 = vector.load %arg2[%get3A_8, %get3A_9] : memref<128x128xf32, #tpu.memory_space<vmem>>, vector<128x128xf32>
    %dot_general3A = arith.constant dense<0.000000e+00> : vector<2000x128xf32>
    %dot_general3A_11 = tpu.matmul %get3A_7, %get3A_10, %dot_general3A {dimension_numbers = #tpu.dot_dimension_numbers<[1], [0], [0], [1], [0, 0, 1, 1], [], []>, transpose_lhs_hint = false} : vector<2000x128xf32>, vector<128x128xf32>, vector<2000x128xf32> -> vector<2000x128xf32>
    %mul3A = vector.broadcast %rsqrt3A : vector<2000x1xf32> to vector<2000x128xf32>
    %mul3A_12 = arith.mulf %dot_general3A_11, %mul3A : vector<2000x128xf32>
    %swap3A = arith.constant 0 : index
    %swap3A_13 = arith.constant 0 : index
    %swap3A_14 = vector.load %arg4[%swap3A, %swap3A_13] : memref<2000x128xf32, #tpu.memory_space<vmem>>, vector<2000x128xf32>
    tpu.vector_store %arg4[%swap3A, %swap3A_13], %mul3A_12 {strides = array<i32>} : memref<2000x128xf32, #tpu.memory_space<vmem>>, vector<2000x128xf32>,
    return
  }
  func.func @transform_0(%arg0: i32) -> (i32, i32) {
    %c0_i32 = arith.constant 0 : i32
    %c0_i32_0 = arith.constant 0 : i32
    return %arg0, %c0_i32 : i32, i32
  }
  func.func @transform_1(%arg0: i32) -> (i32, i32) {
    %c0_i32 = arith.constant 0 : i32
    %c0_i32_0 = arith.constant 0 : i32
    %c0_i32_1 = arith.constant 0 : i32
    return %c0_i32, %c0_i32_0 : i32, i32
  }
  func.func @transform_2(%arg0: i32) -> (i32, i32) {
    %c0_i32 = arith.constant 0 : i32
    %c0_i32_0 = arith.constant 0 : i32
    return %arg0, %c0_i32 : i32, i32
  }
  func.func @transform_3(%arg0: i32) -> (i32, i32) {
    %c0_i32 = arith.constant 0 : i32
    %c0_i32_0 = arith.constant 0 : i32
    return %arg0, %c0_i32 : i32, i32
  }
}

module attributes {stable_mosaic.version = 14 : i64} {
  func.func @_final_body(%arg0: i32, %arg1: memref<2000x128xf32, #tpu.memory_space<vmem>>, %arg2: memref<2x2000x128xf32, #tpu.memory_space<vmem>>, %arg3: memref<2000x2xf32, #tpu.memory_space<vmem>>, %arg4: memref<1x128xf32, #tpu.memory_space<vmem>>, %arg5: memref<2000x128xf32, #tpu.memory_space<vmem>>) attributes {dimension_semantics = [#tpu.dimension_semantics<arbitrary>], iteration_bounds = array<i64: 5>, scalar_prefetch = 0 : i64, scratch_operands = 0 : i64, tpu.core_type = #tpu.core_type<tc>, window_params = [{transform_indices = @transform_0, window_bounds = array<i64: 2000, 128>}, {transform_indices = @transform_1, window_bounds = array<i64: 2, 2000, 128>}, {transform_indices = @transform_2, window_bounds = array<i64: 2000, 2>}, {pipeline_mode = #tpu.pipeline_mode<synchronous>, transform_indices = @transform_3, window_bounds = array<i64: 1, 128>}, {transform_indices = @transform_4, window_bounds = array<i64: 2000, 128>}]} {
    %get3A = arith.constant 0 : index
    %get3A_0 = arith.constant 0 : index
    %get3A_1 = vector.load %arg3[%get3A, %get3A_0] : memref<2000x2xf32, #tpu.memory_space<vmem>>, vector<2000x2xf32>
    %reduce_sum3A = arith.constant dense<0.000000e+00> : vector<2000xf32>
    %reduce_sum3A_2 = vector.multi_reduction <add>, %get3A_1, %reduce_sum3A [1] : vector<2000x2xf32> to vector<2000xf32>
    %broadcast_in_dim3A = vector.shape_cast %reduce_sum3A_2 : vector<2000xf32> to vector<2000x1xf32>
    %add3A = arith.constant 1.000000e+00 : f32
    %add3A_3 = vector.broadcast %add3A : f32 to vector<2000x1xf32>
    %add3A_4 = arith.addf %broadcast_in_dim3A, %add3A_3 : vector<2000x1xf32>
    %rsqrt3A = math.rsqrt %add3A_4 : vector<2000x1xf32>
    %get3A_5 = arith.constant 0 : index
    %get3A_6 = arith.constant 0 : index
    %get3A_7 = arith.constant 0 : index
    %get3A_8 = vector.load %arg2[%get3A_5, %get3A_6, %get3A_7] : memref<2x2000x128xf32, #tpu.memory_space<vmem>>, vector<1x2000x128xf32>
    %get3A_9 = vector.shape_cast %get3A_8 : vector<1x2000x128xf32> to vector<2000x128xf32>
    %get3A_10 = arith.constant 1 : index
    %get3A_11 = arith.constant 0 : index
    %get3A_12 = arith.constant 0 : index
    %get3A_13 = vector.load %arg2[%get3A_10, %get3A_11, %get3A_12] : memref<2x2000x128xf32, #tpu.memory_space<vmem>>, vector<1x2000x128xf32>
    %get3A_14 = vector.shape_cast %get3A_13 : vector<1x2000x128xf32> to vector<2000x128xf32>
    %add3A_15 = arith.addf %get3A_9, %get3A_14 : vector<2000x128xf32>
    %get3A_16 = arith.constant 0 : index
    %get3A_17 = arith.constant 0 : index
    %get3A_18 = vector.load %arg1[%get3A_16, %get3A_17] : memref<2000x128xf32, #tpu.memory_space<vmem>>, vector<2000x128xf32>
    %mul3A = vector.broadcast %rsqrt3A : vector<2000x1xf32> to vector<2000x128xf32>
    %mul3A_19 = arith.mulf %add3A_15, %mul3A : vector<2000x128xf32>
    %get3A_20 = arith.constant 0 : index
    %get3A_21 = arith.constant 0 : index
    %get3A_22 = vector.load %arg4[%get3A_20, %get3A_21] : memref<1x128xf32, #tpu.memory_space<vmem>>, vector<1x128xf32>
    %add3A_23 = vector.broadcast %get3A_22 : vector<1x128xf32> to vector<2000x128xf32>
    %add3A_24 = arith.addf %mul3A_19, %add3A_23 : vector<2000x128xf32>
    %max3A = arith.constant 0.000000e+00 : f32
    %max3A_25 = vector.broadcast %max3A : f32 to vector<2000x128xf32>
    %max3A_26 = arith.maximumf %add3A_24, %max3A_25 : vector<2000x128xf32>
    %add3A_27 = arith.addf %get3A_18, %max3A_26 : vector<2000x128xf32>
    %swap3A = arith.constant 0 : index
    %swap3A_28 = arith.constant 0 : index
    %swap3A_29 = vector.load %arg5[%swap3A, %swap3A_28] : memref<2000x128xf32, #tpu.memory_space<vmem>>, vector<2000x128xf32>
    tpu.vector_store %arg5[%swap3A, %swap3A_28], %add3A_27 {strides = array<i32>} : memref<2000x128xf32, #tpu.memory_space<vmem>>, vector<2000x128xf32>,
    return
  }
  func.func @transform_0(%arg0: i32) -> (i32, i32) {
    %c0_i32 = arith.constant 0 : i32
    %c0_i32_0 = arith.constant 0 : i32
    return %arg0, %c0_i32 : i32, i32
  }
  func.func @transform_1(%arg0: i32) -> (i32, i32, i32) {
    %c0_i32 = arith.constant 0 : i32
    %c0_i32_0 = arith.constant 0 : i32
    %c0_i32_1 = arith.constant 0 : i32
    return %c0_i32, %arg0, %c0_i32_0 : i32, i32, i32
  }
  func.func @transform_2(%arg0: i32) -> (i32, i32) {
    %c0_i32 = arith.constant 0 : i32
    %c0_i32_0 = arith.constant 0 : i32
    return %arg0, %c0_i32 : i32, i32
  }
  func.func @transform_3(%arg0: i32) -> (i32, i32) {
    %c0_i32 = arith.constant 0 : i32
    %c0_i32_0 = arith.constant 0 : i32
    %c0_i32_1 = arith.constant 0 : i32
    return %c0_i32, %c0_i32_0 : i32, i32
  }
  func.func @transform_4(%arg0: i32) -> (i32, i32) {
    %c0_i32 = arith.constant 0 : i32
    %c0_i32_0 = arith.constant 0 : i32
    return %arg0, %c0_i32 : i32, i32
  }
}

</mosaic_0001>

<sc_bundles>
// kernel: kernel.6.cloned.1.call-start
scs
__scs_entry_jumppad:
0x0: {  	(pc) =	sbr.rel $0x88, $3  }
0x1: {  	(tag) =	ssettag $0x0;
	lr =	simm.s32 $0x1  }
0x2: {  	[smem:$0x3F9D] =	sst lr;
	_ =	strace $0xD0000000  }
0x3: {  	_ = 	snop  }
0x4: {  	_ = 	snop  }
0x5: {  	_ = 	snop  }
0x6: {  	_ = 	snop  }
0x7: {  	_ = 	snop  }
__scs_overlays_trampoline_lowered:
0x8: {  	[smem:$0x3FAC] =	sst s0  }
0x9: {  	[smem:$0x3FAD] =	sst s1  }
0xa: {  	[smem:$0x3FAE] =	sst s2  }
0xb: {  	[smem:$0x3FAF] =	sst s3  }
0xc: {  	[smem:$0x3FB0] =	sst s4  }
0xd: {  	[smem:$0x3FB1] =	sst s5  }
0xe: {  	[smem:$0x3FB2] =	sst s6  }
0xf: {  	[smem:$0x3FB3] =	sst s7  }
0x10: {  	[smem:$0x3FB4] =	sst s8  }
0x11: {  	[smem:$0x3FB5] =	sst s9;
	s0 =	simm.s32 @!p0 $0x0  }
0x12: {  	s1 =	sld [smem:$0x3F9B];
	s0 =	simm.s32 @p0 $0x1  }
0x13: {  	[smem:$0x3FB6] =	sst s0;
	s0 =	simm.s32 @!p1 $0x0  }
0x14: {  	s2 =	sld [smem:$0x3F9A];
	s0 =	simm.s32 @p1 $0x1  }
0x15: {  	[smem:$0x3FB7] =	sst s0;
	s0 =	simm.s32 @!p2 $0x0  }
0x16: {  	s3 =	sld [smem:$0x3FDB];
	s0 =	simm.s32 @p2 $0x1  }
0x17: {  	s4 =	simm.s32 $0x1BF5;
	[smem:$0x3FB9] =	sst s0  }
0x18: {  	s0 =	sld [smem:$0x3F9C];
	_ =	swait.ge [sflag:s4], $0x0  }
0x19: {  	s7 =	sld [smem:$0x3F9D]  }
0x1a: {  	s8 =	sadd.s32 $0xFFFFE003, lr  }
0x1b: {  	s9 =	sadd.s32 $0xFFFFFEF7, lr;
	s5 =	simm.s32 $0xFFFFFFFF;
	p2 =	slt.u32 s8, $0xFFFFF086  }
0x1c: {  	p1 =	slt.u32 s9, $0xF7A;
	s5 =	simm.s32 @!p2 $0x0  }
0x1d: {  	s5 =	simm.s32 @p1 $0x1;
	p0 =	seq.s32 s7, s2  }
0x1e: {  	s7 =	smul.u32 @!p0 $0xF7A, s2;
	p2 =	seq.s32 @!p0 s5, $0x0  }
0x1f: {  	s9 =	smul.u32 $0xF7A, s1;
	s8 =	simm.s32 @!p0 $0x1BF5;
	p2 =	por !p2, p0  }
0x20: {  	[sflag:s8] =	ssyncset.s32 @!p0 $0xFFFFF086;
	s6 =	sadd.s32 @!p0 s3, s7;
	s7 =	simm.s32 @!p0 $0x108  }
0x21: {  	s3 =	sadd.s32 s3, s9;
	s6 =	sadd.s32 @!p0 $0x88, s6;
	s7 =	simm.s32 @p2 $0x1082  }
0x22: {  	[simem:s7], [sflag:s8] =	dma.local @!p0 [hbm:s6], $0xF7A  }
0x23: {  	s9 =	sor.u32 $0xD0000000, s2;
	s6 =	simm.s32 $0x108;
	_ =	swait.ge @!p0 [sflag:s8], $0x0  }
0x24: {  	s3 =	sadd.s32 $0x88, s3;
	s6 =	simm.s32 @!p1 $0x1082;
	[sflag:s4] =	ssyncset.s32 $0xFFFFF086  }
0x25: {  	[simem:s6], [sflag:s4] =	dma.local [hbm:s3], $0xF7A  }
0x26: {  	[smem:$0x3F9D] =	sst s1;
	(tag) =	ssettag s2;
	_ =	strace s9  }
0x27: {  	s1 =	sld [smem:$0x3FAD]  }
0x28: {  	s2 =	sld [smem:$0x3FAE]  }
0x29: {  	s4 =	sld [smem:$0x3FB0]  }
0x2a: {  	p0 =	seq.s32 s5, $0x0;
	s5 =	sld [smem:$0x3FB1]  }
0x2b: {  	s6 =	sld [smem:$0x3FB2]  }
0x2c: {  	s7 =	sld [smem:$0x3FB3]  }
0x2d: {  	s3 =	simm.s32 $0x108;
	s8 =	sld [smem:$0x3FB4]  }
0x2e: {  	s3 =	simm.s32 @!p0 $0x1082;
	s9 =	sld [smem:$0x3FB5]  }
0x2f: {  	lr =	sadd.s32 s0, s3;
	s0 =	sld [smem:$0x3FAC]  }
0x30: {  	s3 =	sld [smem:$0x3FAF]  }
0x31: {  	[smem:$0x3FB8] =	sst s10  }
0x32: {  	s10 =	sld [smem:$0x3FB6];
	_ =	sdelay $0x3  }
0x33: {  	p0 =	seq.s32 s10, $0x1;
	s10 =	sld [smem:$0x3FB8];
	_ =	sdelay $0x3  }
0x34: {  	[smem:$0x3FB8] =	sst s10  }
0x35: {  	s10 =	sld [smem:$0x3FB7];
	_ =	sdelay $0x3  }
0x36: {  	p1 =	seq.s32 s10, $0x1;
	s10 =	sld [smem:$0x3FB8];
	_ =	sdelay $0x3  }
0x37: {  	[smem:$0x3FB8] =	sst s10  }
0x38: {  	s10 =	sld [smem:$0x3FB9]  }
0x39: {  	_ = 	snop;
	(pc) =	sbr.ind lr, $3  }
0x3a: {  	_ = 	snop  }
0x3b: {  	_ = 	snop  }
0x3c: {  	p2 =	seq.s32 s10, $0x1;
	s10 =	sld [smem:$0x3FB8]  }
0x3d: {  	_ =	shalt  }
0x3e: {  	_ =	shalt  }
0x3f: {  	_ =	shalt  }
0x40: {  	_ =	shalt  }
0x41: {  	_ =	shalt  }
0x42: {  	_ =	shalt  }
0x43: {  	_ =	shalt  }
0x44: {  	_ =	shalt  }
0x45: {  	_ =	shalt  }
0x46: {  	_ =	shalt  }
0x47: {  	_ =	shalt  }
0x48: {  	_ =	shalt  }
0x49: {  	_ =	shalt  }
0x4a: {  	_ =	shalt  }
0x4b: {  	_ =	shalt  }
0x4c: {  	_ =	shalt  }
0x4d: {  	_ =	shalt  }
0x4e: {  	_ =	shalt  }
0x4f: {  	_ =	shalt  }
0x50: {  	_ =	shalt  }
0x51: {  	_ =	shalt  }
0x52: {  	_ =	shalt  }
0x53: {  	_ =	shalt  }
0x54: {  	_ =	shalt  }
0x55: {  	_ =	shalt  }
0x56: {  	_ =	shalt  }
0x57: {  	_ =	shalt  }
0x58: {  	_ =	shalt  }
0x59: {  	_ =	shalt  }
0x5a: {  	_ =	shalt  }
0x5b: {  	_ =	shalt  }
0x5c: {  	_ =	shalt  }
0x5d: {  	_ =	shalt  }
0x5e: {  	_ =	shalt  }
0x5f: {  	_ =	shalt  }
0x60: {  	_ =	shalt  }
0x61: {  	_ =	shalt  }
0x62: {  	_ =	shalt  }
0x63: {  	_ =	shalt  }
0x64: {  	_ =	shalt  }
0x65: {  	_ =	shalt  }
0x66: {  	_ =	shalt  }
0x67: {  	_ =	shalt  }
0x68: {  	_ =	shalt  }
0x69: {  	_ =	shalt  }
0x6a: {  	_ =	shalt  }
0x6b: {  	_ =	shalt  }
0x6c: {  	_ =	shalt  }
0x6d: {  	_ =	shalt  }
0x6e: {  	_ =	shalt  }
0x6f: {  	_ =	shalt  }
0x70: {  	_ =	shalt  }
0x71: {  	_ =	shalt  }
0x72: {  	_ =	shalt  }
0x73: {  	_ =	shalt  }
0x74: {  	_ =	shalt  }
0x75: {  	_ =	shalt  }
0x76: {  	_ =	shalt  }
0x77: {  	_ =	shalt  }
0x78: {  	_ =	shalt  }
0x79: {  	_ =	shalt  }
0x7a: {  	_ =	shalt  }
0x7b: {  	_ =	shalt  }
0x7c: {  	_ =	shalt  }
0x7d: {  	_ =	shalt  }
0x7e: {  	_ =	shalt  }
0x7f: {  	_ =	shalt  }
0x80: {  	_ =	shalt  }
0x81: {  	_ =	shalt  }
0x82: {  	_ =	shalt  }
0x83: {  	_ =	shalt  }
0x84: {  	_ =	shalt  }
0x85: {  	_ =	shalt  }
0x86: {  	_ =	shalt  }
0x87: {  	_ =	shalt  }
.Lfunc_end0:
.L_simem_size_0:
called_computation_lowered:
.L_overlay_start_0:
0x88: {  	s2 =	sld [smem:$0x3FD9]  }
0x89: {  	s3 =	sld [smem:$0x3FFE];
	_ =	sdelay $0x1  }
0x8a: {  	s1 =	srdreg.scid  }
0x8b: {  	s0 =	sand.u32 $0x1, s1  }
0x8c: {  	s17 =	sshll.u32 s0, $0xA;
	s2 =	sadd.s32 s3, s2  }
0x8d: {  	s2 =	sadd.s32 s2, s17  }
0x8e: {  	[smem:$0x3FC4] =	sst s2  }
0x8f: {  	_ = 	snop  }
0x90: {  	s2 =	sld [smem:$0x3FD0];
	(tm) =	ssettm $0x1  }
0x91: {  	s18 =	sld [smem:$0x3FFB];
	_ =	sdelay $0x3  }
0x92: {  	_ =	strace s18  }
0x93: {  	s3 =	sld [smem:$0x3FFC];
	_ =	sdelay $0x3  }
0x94: {  	_ =	strace s3  }
0x95: {  	s3 =	sld [smem:$0x3FFD];
	_ =	sdelay $0x3  }
0x96: {  	_ =	strace s3  }
0x97: {  	_ =	strace $0x8FFFFFFF  }
0x98: {  	s19 =	sld [smem:$0x3FDB];
	_ =	sdelay $0x1  }
0x99: {  	s4 =	simm.s32 $_scs_section_size  }
0x9a: {  	s5 =	simm.s32 $_size__tile_overlayer_lowered;
	s6 =	simm.s32 $_tile_overlayer_lowered  }
0x9b: {  	s22 =	simm.s32 $0x1BFF;
	s21 =	sshll.u32 s6, $0x1;
	s3 =	sadd.s32 s4, s19  }
0x9c: {  	s7 =	simm.s32 $0x0;
	s20 =	sshll.u32 s5, $0x1;
	s5 =	sadd.s32 s21, s3  }
0x9d: {  	[timem:s7], [sflag:s22] =	dma.local [hbm:s5], s20  }
0x9e: {  	_ =	swait.ge [sflag:s22], s20  }
0x9f: {  	s4 =	ssub.s32 $0x0, s20;
	[sflag:s22] =	ssyncset.done $0x0  }
0xa0: {  	[sflag:s22] =	ssyncadd.s32 s4;
	_ =	sdelay $0x1  }
0xa1: {  	s23 =	simm.s32 $0x1B8B  }
0xa2: {  	_ =	swait.ge [sflag:s23], $0x1  }
0xa3: {  	[sflag:s23] =	ssyncset.done $0x0  }
0xa4: {  	s25 =	simm.s32 $0x1B8E;
	s24 =	sld [smem:$0x3FFE];
	[sflag:s23] =	ssyncadd.s32 $0xFFFFFFFF  }
0xa5: {  	s26 =	simm.s32 $execute0_lowered;
	[smem:$0x3FD2] =	sst s25  }
0xa6: {  	s5 =	sshll.u32 s26, $0x1;
	_ =	strace $0x80000046;
	[dreg:$0x1] =	wrdreg $0xFFFFFFFF  }
0xa7: {  	s28 =	simm.s32 $_size_execute0_lowered;
	s3 =	sadd.s32 s3, s5;
	[dreg:$0x0] =	wrdreg $0x0  }
0xa8: {  	s5 =	sshll.u32 s28, $0x1;
	[dreg:$0x2] =	wrdreg s3  }
0xa9: {  	[dreg:$0x3] =	wrdreg s5  }
0xaa: {  	[dreg:$0x4] =	wrdreg $0xC0  }
0xab: {  	_ =	task [dreg:s7], $0x5FFFF  }
0xac: {  	[dreg:$0x1] =	wrdreg $0xFFFFFFFF  }
0xad: {  	[dreg:$0x0] =	wrdreg $0x60  }
0xae: {  	[dreg:$0x2] =	wrdreg s2  }
0xaf: {  	[dreg:$0x3] =	wrdreg s24  }
0xb0: {  	[dreg:$0x4] =	wrdreg $0x28800  }
0xb1: {  	[dreg:$0x5] =	wrdreg $0x9  }
0xb2: {  	_ =	task.clear_ibuf [dreg:s7], $0x6FFFF;
	_ =	strace $0x90000046  }
0xb3: {  	s29 =	simm.s32 $0x9;
	_ =	strace $0x80000048  }
0xb4: {  	_ =	swait.ge [sflag:s29], $0x1  }
0xb5: {  	[sflag:s29] =	ssyncadd.s32 $0xFFFFFFFF  }
0xb6: {  	_ =	strace $0x90000048  }
0xb7: {  	_ =	sfence  }
0xb8: {  	s30 =	sld [smem:$0x0];
	_ =	sdelay $0x2  }
0xb9: {  	s31 =	sshll.u32 s1, $0xD;
	s1 =	sshrl.u32 s1, $0x2  }
0xba: {  	s3 =	sand.u32 $0x4000, s31;
	s1 =	sadd.s32 s1, s30  }
0xbb: {  	s0 =	sor.u32 s3, s0;
	s1 =	sshll.u32 s1, $0x11  }
0xbc: {  	s0 =	sor.u32 s1, s0  }
0xbd: {  	s0 =	sadd.s32 $0x8F2B, s0  }
0xbe: {  	[sflag:s0] =	ssyncadd.remote.s32 $0x1  }
0xbf: {  	_ =	sfence.sel $0xFFFF  }
0xc0: {  	[dreg:$0x0] =	wrdreg $0xFFFFFFFF;
	(pc) =	sbr.abs _section_cstart, $3  }
0xc1: {  	[dreg:$0x1] =	wrdreg $0xFFFFFFFF  }
0xc2: {  	_ =	task.clear_ibuf [dreg:s7], $0x2FFFF;
	_ =	strace $0x9FFFFFFF  }
0xc3: {  	(tm) =	ssettm $0x7FFFFFFF  }
tec
execute0_lowered:
.L_overlay_start_1:
0x0: {  	(tag) =	ssettag $0x1  }
0x1: {  	s6 =	rddreg [dreg:$0x0]  }
0x2: {  	s4 =	rddreg [dreg:$0x1]  }
0x3: {  	s2 =	rddreg [dreg:$0x2]  }
0x4: {  	s1 =	stileid.u32;
	s0 =	rddreg [dreg:$0x3];
	s3 =	simm.s32 $0x0  }
0x5: {  	s7 =	srdreg.scid;
	s13 =	simm.s32 $0x1;
	s14 =	simm.s32 $0x20  }
0x6: {  	s15 =	simm.s32 $0x10;
	s16 =	simm.s32 $0x0;
	s5 =	smul.u32 $0x280, s1  }
0x7: {  	[smem:$0x7FF] =	sst s3;
	s7 =	sand.u32 $0x1, s7;
	s9 =	smul.u32 $0x500, s1  }
0x8: {  	s11 =	sshll.u32 s1, $0x1;
	s31 =	sshll.u32 s1, $0x6;
	_ =	strace $0x80000047  }
0x9: {  	s10 =	sshll.u32 s7, $0x7;
	s29 =	ssub.s32 $0x2, s7;
	s7 =	sor.u32 s7, s11  }
0xa: {  	s11 =	simm.s32 $0x7D;
	s8 =	sshrl.u32 s5, $0x3;
	s9 =	sor.u32 s10, s9  }
0xb: {  	s12 =	sshrl.u32 s29, $0x1;
	s7 =	smul.u32 $0x500, s7;
	s30 =	sadd.s32 s5, s2  }
0xc: {  	s5 =	sor.u32 $0x1C02, s31;
	s8 =	sadd.s32 s8, s4;
	s9 =	sshrl.u32 s9, $0x3  }
0xd: {  	s10 =	ssub.s32 s29, s12;
	s12 =	simm.s32 $0x2800;
	s9 =	sadd.s32 s9, s4  }
0xe: {  	s4 =	sadd.s32 $0x1000, s8;
	s6 =	sadd.s32 s6, s7;
	s8 =	smax.u32 s10, $0x1  }
0xf: {  	v0 =	vimm.f32 $1.000000000e+00;
	s10 =	simm.s32 $0x2;
	s7 =	sadd.s32 $0x1600, s9;
	s9 =	sshrl.u32 s30, $0x3  }
.LBB2_1:
0x10: {  	[spmem:s9], [sflag:s5] =	dma.local [hbm:s4], $0x50  }
0x11: {  	_ =	swait.ge [sflag:s10], $0x50  }
0x12: {  	[sflag:s10] =	ssyncset.done $0x0  }
0x13: {  	[sflag:s10] =	ssyncadd.s32 $0xFFFFFFB0  }
0x14: {  	[tilespmem:s3], [sflag:$0x2] =	stream.linear.gather [hbm4b:s6+s3], $0x2800, $0x38;
	[tilespmem:$0x2B00] =	vst v63  }
0x15: {  	_ =	swait.ge [sflag:s10], $0x2800  }
0x16: {  	[sflag:s10] =	ssyncset.done $0x0  }
0x17: {  	[sflag:s10] =	ssyncadd.s32 $0xFFFFD800  }
0x18: {  	[tilespmem:$0x2800] =	vst v0  }
0x19: {  	[tilespmem:$0x2810] =	vst v0  }
0x1a: {  	[tilespmem:$0x2820] =	vst v0  }
0x1b: {  	[tilespmem:$0x2830] =	vst v0  }
0x1c: {  	[tilespmem:$0x2840] =	vst v0  }
0x1d: {  	[tilespmem:$0x2850] =	vst v0  }
0x1e: {  	[tilespmem:$0x2860] =	vst v0  }
0x1f: {  	[tilespmem:$0x2870] =	vst v0  }
0x20: {  	s17 =	simm.s32 $0x0;
	[bflag:$0x0] =	sbarrier.arrive $0xFFFF  }
0x21: {  	[spmem:s2] =	stream.indirect.scatter.add.f32 [tilespmem:s12], [sflag:$0x1], $0x1, s17, s11, $0xb8;
	[tilespmem:$0x2B00] =	vst v63  }
0x22: {  	s25 =	simm.s32 $0x80  }
0x23: {  	[spmem:s2] =	stream.indirect.scatter.add.f32 [tilespmem:s12], [sflag:$0x1], $0x1, s25, s11, $0xb8;
	[tilespmem:$0x2B00] =	vst v63  }
0x24: {  	s26 =	simm.s32 $0x100  }
0x25: {  	[spmem:s2] =	stream.indirect.scatter.add.f32 [tilespmem:s12], [sflag:$0x1], $0x1, s26, s11, $0xb8;
	[tilespmem:$0x2B00] =	vst v63  }
0x26: {  	s28 =	simm.s32 $0x180  }
0x27: {  	[spmem:s2] =	stream.indirect.scatter.add.f32 [tilespmem:s12], [sflag:$0x1], $0x1, s28, s11, $0xb8;
	[tilespmem:$0x2B00] =	vst v63  }
0x28: {  	s29 =	simm.s32 $0x200  }
0x29: {  	[spmem:s2] =	stream.indirect.scatter.add.f32 [tilespmem:s12], [sflag:$0x1], $0x1, s29, s11, $0xb8;
	[tilespmem:$0x2B00] =	vst v63  }
0x2a: {  	s30 =	simm.s32 $0x280  }
0x2b: {  	[spmem:s2] =	stream.indirect.scatter.add.f32 [tilespmem:s12], [sflag:$0x1], $0x1, s30, s11, $0xb8;
	[tilespmem:$0x2B00] =	vst v63  }
0x2c: {  	s31 =	simm.s32 $0x300  }
0x2d: {  	[spmem:s2] =	stream.indirect.scatter.add.f32 [tilespmem:s12], [sflag:$0x1], $0x1, s31, s11, $0xb8;
	[tilespmem:$0x2B00] =	vst v63  }
0x2e: {  	s18 =	simm.s32 $0x380  }
0x2f: {  	[spmem:s2] =	stream.indirect.scatter.add.f32 [tilespmem:s12], [sflag:$0x1], $0x1, s18, s11, $0xb8;
	[tilespmem:$0x2B00] =	vst v63  }
0x30: {  	s19 =	simm.s32 $0x400  }
0x31: {  	[spmem:s2] =	stream.indirect.scatter.add.f32 [tilespmem:s12], [sflag:$0x1], $0x1, s19, s11, $0xb8;
	[tilespmem:$0x2B00] =	vst v63  }
0x32: {  	s20 =	simm.s32 $0x480  }
0x33: {  	[spmem:s2] =	stream.indirect.scatter.add.f32 [tilespmem:s12], [sflag:$0x1], $0x1, s20, s11, $0xb8;
	[tilespmem:$0x2B00] =	vst v63  }
0x34: {  	s21 =	simm.s32 $0x500  }
0x35: {  	[spmem:s2] =	stream.indirect.scatter.add.f32 [tilespmem:s12], [sflag:$0x1], $0x1, s21, s11, $0xb8;
	[tilespmem:$0x2B00] =	vst v63  }
0x36: {  	s22 =	simm.s32 $0x580  }
0x37: {  	[spmem:s2] =	stream.indirect.scatter.add.f32 [tilespmem:s12], [sflag:$0x1], $0x1, s22, s11, $0xb8;
	[tilespmem:$0x2B00] =	vst v63  }
0x38: {  	s23 =	simm.s32 $0x600  }
0x39: {  	[spmem:s2] =	stream.indirect.scatter.add.f32 [tilespmem:s12], [sflag:$0x1], $0x1, s23, s11, $0xb8;
	[tilespmem:$0x2B00] =	vst v63  }
0x3a: {  	s24 =	simm.s32 $0x680  }
0x3b: {  	[spmem:s2] =	stream.indirect.scatter.add.f32 [tilespmem:s12], [sflag:$0x1], $0x1, s24, s11, $0xb8;
	[tilespmem:$0x2B00] =	vst v63  }
0x3c: {  	s25 =	simm.s32 $0x700  }
0x3d: {  	[spmem:s2] =	stream.indirect.scatter.add.f32 [tilespmem:s12], [sflag:$0x1], $0x1, s25, s11, $0xb8;
	[tilespmem:$0x2B00] =	vst v63  }
0x3e: {  	s26 =	simm.s32 $0x780  }
0x3f: {  	[spmem:s2] =	stream.indirect.scatter.add.f32 [tilespmem:s12], [sflag:$0x1], $0x1, s26, s11, $0xb8;
	[tilespmem:$0x2B00] =	vst v63  }
0x40: {  	s28 =	simm.s32 $0x800  }
0x41: {  	[spmem:s2] =	stream.indirect.scatter.add.f32 [tilespmem:s12], [sflag:$0x1], $0x1, s28, s11, $0xb8;
	[tilespmem:$0x2B00] =	vst v63  }
0x42: {  	s29 =	simm.s32 $0x880  }
0x43: {  	[spmem:s2] =	stream.indirect.scatter.add.f32 [tilespmem:s12], [sflag:$0x1], $0x1, s29, s11, $0xb8;
	[tilespmem:$0x2B00] =	vst v63  }
0x44: {  	s30 =	simm.s32 $0x900  }
0x45: {  	[spmem:s2] =	stream.indirect.scatter.add.f32 [tilespmem:s12], [sflag:$0x1], $0x1, s30, s11, $0xb8;
	[tilespmem:$0x2B00] =	vst v63  }
0x46: {  	s31 =	simm.s32 $0x980  }
0x47: {  	[spmem:s2] =	stream.indirect.scatter.add.f32 [tilespmem:s12], [sflag:$0x1], $0x1, s31, s11, $0xb8;
	[tilespmem:$0x2B00] =	vst v63  }
0x48: {  	_ =	swait.ge [sflag:s13], $0x7D  }
0x49: {  	[sflag:s13] =	ssyncset.done $0x0  }
0x4a: {  	[sflag:s13] =	ssyncadd.s32 $0xFFFFFF83  }
0x4b: {  	_ =	swait.ge [sflag:s13], $0x7D  }
0x4c: {  	[sflag:s13] =	ssyncset.done $0x0  }
0x4d: {  	[sflag:s13] =	ssyncadd.s32 $0xFFFFFF83  }
0x4e: {  	_ =	swait.ge [sflag:s13], $0x7D  }
0x4f: {  	[sflag:s13] =	ssyncset.done $0x0  }
0x50: {  	[sflag:s13] =	ssyncadd.s32 $0xFFFFFF83  }
0x51: {  	_ =	swait.ge [sflag:s13], $0x7D  }
0x52: {  	[sflag:s13] =	ssyncset.done $0x0  }
0x53: {  	[sflag:s13] =	ssyncadd.s32 $0xFFFFFF83  }
0x54: {  	_ =	swait.ge [sflag:s13], $0x7D  }
0x55: {  	[sflag:s13] =	ssyncset.done $0x0  }
0x56: {  	[sflag:s13] =	ssyncadd.s32 $0xFFFFFF83  }
0x57: {  	_ =	swait.ge [sflag:s13], $0x7D  }
0x58: {  	[sflag:s13] =	ssyncset.done $0x0  }
0x59: {  	[sflag:s13] =	ssyncadd.s32 $0xFFFFFF83  }
0x5a: {  	_ =	swait.ge [sflag:s13], $0x7D  }
0x5b: {  	[sflag:s13] =	ssyncset.done $0x0  }
0x5c: {  	[sflag:s13] =	ssyncadd.s32 $0xFFFFFF83  }
0x5d: {  	_ =	swait.ge [sflag:s13], $0x7D  }
0x5e: {  	[sflag:s13] =	ssyncset.done $0x0  }
0x5f: {  	[sflag:s13] =	ssyncadd.s32 $0xFFFFFF83  }
0x60: {  	_ =	swait.ge [sflag:s13], $0x7D  }
0x61: {  	[sflag:s13] =	ssyncset.done $0x0  }
0x62: {  	[sflag:s13] =	ssyncadd.s32 $0xFFFFFF83  }
0x63: {  	_ =	swait.ge [sflag:s13], $0x7D  }
0x64: {  	[sflag:s13] =	ssyncset.done $0x0  }
0x65: {  	[sflag:s13] =	ssyncadd.s32 $0xFFFFFF83  }
0x66: {  	_ =	swait.ge [sflag:s13], $0x7D  }
0x67: {  	[sflag:s13] =	ssyncset.done $0x0  }
0x68: {  	[sflag:s13] =	ssyncadd.s32 $0xFFFFFF83  }
0x69: {  	_ =	swait.ge [sflag:s13], $0x7D  }
0x6a: {  	[sflag:s13] =	ssyncset.done $0x0  }
0x6b: {  	[sflag:s13] =	ssyncadd.s32 $0xFFFFFF83  }
0x6c: {  	_ =	swait.ge [sflag:s13], $0x7D  }
0x6d: {  	[sflag:s13] =	ssyncset.done $0x0  }
0x6e: {  	[sflag:s13] =	ssyncadd.s32 $0xFFFFFF83  }
0x6f: {  	_ =	swait.ge [sflag:s13], $0x7D  }
0x70: {  	[sflag:s13] =	ssyncset.done $0x0  }
0x71: {  	[sflag:s13] =	ssyncadd.s32 $0xFFFFFF83  }
0x72: {  	_ =	swait.ge [sflag:s13], $0x7D  }
0x73: {  	[sflag:s13] =	ssyncset.done $0x0  }
0x74: {  	[sflag:s13] =	ssyncadd.s32 $0xFFFFFF83  }
0x75: {  	_ =	swait.ge [sflag:s13], $0x7D  }
0x76: {  	[sflag:s13] =	ssyncset.done $0x0  }
0x77: {  	[sflag:s13] =	ssyncadd.s32 $0xFFFFFF83  }
0x78: {  	_ =	swait.ge [sflag:s13], $0x7D  }
0x79: {  	[sflag:s13] =	ssyncset.done $0x0  }
0x7a: {  	[sflag:s13] =	ssyncadd.s32 $0xFFFFFF83  }
0x7b: {  	_ =	swait.ge [sflag:s13], $0x7D  }
0x7c: {  	[sflag:s13] =	ssyncset.done $0x0  }
0x7d: {  	[sflag:s13] =	ssyncadd.s32 $0xFFFFFF83  }
0x7e: {  	_ =	swait.ge [sflag:s13], $0x7D  }
0x7f: {  	[sflag:s13] =	ssyncset.done $0x0  }
0x80: {  	[sflag:s13] =	ssyncadd.s32 $0xFFFFFF83  }
0x81: {  	_ =	swait.ge [sflag:s13], $0x7D  }
0x82: {  	s17 =	simm.s32 $0x2800;
	s20 =	simm.s32 $0x5000;
	[sflag:s13] =	ssyncset.done $0x0  }
.LBB2_2:
0x83: {  	s19 =	sshra.s32 s17, $0x2  }
0x84: {  	[sflag:s13] =	ssyncadd.s32 $0xFFFFFF83;
	s17 =	smov.u32 s20;
	s18 =	sadd.s32 $0x2800, s20  }
0x85: {  	[spmem:s2] =	stream.indirect.scatter.add.f32 [tilespmem:s12], [sflag:$0x1], $0x1, s19, s11, $0xb8;
	[tilespmem:$0x2B00] =	vst v63  }
0x86: {  	p0 =	sne.s32 s20, $0x7800;
	s20 =	sadd.s32 $0x80, s19  }
0x87: {  	[spmem:s2] =	stream.indirect.scatter.add.f32 [tilespmem:s12], [sflag:$0x1], $0x1, s20, s11, $0xb8;
	[tilespmem:$0x2B00] =	vst v63  }
0x88: {  	s20 =	sadd.s32 $0x100, s19  }
0x89: {  	[spmem:s2] =	stream.indirect.scatter.add.f32 [tilespmem:s12], [sflag:$0x1], $0x1, s20, s11, $0xb8;
	[tilespmem:$0x2B00] =	vst v63  }
0x8a: {  	s20 =	sadd.s32 $0x180, s19  }
0x8b: {  	[spmem:s2] =	stream.indirect.scatter.add.f32 [tilespmem:s12], [sflag:$0x1], $0x1, s20, s11, $0xb8;
	[tilespmem:$0x2B00] =	vst v63  }
0x8c: {  	s20 =	sadd.s32 $0x200, s19  }
0x8d: {  	[spmem:s2] =	stream.indirect.scatter.add.f32 [tilespmem:s12], [sflag:$0x1], $0x1, s20, s11, $0xb8;
	[tilespmem:$0x2B00] =	vst v63  }
0x8e: {  	s20 =	sadd.s32 $0x280, s19  }
0x8f: {  	[spmem:s2] =	stream.indirect.scatter.add.f32 [tilespmem:s12], [sflag:$0x1], $0x1, s20, s11, $0xb8;
	[tilespmem:$0x2B00] =	vst v63  }
0x90: {  	s20 =	sadd.s32 $0x300, s19  }
0x91: {  	[spmem:s2] =	stream.indirect.scatter.add.f32 [tilespmem:s12], [sflag:$0x1], $0x1, s20, s11, $0xb8;
	[tilespmem:$0x2B00] =	vst v63  }
0x92: {  	s20 =	sadd.s32 $0x380, s19  }
0x93: {  	[spmem:s2] =	stream.indirect.scatter.add.f32 [tilespmem:s12], [sflag:$0x1], $0x1, s20, s11, $0xb8;
	[tilespmem:$0x2B00] =	vst v63  }
0x94: {  	s20 =	sadd.s32 $0x400, s19  }
0x95: {  	[spmem:s2] =	stream.indirect.scatter.add.f32 [tilespmem:s12], [sflag:$0x1], $0x1, s20, s11, $0xb8;
	[tilespmem:$0x2B00] =	vst v63  }
0x96: {  	s20 =	sadd.s32 $0x480, s19  }
0x97: {  	[spmem:s2] =	stream.indirect.scatter.add.f32 [tilespmem:s12], [sflag:$0x1], $0x1, s20, s11, $0xb8;
	[tilespmem:$0x2B00] =	vst v63  }
0x98: {  	s20 =	sadd.s32 $0x500, s19  }
0x99: {  	[spmem:s2] =	stream.indirect.scatter.add.f32 [tilespmem:s12], [sflag:$0x1], $0x1, s20, s11, $0xb8;
	[tilespmem:$0x2B00] =	vst v63  }
0x9a: {  	s20 =	sadd.s32 $0x580, s19  }
0x9b: {  	[spmem:s2] =	stream.indirect.scatter.add.f32 [tilespmem:s12], [sflag:$0x1], $0x1, s20, s11, $0xb8;
	[tilespmem:$0x2B00] =	vst v63  }
0x9c: {  	s20 =	sadd.s32 $0x600, s19  }
0x9d: {  	[spmem:s2] =	stream.indirect.scatter.add.f32 [tilespmem:s12], [sflag:$0x1], $0x1, s20, s11, $0xb8;
	[tilespmem:$0x2B00] =	vst v63  }
0x9e: {  	s20 =	sadd.s32 $0x680, s19  }
0x9f: {  	[spmem:s2] =	stream.indirect.scatter.add.f32 [tilespmem:s12], [sflag:$0x1], $0x1, s20, s11, $0xb8;
	[tilespmem:$0x2B00] =	vst v63  }
0xa0: {  	s20 =	sadd.s32 $0x700, s19  }
0xa1: {  	[spmem:s2] =	stream.indirect.scatter.add.f32 [tilespmem:s12], [sflag:$0x1], $0x1, s20, s11, $0xb8;
	[tilespmem:$0x2B00] =	vst v63  }
0xa2: {  	s20 =	sadd.s32 $0x780, s19  }
0xa3: {  	[spmem:s2] =	stream.indirect.scatter.add.f32 [tilespmem:s12], [sflag:$0x1], $0x1, s20, s11, $0xb8;
	[tilespmem:$0x2B00] =	vst v63  }
0xa4: {  	s20 =	sadd.s32 $0x800, s19  }
0xa5: {  	[spmem:s2] =	stream.indirect.scatter.add.f32 [tilespmem:s12], [sflag:$0x1], $0x1, s20, s11, $0xb8;
	[tilespmem:$0x2B00] =	vst v63  }
0xa6: {  	s20 =	sadd.s32 $0x880, s19  }
0xa7: {  	[spmem:s2] =	stream.indirect.scatter.add.f32 [tilespmem:s12], [sflag:$0x1], $0x1, s20, s11, $0xb8;
	[tilespmem:$0x2B00] =	vst v63  }
0xa8: {  	s20 =	sadd.s32 $0x900, s19  }
0xa9: {  	[spmem:s2] =	stream.indirect.scatter.add.f32 [tilespmem:s12], [sflag:$0x1], $0x1, s20, s11, $0xb8;
	[tilespmem:$0x2B00] =	vst v63  }
0xaa: {  	s19 =	sadd.s32 $0x980, s19  }
0xab: {  	[spmem:s2] =	stream.indirect.scatter.add.f32 [tilespmem:s12], [sflag:$0x1], $0x1, s19, s11, $0xb8;
	[tilespmem:$0x2B00] =	vst v63  }
0xac: {  	_ =	swait.ge [sflag:s13], $0x7D  }
0xad: {  	[sflag:s13] =	ssyncset.done $0x0  }
0xae: {  	[sflag:s13] =	ssyncadd.s32 $0xFFFFFF83  }
0xaf: {  	_ =	swait.ge [sflag:s13], $0x7D  }
0xb0: {  	[sflag:s13] =	ssyncset.done $0x0  }
0xb1: {  	[sflag:s13] =	ssyncadd.s32 $0xFFFFFF83  }
0xb2: {  	_ =	swait.ge [sflag:s13], $0x7D  }
0xb3: {  	[sflag:s13] =	ssyncset.done $0x0  }
0xb4: {  	[sflag:s13] =	ssyncadd.s32 $0xFFFFFF83  }
0xb5: {  	_ =	swait.ge [sflag:s13], $0x7D  }
0xb6: {  	[sflag:s13] =	ssyncset.done $0x0  }
0xb7: {  	[sflag:s13] =	ssyncadd.s32 $0xFFFFFF83  }
0xb8: {  	_ =	swait.ge [sflag:s13], $0x7D  }
0xb9: {  	[sflag:s13] =	ssyncset.done $0x0  }
0xba: {  	[sflag:s13] =	ssyncadd.s32 $0xFFFFFF83  }
0xbb: {  	_ =	swait.ge [sflag:s13], $0x7D  }
0xbc: {  	[sflag:s13] =	ssyncset.done $0x0  }
0xbd: {  	[sflag:s13] =	ssyncadd.s32 $0xFFFFFF83  }
0xbe: {  	_ =	swait.ge [sflag:s13], $0x7D  }
0xbf: {  	[sflag:s13] =	ssyncset.done $0x0  }
0xc0: {  	[sflag:s13] =	ssyncadd.s32 $0xFFFFFF83  }
0xc1: {  	_ =	swait.ge [sflag:s13], $0x7D  }
0xc2: {  	[sflag:s13] =	ssyncset.done $0x0  }
0xc3: {  	[sflag:s13] =	ssyncadd.s32 $0xFFFFFF83  }
0xc4: {  	_ =	swait.ge [sflag:s13], $0x7D  }
0xc5: {  	[sflag:s13] =	ssyncset.done $0x0  }
0xc6: {  	[sflag:s13] =	ssyncadd.s32 $0xFFFFFF83  }
0xc7: {  	_ =	swait.ge [sflag:s13], $0x7D  }
0xc8: {  	[sflag:s13] =	ssyncset.done $0x0  }
0xc9: {  	[sflag:s13] =	ssyncadd.s32 $0xFFFFFF83  }
0xca: {  	_ =	swait.ge [sflag:s13], $0x7D  }
0xcb: {  	[sflag:s13] =	ssyncset.done $0x0  }
0xcc: {  	[sflag:s13] =	ssyncadd.s32 $0xFFFFFF83  }
0xcd: {  	_ =	swait.ge [sflag:s13], $0x7D  }
0xce: {  	[sflag:s13] =	ssyncset.done $0x0  }
0xcf: {  	[sflag:s13] =	ssyncadd.s32 $0xFFFFFF83  }
0xd0: {  	_ =	swait.ge [sflag:s13], $0x7D  }
0xd1: {  	[sflag:s13] =	ssyncset.done $0x0  }
0xd2: {  	[sflag:s13] =	ssyncadd.s32 $0xFFFFFF83  }
0xd3: {  	_ =	swait.ge [sflag:s13], $0x7D  }
0xd4: {  	[sflag:s13] =	ssyncset.done $0x0  }
0xd5: {  	[sflag:s13] =	ssyncadd.s32 $0xFFFFFF83  }
0xd6: {  	_ =	swait.ge [sflag:s13], $0x7D  }
0xd7: {  	[sflag:s13] =	ssyncset.done $0x0  }
0xd8: {  	[sflag:s13] =	ssyncadd.s32 $0xFFFFFF83  }
0xd9: {  	_ =	swait.ge [sflag:s13], $0x7D  }
0xda: {  	[sflag:s13] =	ssyncset.done $0x0  }
0xdb: {  	[sflag:s13] =	ssyncadd.s32 $0xFFFFFF83  }
0xdc: {  	_ =	swait.ge [sflag:s13], $0x7D  }
0xdd: {  	[sflag:s13] =	ssyncset.done $0x0  }
0xde: {  	[sflag:s13] =	ssyncadd.s32 $0xFFFFFF83  }
0xdf: {  	_ =	swait.ge [sflag:s13], $0x7D  }
0xe0: {  	[sflag:s13] =	ssyncset.done $0x0  }
0xe1: {  	[sflag:s13] =	ssyncadd.s32 $0xFFFFFF83  }
.Ltmp0:
0xe2: {  	_ =	swait.ge [sflag:s13], $0x7D;
	(pc) =	sbr.rel @p0 .LBB2_2-.Ltmp0, $4  }
0xe3: {  	[sflag:s13] =	ssyncset.done $0x0  }
0xe4: {  	[sflag:s13] =	ssyncadd.s32 $0xFFFFFF83  }
0xe5: {  	_ =	swait.ge [sflag:s13], $0x7D  }
0xe6: {  	s20 =	smov.u32 s18;
	[sflag:s13] =	ssyncset.done $0x0  }
0xe7: {  	s17 =	sshra.s32 s17, $0x2;
	[sflag:s13] =	ssyncadd.s32 $0xFFFFFF83  }
0xe8: {  	[spmem:s2] =	stream.indirect.scatter.add.f32 [tilespmem:s12], [sflag:$0x1], $0x1, s17, s11, $0xb8;
	[tilespmem:$0x2B00] =	vst v63  }
0xe9: {  	s18 =	sadd.s32 $0x80, s17  }
0xea: {  	[spmem:s2] =	stream.indirect.scatter.add.f32 [tilespmem:s12], [sflag:$0x1], $0x1, s18, s11, $0xb8;
	[tilespmem:$0x2B00] =	vst v63  }
0xeb: {  	s26 =	sadd.s32 $0x100, s17  }
0xec: {  	[spmem:s2] =	stream.indirect.scatter.add.f32 [tilespmem:s12], [sflag:$0x1], $0x1, s26, s11, $0xb8;
	[tilespmem:$0x2B00] =	vst v63  }
0xed: {  	s28 =	sadd.s32 $0x180, s17  }
0xee: {  	[spmem:s2] =	stream.indirect.scatter.add.f32 [tilespmem:s12], [sflag:$0x1], $0x1, s28, s11, $0xb8;
	[tilespmem:$0x2B00] =	vst v63  }
0xef: {  	s29 =	sadd.s32 $0x200, s17  }
0xf0: {  	[spmem:s2] =	stream.indirect.scatter.add.f32 [tilespmem:s12], [sflag:$0x1], $0x1, s29, s11, $0xb8;
	[tilespmem:$0x2B00] =	vst v63  }
0xf1: {  	s30 =	sadd.s32 $0x280, s17  }
0xf2: {  	[spmem:s2] =	stream.indirect.scatter.add.f32 [tilespmem:s12], [sflag:$0x1], $0x1, s30, s11, $0xb8;
	[tilespmem:$0x2B00] =	vst v63  }
0xf3: {  	s31 =	sadd.s32 $0x300, s17  }
0xf4: {  	[spmem:s2] =	stream.indirect.scatter.add.f32 [tilespmem:s12], [sflag:$0x1], $0x1, s31, s11, $0xb8;
	[tilespmem:$0x2B00] =	vst v63  }
0xf5: {  	s19 =	sadd.s32 $0x380, s17  }
0xf6: {  	[spmem:s2] =	stream.indirect.scatter.add.f32 [tilespmem:s12], [sflag:$0x1], $0x1, s19, s11, $0xb8;
	[tilespmem:$0x2B00] =	vst v63  }
0xf7: {  	s20 =	sadd.s32 $0x400, s17  }
0xf8: {  	[spmem:s2] =	stream.indirect.scatter.add.f32 [tilespmem:s12], [sflag:$0x1], $0x1, s20, s11, $0xb8;
	[tilespmem:$0x2B00] =	vst v63  }
0xf9: {  	s21 =	sadd.s32 $0x480, s17  }
0xfa: {  	[spmem:s2] =	stream.indirect.scatter.add.f32 [tilespmem:s12], [sflag:$0x1], $0x1, s21, s11, $0xb8;
	[tilespmem:$0x2B00] =	vst v63  }
0xfb: {  	s22 =	sadd.s32 $0x500, s17  }
0xfc: {  	[spmem:s2] =	stream.indirect.scatter.add.f32 [tilespmem:s12], [sflag:$0x1], $0x1, s22, s11, $0xb8;
	[tilespmem:$0x2B00] =	vst v63  }
0xfd: {  	s23 =	sadd.s32 $0x580, s17  }
0xfe: {  	[spmem:s2] =	stream.indirect.scatter.add.f32 [tilespmem:s12], [sflag:$0x1], $0x1, s23, s11, $0xb8;
	[tilespmem:$0x2B00] =	vst v63  }
0xff: {  	s24 =	sadd.s32 $0x600, s17  }
0x100: {  	[spmem:s2] =	stream.indirect.scatter.add.f32 [tilespmem:s12], [sflag:$0x1], $0x1, s24, s11, $0xb8;
	[tilespmem:$0x2B00] =	vst v63  }
0x101: {  	s25 =	sadd.s32 $0x680, s17  }
0x102: {  	[spmem:s2] =	stream.indirect.scatter.add.f32 [tilespmem:s12], [sflag:$0x1], $0x1, s25, s11, $0xb8;
	[tilespmem:$0x2B00] =	vst v63  }
0x103: {  	s26 =	sadd.s32 $0x700, s17  }
0x104: {  	[spmem:s2] =	stream.indirect.scatter.add.f32 [tilespmem:s12], [sflag:$0x1], $0x1, s26, s11, $0xb8;
	[tilespmem:$0x2B00] =	vst v63  }
0x105: {  	s28 =	sadd.s32 $0x780, s17  }
0x106: {  	[spmem:s2] =	stream.indirect.scatter.add.f32 [tilespmem:s12], [sflag:$0x1], $0x1, s28, s11, $0xb8;
	[tilespmem:$0x2B00] =	vst v63  }
0x107: {  	s29 =	sadd.s32 $0x800, s17  }
0x108: {  	[spmem:s2] =	stream.indirect.scatter.add.f32 [tilespmem:s12], [sflag:$0x1], $0x1, s29, s11, $0xb8;
	[tilespmem:$0x2B00] =	vst v63  }
0x109: {  	s30 =	sadd.s32 $0x880, s17  }
0x10a: {  	[spmem:s2] =	stream.indirect.scatter.add.f32 [tilespmem:s12], [sflag:$0x1], $0x1, s30, s11, $0xb8;
	[tilespmem:$0x2B00] =	vst v63  }
0x10b: {  	s31 =	sadd.s32 $0x900, s17  }
0x10c: {  	[spmem:s2] =	stream.indirect.scatter.add.f32 [tilespmem:s12], [sflag:$0x1], $0x1, s31, s11, $0xb8;
	[tilespmem:$0x2B00] =	vst v63  }
0x10d: {  	s17 =	sadd.s32 $0x980, s17  }
0x10e: {  	[spmem:s2] =	stream.indirect.scatter.add.f32 [tilespmem:s12], [sflag:$0x1], $0x1, s17, s11, $0xb8;
	[tilespmem:$0x2B00] =	vst v63  }
0x10f: {  	_ =	swait.ge [sflag:s13], $0x7D  }
0x110: {  	[sflag:s13] =	ssyncset.done $0x0  }
0x111: {  	[sflag:s13] =	ssyncadd.s32 $0xFFFFFF83  }
0x112: {  	_ =	swait.ge [sflag:s13], $0x7D  }
0x113: {  	[sflag:s13] =	ssyncset.done $0x0  }
0x114: {  	[sflag:s13] =	ssyncadd.s32 $0xFFFFFF83  }
0x115: {  	_ =	swait.ge [sflag:s13], $0x7D  }
0x116: {  	[sflag:s13] =	ssyncset.done $0x0  }
0x117: {  	[sflag:s13] =	ssyncadd.s32 $0xFFFFFF83  }
0x118: {  	_ =	swait.ge [sflag:s13], $0x7D  }
0x119: {  	[sflag:s13] =	ssyncset.done $0x0  }
0x11a: {  	[sflag:s13] =	ssyncadd.s32 $0xFFFFFF83  }
0x11b: {  	_ =	swait.ge [sflag:s13], $0x7D  }
0x11c: {  	[sflag:s13] =	ssyncset.done $0x0  }
0x11d: {  	[sflag:s13] =	ssyncadd.s32 $0xFFFFFF83  }
0x11e: {  	_ =	swait.ge [sflag:s13], $0x7D  }
0x11f: {  	[sflag:s13] =	ssyncset.done $0x0  }
0x120: {  	[sflag:s13] =	ssyncadd.s32 $0xFFFFFF83  }
0x121: {  	_ =	swait.ge [sflag:s13], $0x7D  }
0x122: {  	[sflag:s13] =	ssyncset.done $0x0  }
0x123: {  	[sflag:s13] =	ssyncadd.s32 $0xFFFFFF83  }
0x124: {  	_ =	swait.ge [sflag:s13], $0x7D  }
0x125: {  	[sflag:s13] =	ssyncset.done $0x0  }
0x126: {  	[sflag:s13] =	ssyncadd.s32 $0xFFFFFF83  }
0x127: {  	_ =	swait.ge [sflag:s13], $0x7D  }
0x128: {  	[sflag:s13] =	ssyncset.done $0x0  }
0x129: {  	[sflag:s13] =	ssyncadd.s32 $0xFFFFFF83  }
0x12a: {  	_ =	swait.ge [sflag:s13], $0x7D  }
0x12b: {  	[sflag:s13] =	ssyncset.done $0x0  }
0x12c: {  	[sflag:s13] =	ssyncadd.s32 $0xFFFFFF83  }
0x12d: {  	_ =	swait.ge [sflag:s13], $0x7D  }
0x12e: {  	[sflag:s13] =	ssyncset.done $0x0  }
0x12f: {  	[sflag:s13] =	ssyncadd.s32 $0xFFFFFF83  }
0x130: {  	_ =	swait.ge [sflag:s13], $0x7D  }
0x131: {  	[sflag:s13] =	ssyncset.done $0x0  }
0x132: {  	[sflag:s13] =	ssyncadd.s32 $0xFFFFFF83  }
0x133: {  	_ =	swait.ge [sflag:s13], $0x7D  }
0x134: {  	[sflag:s13] =	ssyncset.done $0x0  }
0x135: {  	[sflag:s13] =	ssyncadd.s32 $0xFFFFFF83  }
0x136: {  	_ =	swait.ge [sflag:s13], $0x7D  }
0x137: {  	[sflag:s13] =	ssyncset.done $0x0  }
0x138: {  	[sflag:s13] =	ssyncadd.s32 $0xFFFFFF83  }
0x139: {  	_ =	swait.ge [sflag:s13], $0x7D  }
0x13a: {  	[sflag:s13] =	ssyncset.done $0x0  }
0x13b: {  	[sflag:s13] =	ssyncadd.s32 $0xFFFFFF83  }
0x13c: {  	_ =	swait.ge [sflag:s13], $0x7D  }
0x13d: {  	[sflag:s13] =	ssyncset.done $0x0  }
0x13e: {  	[sflag:s13] =	ssyncadd.s32 $0xFFFFFF83  }
0x13f: {  	_ =	swait.ge [sflag:s13], $0x7D  }
0x140: {  	[sflag:s13] =	ssyncset.done $0x0  }
0x141: {  	[sflag:s13] =	ssyncadd.s32 $0xFFFFFF83  }
0x142: {  	_ =	swait.ge [sflag:s13], $0x7D  }
0x143: {  	[sflag:s13] =	ssyncset.done $0x0  }
0x144: {  	[sflag:s13] =	ssyncadd.s32 $0xFFFFFF83  }
0x145: {  	_ =	swait.ge [sflag:s13], $0x7D  }
0x146: {  	[sflag:s13] =	ssyncset.done $0x0  }
0x147: {  	[sflag:s13] =	ssyncadd.s32 $0xFFFFFF83  }
0x148: {  	_ =	swait.ge [sflag:s13], $0x7D  }
0x149: {  	s16 =	sadd.s32 $0x1, s16;
	[sflag:s13] =	ssyncset.done $0x0  }
0x14a: {  	p0 =	sne.s32 s16, s8;
	[sflag:s13] =	ssyncadd.s32 $0xFFFFFF83  }
.Ltmp1:
0x14b: {  	[bflag:$0x0] =	sbarrier.arrive $0xFFFF;
	(pc) =	sbr.rel @p0 .LBB2_1-.Ltmp1, $4  }
0x14c: {  	[hbm:s7@s14], [sflag:s5] =	dma.strided [spmem:s9@s15], $0x50, s13, $0x10   }
0x14d: {  	_ =	swait.ge [sflag:s10], $0x50  }
0x14e: {  	[sflag:s10] =	ssyncset.done $0x0  }
0x14f: {  	[sflag:s10] =	ssyncadd.s32 $0xFFFFFFB0  }
0x150: {  	_ =	sfence.sel $0x180000  }
0x151: {  	[bflag:$0x0] =	sbarrier.arrive $0xFFFF  }
0x152: {  	p0 =	sne.s32 s1, $0x0;
	_ =	strace $0x90000047  }
0x153: {  	s0 =	sadd.s32 @!p0 $0x100000, s0;
	[bflag:$0x2] =	sbarrier.arrive $0xFFFF  }
0x154: {  	[sflag:s0] =	ssyncadd.tile.s32 @!p0 $0x1;
	_ =	shalt  }
.Lfunc_end2:
_tile_overlayer_lowered:
.L_overlay_start_2:
0x155: {  	(tag) =	ssettag $0x2  }
0x156: {  	s0 =	rddreg [dreg:$0x0];
	s2 =	stileid.u32  }
0x157: {  	s1 =	rddreg [dreg:$0x1];
	p0 =	sne.s32 s2, $0x0  }
0x158: {  	s3 =	rddreg [dreg:$0x2];
	[bflag:$0x3] =	sbarrier.arrive $0xFFFF;
	s2 =	simm.s32 @!p0 $0x1C02  }
0x159: {  	[timem:s3], [sflag:s2] =	dma.local @!p0 [hbm:s0], s1  }
0x15a: {  	s0 =	simm.s32 @!p0 $0x2  }
0x15b: {  	_ =	swait.ge @!p0 [sflag:s0], s1  }
0x15c: {  	s1 =	ssub.s32 @!p0 $0x0, s1;
	[sflag:s0] =	ssyncset.done @!p0 $0x0  }
0x15d: {  	[sflag:s0] =	ssyncadd.s32 @!p0 s1  }
0x15e: {  	[bflag:$0x3] =	sbarrier.arrive $0xFFFF  }
0x15f: {  	_ =	shalt  }

// kernel: kernel.9.cloned.1.call-start
scs
__scs_entry_jumppad:
0x0: {  	(pc) =	sbr.rel $0x88, $3  }
0x1: {  	(tag) =	ssettag $0x0;
	lr =	simm.s32 $0x1  }
0x2: {  	[smem:$0x3F9D] =	sst lr;
	_ =	strace $0xD0000000  }
0x3: {  	_ = 	snop  }
0x4: {  	_ = 	snop  }
0x5: {  	_ = 	snop  }
0x6: {  	_ = 	snop  }
0x7: {  	_ = 	snop  }
__scs_overlays_trampoline_lowered:
0x8: {  	[smem:$0x3FAC] =	sst s0  }
0x9: {  	[smem:$0x3FAD] =	sst s1  }
0xa: {  	[smem:$0x3FAE] =	sst s2  }
0xb: {  	[smem:$0x3FAF] =	sst s3  }
0xc: {  	[smem:$0x3FB0] =	sst s4  }
0xd: {  	[smem:$0x3FB1] =	sst s5  }
0xe: {  	[smem:$0x3FB2] =	sst s6  }
0xf: {  	[smem:$0x3FB3] =	sst s7  }
0x10: {  	[smem:$0x3FB4] =	sst s8  }
0x11: {  	[smem:$0x3FB5] =	sst s9;
	s0 =	simm.s32 @!p0 $0x0  }
0x12: {  	s1 =	sld [smem:$0x3F9B];
	s0 =	simm.s32 @p0 $0x1  }
0x13: {  	[smem:$0x3FB6] =	sst s0;
	s0 =	simm.s32 @!p1 $0x0  }
0x14: {  	s2 =	sld [smem:$0x3F9A];
	s0 =	simm.s32 @p1 $0x1  }
0x15: {  	[smem:$0x3FB7] =	sst s0;
	s0 =	simm.s32 @!p2 $0x0  }
0x16: {  	s3 =	sld [smem:$0x3FDB];
	s0 =	simm.s32 @p2 $0x1  }
0x17: {  	s4 =	simm.s32 $0x1BF5;
	[smem:$0x3FB9] =	sst s0  }
0x18: {  	s0 =	sld [smem:$0x3F9C];
	_ =	swait.ge [sflag:s4], $0x0  }
0x19: {  	s7 =	sld [smem:$0x3F9D]  }
0x1a: {  	s8 =	sadd.s32 $0xFFFFE003, lr  }
0x1b: {  	s9 =	sadd.s32 $0xFFFFFEF7, lr;
	s5 =	simm.s32 $0xFFFFFFFF;
	p2 =	slt.u32 s8, $0xFFFFF086  }
0x1c: {  	p1 =	slt.u32 s9, $0xF7A;
	s5 =	simm.s32 @!p2 $0x0  }
0x1d: {  	s5 =	simm.s32 @p1 $0x1;
	p0 =	seq.s32 s7, s2  }
0x1e: {  	s7 =	smul.u32 @!p0 $0xF7A, s2;
	p2 =	seq.s32 @!p0 s5, $0x0  }
0x1f: {  	s9 =	smul.u32 $0xF7A, s1;
	s8 =	simm.s32 @!p0 $0x1BF5;
	p2 =	por !p2, p0  }
0x20: {  	[sflag:s8] =	ssyncset.s32 @!p0 $0xFFFFF086;
	s6 =	sadd.s32 @!p0 s3, s7;
	s7 =	simm.s32 @!p0 $0x108  }
0x21: {  	s3 =	sadd.s32 s3, s9;
	s6 =	sadd.s32 @!p0 $0x88, s6;
	s7 =	simm.s32 @p2 $0x1082  }
0x22: {  	[simem:s7], [sflag:s8] =	dma.local @!p0 [hbm:s6], $0xF7A  }
0x23: {  	s9 =	sor.u32 $0xD0000000, s2;
	s6 =	simm.s32 $0x108;
	_ =	swait.ge @!p0 [sflag:s8], $0x0  }
0x24: {  	s3 =	sadd.s32 $0x88, s3;
	s6 =	simm.s32 @!p1 $0x1082;
	[sflag:s4] =	ssyncset.s32 $0xFFFFF086  }
0x25: {  	[simem:s6], [sflag:s4] =	dma.local [hbm:s3], $0xF7A  }
0x26: {  	[smem:$0x3F9D] =	sst s1;
	(tag) =	ssettag s2;
	_ =	strace s9  }
0x27: {  	s1 =	sld [smem:$0x3FAD]  }
0x28: {  	s2 =	sld [smem:$0x3FAE]  }
0x29: {  	s4 =	sld [smem:$0x3FB0]  }
0x2a: {  	p0 =	seq.s32 s5, $0x0;
	s5 =	sld [smem:$0x3FB1]  }
0x2b: {  	s6 =	sld [smem:$0x3FB2]  }
0x2c: {  	s7 =	sld [smem:$0x3FB3]  }
0x2d: {  	s3 =	simm.s32 $0x108;
	s8 =	sld [smem:$0x3FB4]  }
0x2e: {  	s3 =	simm.s32 @!p0 $0x1082;
	s9 =	sld [smem:$0x3FB5]  }
0x2f: {  	lr =	sadd.s32 s0, s3;
	s0 =	sld [smem:$0x3FAC]  }
0x30: {  	s3 =	sld [smem:$0x3FAF]  }
0x31: {  	[smem:$0x3FB8] =	sst s10  }
0x32: {  	s10 =	sld [smem:$0x3FB6];
	_ =	sdelay $0x3  }
0x33: {  	p0 =	seq.s32 s10, $0x1;
	s10 =	sld [smem:$0x3FB8];
	_ =	sdelay $0x3  }
0x34: {  	[smem:$0x3FB8] =	sst s10  }
0x35: {  	s10 =	sld [smem:$0x3FB7];
	_ =	sdelay $0x3  }
0x36: {  	p1 =	seq.s32 s10, $0x1;
	s10 =	sld [smem:$0x3FB8];
	_ =	sdelay $0x3  }
0x37: {  	[smem:$0x3FB8] =	sst s10  }
0x38: {  	s10 =	sld [smem:$0x3FB9]  }
0x39: {  	_ = 	snop;
	(pc) =	sbr.ind lr, $3  }
0x3a: {  	_ = 	snop  }
0x3b: {  	_ = 	snop  }
0x3c: {  	p2 =	seq.s32 s10, $0x1;
	s10 =	sld [smem:$0x3FB8]  }
0x3d: {  	_ =	shalt  }
0x3e: {  	_ =	shalt  }
0x3f: {  	_ =	shalt  }
0x40: {  	_ =	shalt  }
0x41: {  	_ =	shalt  }
0x42: {  	_ =	shalt  }
0x43: {  	_ =	shalt  }
0x44: {  	_ =	shalt  }
0x45: {  	_ =	shalt  }
0x46: {  	_ =	shalt  }
0x47: {  	_ =	shalt  }
0x48: {  	_ =	shalt  }
0x49: {  	_ =	shalt  }
0x4a: {  	_ =	shalt  }
0x4b: {  	_ =	shalt  }
0x4c: {  	_ =	shalt  }
0x4d: {  	_ =	shalt  }
0x4e: {  	_ =	shalt  }
0x4f: {  	_ =	shalt  }
0x50: {  	_ =	shalt  }
0x51: {  	_ =	shalt  }
0x52: {  	_ =	shalt  }
0x53: {  	_ =	shalt  }
0x54: {  	_ =	shalt  }
0x55: {  	_ =	shalt  }
0x56: {  	_ =	shalt  }
0x57: {  	_ =	shalt  }
0x58: {  	_ =	shalt  }
0x59: {  	_ =	shalt  }
0x5a: {  	_ =	shalt  }
0x5b: {  	_ =	shalt  }
0x5c: {  	_ =	shalt  }
0x5d: {  	_ =	shalt  }
0x5e: {  	_ =	shalt  }
0x5f: {  	_ =	shalt  }
0x60: {  	_ =	shalt  }
0x61: {  	_ =	shalt  }
0x62: {  	_ =	shalt  }
0x63: {  	_ =	shalt  }
0x64: {  	_ =	shalt  }
0x65: {  	_ =	shalt  }
0x66: {  	_ =	shalt  }
0x67: {  	_ =	shalt  }
0x68: {  	_ =	shalt  }
0x69: {  	_ =	shalt  }
0x6a: {  	_ =	shalt  }
0x6b: {  	_ =	shalt  }
0x6c: {  	_ =	shalt  }
0x6d: {  	_ =	shalt  }
0x6e: {  	_ =	shalt  }
0x6f: {  	_ =	shalt  }
0x70: {  	_ =	shalt  }
0x71: {  	_ =	shalt  }
0x72: {  	_ =	shalt  }
0x73: {  	_ =	shalt  }
0x74: {  	_ =	shalt  }
0x75: {  	_ =	shalt  }
0x76: {  	_ =	shalt  }
0x77: {  	_ =	shalt  }
0x78: {  	_ =	shalt  }
0x79: {  	_ =	shalt  }
0x7a: {  	_ =	shalt  }
0x7b: {  	_ =	shalt  }
0x7c: {  	_ =	shalt  }
0x7d: {  	_ =	shalt  }
0x7e: {  	_ =	shalt  }
0x7f: {  	_ =	shalt  }
0x80: {  	_ =	shalt  }
0x81: {  	_ =	shalt  }
0x82: {  	_ =	shalt  }
0x83: {  	_ =	shalt  }
0x84: {  	_ =	shalt  }
0x85: {  	_ =	shalt  }
0x86: {  	_ =	shalt  }
0x87: {  	_ =	shalt  }
.Lfunc_end0:
.L_simem_size_0:
called_computation.1_lowered:
.L_overlay_start_0:
0x88: {  	s2 =	sld [smem:$0x3FD9]  }
0x89: {  	s3 =	sld [smem:$0x3FFE];
	_ =	sdelay $0x1  }
0x8a: {  	s1 =	srdreg.scid  }
0x8b: {  	s0 =	sand.u32 $0x1, s1  }
0x8c: {  	s17 =	sshll.u32 s0, $0xA;
	s2 =	sadd.s32 s3, s2  }
0x8d: {  	s2 =	sadd.s32 s2, s17  }
0x8e: {  	[smem:$0x3FC4] =	sst s2  }
0x8f: {  	_ = 	snop  }
0x90: {  	s2 =	sld [smem:$0x3FD0];
	(tm) =	ssettm $0x1  }
0x91: {  	s18 =	sld [smem:$0x3FFB];
	_ =	sdelay $0x3  }
0x92: {  	_ =	strace s18  }
0x93: {  	s3 =	sld [smem:$0x3FFC];
	_ =	sdelay $0x3  }
0x94: {  	_ =	strace s3  }
0x95: {  	s3 =	sld [smem:$0x3FFD];
	_ =	sdelay $0x3  }
0x96: {  	_ =	strace s3  }
0x97: {  	_ =	strace $0x8FFFFFFF  }
0x98: {  	s19 =	sld [smem:$0x3FDB];
	_ =	sdelay $0x1  }
0x99: {  	s4 =	simm.s32 $_scs_section_size  }
0x9a: {  	s5 =	simm.s32 $_size__tile_overlayer_lowered;
	s6 =	simm.s32 $_tile_overlayer_lowered  }
0x9b: {  	s22 =	simm.s32 $0x1BFF;
	s21 =	sshll.u32 s6, $0x1;
	s3 =	sadd.s32 s4, s19  }
0x9c: {  	s7 =	simm.s32 $0x0;
	s20 =	sshll.u32 s5, $0x1;
	s5 =	sadd.s32 s21, s3  }
0x9d: {  	[timem:s7], [sflag:s22] =	dma.local [hbm:s5], s20  }
0x9e: {  	_ =	swait.ge [sflag:s22], s20  }
0x9f: {  	s4 =	ssub.s32 $0x0, s20;
	[sflag:s22] =	ssyncset.done $0x0  }
0xa0: {  	[sflag:s22] =	ssyncadd.s32 s4;
	_ =	sdelay $0x1  }
0xa1: {  	s23 =	simm.s32 $0x1B8B  }
0xa2: {  	_ =	swait.ge [sflag:s23], $0x1  }
0xa3: {  	[sflag:s23] =	ssyncset.done $0x0  }
0xa4: {  	s25 =	simm.s32 $0x1B8E;
	s24 =	sld [smem:$0x3FFE];
	[sflag:s23] =	ssyncadd.s32 $0xFFFFFFFF  }
0xa5: {  	s26 =	simm.s32 $execute0_lowered;
	[smem:$0x3FD2] =	sst s25  }
0xa6: {  	s5 =	sshll.u32 s26, $0x1;
	_ =	strace $0x80000049;
	[dreg:$0x1] =	wrdreg $0xFFFFFFFF  }
0xa7: {  	s28 =	simm.s32 $_size_execute0_lowered;
	s3 =	sadd.s32 s3, s5;
	[dreg:$0x0] =	wrdreg $0x0  }
0xa8: {  	s5 =	sshll.u32 s28, $0x1;
	[dreg:$0x2] =	wrdreg s3  }
0xa9: {  	[dreg:$0x3] =	wrdreg s5  }
0xaa: {  	[dreg:$0x4] =	wrdreg $0xC0  }
0xab: {  	_ =	task [dreg:s7], $0x5FFFF  }
0xac: {  	[dreg:$0x1] =	wrdreg $0xFFFFFFFF  }
0xad: {  	[dreg:$0x0] =	wrdreg $0x60  }
0xae: {  	[dreg:$0x2] =	wrdreg s2  }
0xaf: {  	[dreg:$0x3] =	wrdreg s24  }
0xb0: {  	[dreg:$0x4] =	wrdreg $0xBC000  }
0xb1: {  	[dreg:$0x5] =	wrdreg $0x9  }
0xb2: {  	_ =	task.clear_ibuf [dreg:s7], $0x6FFFF;
	_ =	strace $0x90000049  }
0xb3: {  	s29 =	simm.s32 $0x9;
	_ =	strace $0x8000004B  }
0xb4: {  	_ =	swait.ge [sflag:s29], $0x1  }
0xb5: {  	[sflag:s29] =	ssyncadd.s32 $0xFFFFFFFF  }
0xb6: {  	_ =	strace $0x9000004B  }
0xb7: {  	_ =	sfence  }
0xb8: {  	s30 =	sld [smem:$0x0];
	_ =	sdelay $0x2  }
0xb9: {  	s31 =	sshll.u32 s1, $0xD;
	s1 =	sshrl.u32 s1, $0x2  }
0xba: {  	s3 =	sand.u32 $0x4000, s31;
	s1 =	sadd.s32 s1, s30  }
0xbb: {  	s0 =	sor.u32 s3, s0;
	s1 =	sshll.u32 s1, $0x11  }
0xbc: {  	s0 =	sor.u32 s1, s0  }
0xbd: {  	s0 =	sadd.s32 $0x8F2B, s0  }
0xbe: {  	[sflag:s0] =	ssyncadd.remote.s32 $0x1  }
0xbf: {  	_ =	sfence.sel $0xFFFF  }
0xc0: {  	[dreg:$0x0] =	wrdreg $0xFFFFFFFF;
	(pc) =	sbr.abs _section_cstart, $3  }
0xc1: {  	[dreg:$0x1] =	wrdreg $0xFFFFFFFF  }
0xc2: {  	_ =	task.clear_ibuf [dreg:s7], $0x2FFFF;
	_ =	strace $0x9FFFFFFF  }
0xc3: {  	(tm) =	ssettm $0x7FFFFFFF  }
tec
execute0_lowered:
.L_overlay_start_1:
0x0: {  	(tag) =	ssettag $0x1  }
0x1: {  	s1 =	rddreg [dreg:$0x0]  }
0x2: {  	s0 =	rddreg [dreg:$0x1]  }
0x3: {  	s2 =	rddreg [dreg:$0x2]  }
0x4: {  	s3 =	simm.s32 $0x0;
	s4 =	srdreg.scid;
	s29 =	simm.s32 $0x4C00  }
0x5: {  	s31 =	simm.s32 $0x6800;
	s28 =	simm.s32 $0xA000;
	s30 =	simm.s32 $0x1  }
0x6: {  	[smem:$0x7FF] =	sst s3;
	s5 =	sadd.s32 $0x20000, s0;
	s4 =	sand.u32 $0x1, s4  }
0x7: {  	s6 =	sadd.s32 $0x2000, s0;
	s3 =	stileid.u32;
	s8 =	sadd.s32 $0x3E000, s0  }
0x8: {  	s0 =	sadd.s32 $0x40800, s0;
	s13 =	sadd.s32 $0x12C000, s2;
	s17 =	smul.u32 $0x50000, s3  }
0x9: {  	s14 =	sadd.s32 $0x25800, s1;
	_ =	strace $0x8000004A;
	s10 =	smul.u32 $0x2800, s3  }
0xa: {  	s7 =	ssub.s32 $0x2, s4;
	[dreg:$0x4] =	wrdreg s8;
	s11 =	smul.u32 $0x138800, s4  }
0xb: {  	s9 =	sshll.u32 s3, $0x1;
	p2 =	seq.s32 s4, $0x0;
	s18 =	smul.u32 $0x14000, s3  }
0xc: {  	p0 =	sne.s32 s3, $0xF;
	[dreg:$0x7] =	wrdreg s14;
	s21 =	smul.u32 $0xF000, s3  }
0xd: {  	s23 =	smul.u32 $0x7800, s4;
	[dreg:$0x6] =	wrdreg s13;
	s15 =	sshrl.u32 s7, $0x1  }
0xe: {  	s16 =	sor.u32 s4, s9;
	p1 =	por !p2, !p0;
	p0 =	seq.s32 s3, $0xF  }
0xf: {  	s7 =	ssub.s32 s7, s15;
	p1 =	por !p1, !p1;
	p2 =	por !p2, !p0  }
0x10: {  	s8 =	smul.u32 $0x7800, s16;
	s9 =	sshrl.u32 s17, $0x2;
	s10 =	sadd.s32 s1, s10  }
0x11: {  	s20 =	sadd.s32 s18, s11;
	s22 =	sshrl.u32 s11, $0x3;
	s25 =	sadd.s32 s23, s21  }
0x12: {  	s23 =	simm.s32 $0x7;
	s11 =	simm.s32 $0x5;
	p3 =	por !p2, !p2  }
0x13: {  	s12 =	sadd.s32 s9, s2;
	[dreg:$0x8] =	wrdreg s10;
	s26 =	smax.u32 s7, $0x1  }
0x14: {  	s7 =	simm.s32 $0x3;
	s8 =	sshrl.u32 s8, $0x3;
	[dreg:$0xd] =	wrdreg s26  }
0x15: {  	[dreg:$0x5] =	wrdreg s12;
	s19 =	sadd.s32 s5, s8;
	s8 =	sadd.s32 s6, s8  }
0x16: {  	p2 =	por p3, p1;
	[dreg:$0xa] =	wrdreg s8;
	s8 =	sshrl.u32 s20, $0x3  }
0x17: {  	p2 =	seq.s32 @!p2 s4, $0x0;
	s24 =	sadd.s32 s0, s8;
	s0 =	sadd.s32 s0, s22  }
0x18: {  	[dreg:$0x9] =	wrdreg s19;
	p2 =	por @!p1 p2, p3;
	s0 =	sadd.s32 $0x25800, s0  }
0x19: {  	p2 =	por p2, p1;
	[dreg:$0xc] =	wrdreg s0;
	s0 =	sadd.s32 $0xC00, s25  }
0x1a: {  	s10 =	simm.s32 $0x4;
	[dreg:$0xe] =	wrdreg s0;
	s0 =	sshll.u32 @!p2 s3, $0x6  }
0x1b: {  	p3 =	por !p3, p1;
	[dreg:$0xb] =	wrdreg s24;
	s0 =	sor.u32 @!p2 $0x1C07, s0  }
0x1c: {  	[dreg:$0xf] =	wrdreg s0;
	s0 =	sshll.u32 @p1 s3, $0x6;
	s3 =	sshrl.u32 @!p2 s12, $0x3  }
0x1d: {  	s26 =	simm.s32 $0x3000;
	[dreg:$0x10] =	wrdreg s3;
	s3 =	sshrl.u32 @!p3 s13, $0x3  }
0x1e: {  	s24 =	simm.s32 $0x8400;
	s0 =	sor.u32 @p1 $0x1C07, s0;
	[dreg:$0x11] =	wrdreg s3  }
0x1f: {  	s25 =	simm.s32 $0x32;
	[dreg:$0x12] =	wrdreg s0;
	s0 =	sshrl.u32 @p1 s12, $0x3  }
0x20: {  	s12 =	simm.s32 $0x0;
	[dreg:$0x13] =	wrdreg s0;
	s0 =	simm.s32 $0x2  }
.LBB2_1:
0x21: {  	s3 =	rddreg [dreg:$0x4]  }
0x22: {  	s4 =	rddreg [dreg:$0xf]  }
0x23: {  	s8 =	rddreg [dreg:$0x10]  }
0x24: {  	[spmem:s8], [sflag:s4] =	dma.local @!p2 [hbm:s3], $0x2800  }
0x25: {  	s4 =	simm.s32 @!p2 $0x7  }
0x26: {  	_ =	swait.ge @!p2 [sflag:s4], $0x2800  }
0x27: {  	[sflag:s4] =	ssyncset.done @!p2 $0x0;
	s3 =	rddreg [dreg:$0x7]  }
0x28: {  	s8 =	rddreg [dreg:$0x11];
	[sflag:s4] =	ssyncadd.s32 @!p2 $0xFFFFD800;
	s4 =	simm.s32 @!p3 $0x1FC7  }
0x29: {  	[spmem:s8], [sflag:s4] =	dma.local @!p3 [hbm:s3], $0x1900  }
0x2a: {  	s4 =	simm.s32 @!p3 $0x7  }
0x2b: {  	_ =	swait.ge @!p3 [sflag:s4], $0x1900  }
0x2c: {  	s3 =	rddreg [dreg:$0x8]  }
0x2d: {  	[sflag:s4] =	ssyncset.done @!p3 $0x0;
	s8 =	rddreg [dreg:$0x13]  }
0x2e: {  	[sflag:s4] =	ssyncadd.s32 @!p3 $0xFFFFE700;
	s4 =	rddreg [dreg:$0x12]  }
0x2f: {  	[spmem:s8], [sflag:s4] =	dma.local @p1 [hbm:s3], $0x2800  }
0x30: {  	s4 =	simm.s32 @p1 $0x7  }
0x31: {  	_ =	swait.ge @p1 [sflag:s4], $0x2800  }
0x32: {  	[sflag:s4] =	ssyncset.done @p1 $0x0  }
0x33: {  	s22 =	simm.s32 $0x0;
	s9 =	rddreg [dreg:$0x9];
	[sflag:s4] =	ssyncadd.s32 @p1 $0xFFFFD800  }
0x34: {  	[tilespmem:s22], [sflag:$0x7] =	stream.linear.gather [hbm4b:s9+s22], $0xA00, $0x38;
	[tilespmem:$0x1FC00] =	vst v63  }
0x35: {  	_ =	swait.ge [sflag:s23], $0xA00  }
0x36: {  	[sflag:s23] =	ssyncset.done $0x0  }
0x37: {  	s14 =	simm.s32 $0x1800;
	s13 =	rddreg [dreg:$0xa];
	[sflag:s23] =	ssyncadd.s32 $0xFFFFF600  }
0x38: {  	[tilespmem:s14], [sflag:$0x7] =	stream.linear.gather [hbm4b:s13+s22], $0xA00, $0x38;
	[tilespmem:$0x1FC00] =	vst v63  }
0x39: {  	_ =	swait.ge [sflag:s23], $0xA00  }
0x3a: {  	[sflag:s23] =	ssyncset.done $0x0  }
0x3b: {  	[sflag:s23] =	ssyncadd.s32 $0xFFFFF600  }
0x3c: {  	[tilespmem:s26], [sflag:$0x1] =	stream.indirect.gather [hbm4b:s1+s25], $0x80, s22, s25, $0xb8;
	[tilespmem:$0x1FC00] =	vst v63  }
0x3d: {  	s15 =	simm.s32 $0x80;
	p5 =	por $0x0, $0x0;
	s4 =	sand.u32 $0x1, s22  }
0x3e: {  	[tilespmem:s29], [sflag:$0x2] =	stream.indirect.gather [hbm4b:s1+s25], $0x80, s15, s25, $0xb8;
	[tilespmem:$0x1FC00] =	vst v63  }
0x3f: {  	s16 =	simm.s32 $0x100;
	s13 =	sxor.u32 @!p5 $0x1, s4;
	s3 =	rddreg [dreg:$0xe]  }
0x40: {  	[tilespmem:s31], [sflag:$0x3] =	stream.indirect.gather [hbm4b:s1+s25], $0x80, s16, s25, $0xb8;
	[tilespmem:$0x1FC00] =	vst v63  }
0x41: {  	s17 =	simm.s32 $0x180;
	s9 =	smul.u32 @!p5 $0xC00, s13;
	s8 =	sshrl.u32 @!p5 s3, $0x3  }
0x42: {  	[tilespmem:s24], [sflag:$0x4] =	stream.indirect.gather [hbm4b:s1+s25], $0x80, s17, s25, $0xb8;
	[tilespmem:$0x1FC00] =	vst v63  }
0x43: {  	s14 =	sadd.s32 @!p5 s5, s8;
	s15 =	simm.s32 @!p5 $0x0;
	[bflag:$0x0] =	sbarrier.arrive $0xFFFF  }
0x44: {  	[tilespmem:s9], [sflag:$0x6] =	stream.linear.gather @!p5 [hbm4b:s14+s15], $0xA00, $0x38;
	[tilespmem:$0x1FC00] =	vst v63  }
0x45: {  	s8 =	sadd.s32 @!p5 s6, s8;
	s9 =	sadd.s32 @!p5 $0x1800, s9;
	s14 =	smul.u32 $0xC00, s4  }
0x46: {  	[tilespmem:s9], [sflag:$0x6] =	stream.linear.gather @!p5 [hbm4b:s8+s15], $0xA00, $0x38;
	[tilespmem:$0x1FC00] =	vst v63  }
0x47: {  	s4 =	sor.u32 $0x200, s14  }
0x48: {  	[tilespmem:s28], [sflag:$0x5] =	stream.indirect.gather [hbm4b:s1+s25], $0x80, s4, s25, $0xb8;
	[tilespmem:$0x1FC00] =	vst v63  }
0x49: {  	_ =	swait.ge [sflag:s30], $0x1900  }
0x4a: {  	[sflag:s30] =	ssyncset.done $0x0  }
0x4b: {  	s18 =	sadd.s32 $0x1800, s14;
	[sflag:s30] =	ssyncadd.s32 $0xFFFFE700  }
0x4c: {  	[spmem:s2] =	stream.indirect.scatter.add.f32 [tilespmem:s26], [sflag:$0x7], $0x80, s18, s25, $0xb8;
	[tilespmem:$0x1FC00] =	vst v63  }
0x4d: {  	_ =	swait.ge [sflag:s23], $0x1900  }
0x4e: {  	[sflag:s23] =	ssyncset.done $0x0  }
0x4f: {  	s19 =	sor.u32 $0x280, s14;
	[sflag:s23] =	ssyncadd.s32 $0xFFFFE700  }
0x50: {  	[tilespmem:s26], [sflag:$0x1] =	stream.indirect.gather [hbm4b:s1+s25], $0x80, s19, s25, $0xb8;
	[tilespmem:$0x1FC00] =	vst v63  }
0x51: {  	_ =	swait.ge [sflag:s0], $0x1900  }
0x52: {  	[sflag:s0] =	ssyncset.done $0x0  }
0x53: {  	s20 =	sadd.s32 $0x1880, s14;
	[sflag:s0] =	ssyncadd.s32 $0xFFFFE700  }
0x54: {  	[spmem:s2] =	stream.indirect.scatter.add.f32 [tilespmem:s29], [sflag:$0x7], $0x80, s20, s25, $0xb8;
	[tilespmem:$0x1FC00] =	vst v63  }
0x55: {  	_ =	swait.ge [sflag:s23], $0x1900  }
0x56: {  	[sflag:s23] =	ssyncset.done $0x0  }
0x57: {  	s21 =	sor.u32 $0x300, s14;
	[sflag:s23] =	ssyncadd.s32 $0xFFFFE700  }
0x58: {  	[tilespmem:s29], [sflag:$0x2] =	stream.indirect.gather [hbm4b:s1+s25], $0x80, s21, s25, $0xb8;
	[tilespmem:$0x1FC00] =	vst v63  }
0x59: {  	_ =	swait.ge [sflag:s7], $0x1900  }
0x5a: {  	[sflag:s7] =	ssyncset.done $0x0  }
0x5b: {  	s22 =	sadd.s32 $0x1900, s14;
	[sflag:s7] =	ssyncadd.s32 $0xFFFFE700  }
0x5c: {  	[spmem:s2] =	stream.indirect.scatter.add.f32 [tilespmem:s31], [sflag:$0x7], $0x80, s22, s25, $0xb8;
	[tilespmem:$0x1FC00] =	vst v63  }
0x5d: {  	_ =	swait.ge [sflag:s23], $0x1900  }
0x5e: {  	[sflag:s23] =	ssyncset.done $0x0  }
0x5f: {  	s8 =	sor.u32 $0x380, s14;
	[sflag:s23] =	ssyncadd.s32 $0xFFFFE700  }
0x60: {  	[tilespmem:s31], [sflag:$0x3] =	stream.indirect.gather [hbm4b:s1+s25], $0x80, s8, s25, $0xb8;
	[tilespmem:$0x1FC00] =	vst v63  }
0x61: {  	_ =	swait.ge [sflag:s10], $0x1900  }
0x62: {  	[sflag:s10] =	ssyncset.done $0x0  }
0x63: {  	s9 =	sadd.s32 $0x1980, s14;
	[sflag:s10] =	ssyncadd.s32 $0xFFFFE700  }
0x64: {  	[spmem:s2] =	stream.indirect.scatter.add.f32 [tilespmem:s24], [sflag:$0x7], $0x80, s9, s25, $0xb8;
	[tilespmem:$0x1FC00] =	vst v63  }
0x65: {  	_ =	swait.ge [sflag:s23], $0x1900  }
0x66: {  	[sflag:s23] =	ssyncset.done $0x0  }
0x67: {  	s15 =	sadd.s32 $0x400, s14;
	[sflag:s23] =	ssyncadd.s32 $0xFFFFE700  }
0x68: {  	[tilespmem:s24], [sflag:$0x4] =	stream.indirect.gather [hbm4b:s1+s25], $0x80, s15, s25, $0xb8;
	[tilespmem:$0x1FC00] =	vst v63  }
0x69: {  	_ =	swait.ge [sflag:s11], $0x1900  }
0x6a: {  	[sflag:s11] =	ssyncset.done $0x0  }
0x6b: {  	s16 =	sadd.s32 $0x1A00, s14;
	[sflag:s11] =	ssyncadd.s32 $0xFFFFE700  }
0x6c: {  	[spmem:s2] =	stream.indirect.scatter.add.f32 [tilespmem:s28], [sflag:$0x7], $0x80, s16, s25, $0xb8;
	[tilespmem:$0x1FC00] =	vst v63  }
0x6d: {  	_ =	swait.ge [sflag:s23], $0x1900  }
0x6e: {  	[sflag:s23] =	ssyncset.done $0x0  }
0x6f: {  	s17 =	sadd.s32 $0x480, s14;
	[sflag:s23] =	ssyncadd.s32 $0xFFFFE700  }
0x70: {  	[tilespmem:s28], [sflag:$0x5] =	stream.indirect.gather [hbm4b:s1+s25], $0x80, s17, s25, $0xb8;
	[tilespmem:$0x1FC00] =	vst v63  }
0x71: {  	_ =	swait.ge [sflag:s30], $0x1900  }
0x72: {  	[sflag:s30] =	ssyncset.done $0x0  }
0x73: {  	s18 =	sadd.s32 $0x1A80, s14;
	[sflag:s30] =	ssyncadd.s32 $0xFFFFE700  }
0x74: {  	[spmem:s2] =	stream.indirect.scatter.add.f32 [tilespmem:s26], [sflag:$0x7], $0x80, s18, s25, $0xb8;
	[tilespmem:$0x1FC00] =	vst v63  }
0x75: {  	_ =	swait.ge [sflag:s23], $0x1900  }
0x76: {  	[sflag:s23] =	ssyncset.done $0x0  }
0x77: {  	s19 =	sadd.s32 $0x500, s14;
	[sflag:s23] =	ssyncadd.s32 $0xFFFFE700  }
0x78: {  	[tilespmem:s26], [sflag:$0x1] =	stream.indirect.gather [hbm4b:s1+s25], $0x80, s19, s25, $0xb8;
	[tilespmem:$0x1FC00] =	vst v63  }
0x79: {  	_ =	swait.ge [sflag:s0], $0x1900  }
0x7a: {  	[sflag:s0] =	ssyncset.done $0x0  }
0x7b: {  	s20 =	sadd.s32 $0x1B00, s14;
	[sflag:s0] =	ssyncadd.s32 $0xFFFFE700  }
0x7c: {  	[spmem:s2] =	stream.indirect.scatter.add.f32 [tilespmem:s29], [sflag:$0x7], $0x80, s20, s25, $0xb8;
	[tilespmem:$0x1FC00] =	vst v63  }
0x7d: {  	_ =	swait.ge [sflag:s23], $0x1900  }
0x7e: {  	[sflag:s23] =	ssyncset.done $0x0  }
0x7f: {  	s21 =	sadd.s32 $0x580, s14;
	[sflag:s23] =	ssyncadd.s32 $0xFFFFE700  }
0x80: {  	[tilespmem:s29], [sflag:$0x2] =	stream.indirect.gather [hbm4b:s1+s25], $0x80, s21, s25, $0xb8;
	[tilespmem:$0x1FC00] =	vst v63  }
0x81: {  	_ =	swait.ge [sflag:s7], $0x1900  }
0x82: {  	[sflag:s7] =	ssyncset.done $0x0  }
0x83: {  	s22 =	sadd.s32 $0x1B80, s14;
	[sflag:s7] =	ssyncadd.s32 $0xFFFFE700  }
0x84: {  	[spmem:s2] =	stream.indirect.scatter.add.f32 [tilespmem:s31], [sflag:$0x7], $0x80, s22, s25, $0xb8;
	[tilespmem:$0x1FC00] =	vst v63  }
0x85: {  	_ =	swait.ge [sflag:s23], $0x1900  }
0x86: {  	[sflag:s23] =	ssyncset.done $0x0  }
0x87: {  	s8 =	sadd.s32 $0x600, s14;
	[sflag:s23] =	ssyncadd.s32 $0xFFFFE700  }
0x88: {  	[tilespmem:s31], [sflag:$0x3] =	stream.indirect.gather [hbm4b:s1+s25], $0x80, s8, s25, $0xb8;
	[tilespmem:$0x1FC00] =	vst v63  }
0x89: {  	_ =	swait.ge [sflag:s10], $0x1900  }
0x8a: {  	[sflag:s10] =	ssyncset.done $0x0  }
0x8b: {  	s9 =	sadd.s32 $0x1C00, s14;
	[sflag:s10] =	ssyncadd.s32 $0xFFFFE700  }
0x8c: {  	[spmem:s2] =	stream.indirect.scatter.add.f32 [tilespmem:s24], [sflag:$0x7], $0x80, s9, s25, $0xb8;
	[tilespmem:$0x1FC00] =	vst v63  }
0x8d: {  	_ =	swait.ge [sflag:s23], $0x1900  }
0x8e: {  	[sflag:s23] =	ssyncset.done $0x0  }
0x8f: {  	s15 =	sadd.s32 $0x680, s14;
	[sflag:s23] =	ssyncadd.s32 $0xFFFFE700  }
0x90: {  	[tilespmem:s24], [sflag:$0x4] =	stream.indirect.gather [hbm4b:s1+s25], $0x80, s15, s25, $0xb8;
	[tilespmem:$0x1FC00] =	vst v63  }
0x91: {  	_ =	swait.ge [sflag:s11], $0x1900  }
0x92: {  	[sflag:s11] =	ssyncset.done $0x0  }
0x93: {  	s16 =	sadd.s32 $0x1C80, s14;
	[sflag:s11] =	ssyncadd.s32 $0xFFFFE700  }
0x94: {  	[spmem:s2] =	stream.indirect.scatter.add.f32 [tilespmem:s28], [sflag:$0x7], $0x80, s16, s25, $0xb8;
	[tilespmem:$0x1FC00] =	vst v63  }
0x95: {  	_ =	swait.ge [sflag:s23], $0x1900  }
0x96: {  	[sflag:s23] =	ssyncset.done $0x0  }
0x97: {  	s17 =	sadd.s32 $0x700, s14;
	[sflag:s23] =	ssyncadd.s32 $0xFFFFE700  }
0x98: {  	[tilespmem:s28], [sflag:$0x5] =	stream.indirect.gather [hbm4b:s1+s25], $0x80, s17, s25, $0xb8;
	[tilespmem:$0x1FC00] =	vst v63  }
0x99: {  	_ =	swait.ge [sflag:s30], $0x1900  }
0x9a: {  	[sflag:s30] =	ssyncset.done $0x0  }
0x9b: {  	s18 =	sadd.s32 $0x1D00, s14;
	[sflag:s30] =	ssyncadd.s32 $0xFFFFE700  }
0x9c: {  	[spmem:s2] =	stream.indirect.scatter.add.f32 [tilespmem:s26], [sflag:$0x7], $0x80, s18, s25, $0xb8;
	[tilespmem:$0x1FC00] =	vst v63  }
0x9d: {  	_ =	swait.ge [sflag:s23], $0x1900  }
0x9e: {  	[sflag:s23] =	ssyncset.done $0x0  }
0x9f: {  	s19 =	sadd.s32 $0x780, s14;
	[sflag:s23] =	ssyncadd.s32 $0xFFFFE700  }
0xa0: {  	[tilespmem:s26], [sflag:$0x1] =	stream.indirect.gather [hbm4b:s1+s25], $0x80, s19, s25, $0xb8;
	[tilespmem:$0x1FC00] =	vst v63  }
0xa1: {  	_ =	swait.ge [sflag:s0], $0x1900  }
0xa2: {  	[sflag:s0] =	ssyncset.done $0x0  }
0xa3: {  	s20 =	sadd.s32 $0x1D80, s14;
	[sflag:s0] =	ssyncadd.s32 $0xFFFFE700  }
0xa4: {  	[spmem:s2] =	stream.indirect.scatter.add.f32 [tilespmem:s29], [sflag:$0x7], $0x80, s20, s25, $0xb8;
	[tilespmem:$0x1FC00] =	vst v63  }
0xa5: {  	_ =	swait.ge [sflag:s23], $0x1900  }
0xa6: {  	[sflag:s23] =	ssyncset.done $0x0  }
0xa7: {  	s15 =	sadd.s32 $0x800, s14;
	[sflag:s23] =	ssyncadd.s32 $0xFFFFE700  }
0xa8: {  	[tilespmem:s29], [sflag:$0x2] =	stream.indirect.gather [hbm4b:s1+s25], $0x80, s15, s25, $0xb8;
	[tilespmem:$0x1FC00] =	vst v63  }
0xa9: {  	_ =	swait.ge [sflag:s7], $0x1900  }
0xaa: {  	[sflag:s7] =	ssyncset.done $0x0  }
0xab: {  	s21 =	sadd.s32 $0x1E00, s14;
	[sflag:s7] =	ssyncadd.s32 $0xFFFFE700  }
0xac: {  	[spmem:s2] =	stream.indirect.scatter.add.f32 [tilespmem:s31], [sflag:$0x7], $0x80, s21, s25, $0xb8;
	[tilespmem:$0x1FC00] =	vst v63  }
0xad: {  	_ =	swait.ge [sflag:s23], $0x1900  }
0xae: {  	[sflag:s23] =	ssyncset.done $0x0  }
0xaf: {  	s22 =	sadd.s32 $0x880, s14;
	[sflag:s23] =	ssyncadd.s32 $0xFFFFE700  }
0xb0: {  	[tilespmem:s31], [sflag:$0x3] =	stream.indirect.gather [hbm4b:s1+s25], $0x80, s22, s25, $0xb8;
	[tilespmem:$0x1FC00] =	vst v63  }
0xb1: {  	_ =	swait.ge [sflag:s10], $0x1900  }
0xb2: {  	[sflag:s10] =	ssyncset.done $0x0  }
0xb3: {  	s9 =	sadd.s32 $0x1E80, s14;
	[sflag:s10] =	ssyncadd.s32 $0xFFFFE700  }
0xb4: {  	[spmem:s2] =	stream.indirect.scatter.add.f32 [tilespmem:s24], [sflag:$0x7], $0x80, s9, s25, $0xb8;
	[tilespmem:$0x1FC00] =	vst v63  }
0xb5: {  	_ =	swait.ge [sflag:s23], $0x1900  }
0xb6: {  	[sflag:s23] =	ssyncset.done $0x0  }
0xb7: {  	s8 =	sadd.s32 $0x900, s14;
	[sflag:s23] =	ssyncadd.s32 $0xFFFFE700  }
0xb8: {  	[tilespmem:s24], [sflag:$0x4] =	stream.indirect.gather [hbm4b:s1+s25], $0x80, s8, s25, $0xb8;
	[tilespmem:$0x1FC00] =	vst v63  }
0xb9: {  	_ =	swait.ge [sflag:s11], $0x1900  }
0xba: {  	[sflag:s11] =	ssyncset.done $0x0  }
0xbb: {  	s16 =	sadd.s32 $0x1F00, s14;
	[sflag:s11] =	ssyncadd.s32 $0xFFFFE700  }
0xbc: {  	[spmem:s2] =	stream.indirect.scatter.add.f32 [tilespmem:s28], [sflag:$0x7], $0x80, s16, s25, $0xb8;
	[tilespmem:$0x1FC00] =	vst v63  }
0xbd: {  	_ =	swait.ge [sflag:s23], $0x1900  }
0xbe: {  	[sflag:s23] =	ssyncset.done $0x0  }
0xbf: {  	s17 =	sadd.s32 $0x980, s14;
	[sflag:s23] =	ssyncadd.s32 $0xFFFFE700  }
0xc0: {  	[tilespmem:s28], [sflag:$0x5] =	stream.indirect.gather [hbm4b:s1+s25], $0x80, s17, s25, $0xb8;
	[tilespmem:$0x1FC00] =	vst v63  }
0xc1: {  	_ =	swait.ge [sflag:s30], $0x1900  }
0xc2: {  	[sflag:s30] =	ssyncset.done $0x0  }
0xc3: {  	s14 =	sadd.s32 $0x1F80, s14;
	[sflag:s30] =	ssyncadd.s32 $0xFFFFE700  }
0xc4: {  	[spmem:s2] =	stream.indirect.scatter.add.f32 [tilespmem:s26], [sflag:$0x7], $0x80, s14, s25, $0xb8;
	[tilespmem:$0x1FC00] =	vst v63  }
0xc5: {  	_ =	swait.ge [sflag:s23], $0x1900  }
0xc6: {  	[sflag:s23] =	ssyncset.done $0x0  }
0xc7: {  	s14 =	simm.s32 @p5 $0x2;
	[sflag:s23] =	ssyncadd.s32 $0xFFFFE700  }
0xc8: {  	_ =	swait.ge @p5 [sflag:s14], $0x1900  }
0xc9: {  	s18 =	simm.s32 @p5 $0x7;
	s19 =	simm.s32 @p5 $0x4C00;
	[sflag:s14] =	ssyncset.done @p5 $0x0  }
0xca: {  	s16 =	sadd.s32 @p5 $0x1800, s15;
	[sflag:s14] =	ssyncadd.s32 @p5 $0xFFFFE700;
	s14 =	simm.s32 @p5 $0x32  }
0xcb: {  	[spmem:s2] =	stream.indirect.scatter.add.f32 @p5 [tilespmem:s19], [sflag:$0x7], $0x80, s16, s14, $0xb8;
	[tilespmem:$0x1FC00] =	vst v63  }
0xcc: {  	_ =	swait.ge @p5 [sflag:s18], $0x1900  }
0xcd: {  	[sflag:s18] =	ssyncset.done @p5 $0x0  }
0xce: {  	s16 =	simm.s32 @!p5 $0x6;
	[sflag:s18] =	ssyncadd.s32 @p5 $0xFFFFE700  }
0xcf: {  	_ =	swait.ge @!p5 [sflag:s16], $0xA00  }
0xd0: {  	[sflag:s16] =	ssyncset.done @!p5 $0x0  }
0xd1: {  	s13 =	smul.u32 @!p5 $0x3000, s13;
	[sflag:s16] =	ssyncadd.s32 @!p5 $0xFFFFF600  }
0xd2: {  	_ =	swait.ge @!p5 [sflag:s16], $0xA00  }
0xd3: {  	s13 =	sshrl.u32 @!p5 s13, $0x2;
	s20 =	simm.s32 @!p5 $0x2;
	[sflag:s16] =	ssyncset.done @!p5 $0x0  }
0xd4: {  	s19 =	simm.s32 @!p5 $0x32;
	[sflag:s16] =	ssyncadd.s32 @!p5 $0xFFFFF600;
	s16 =	simm.s32 @!p5 $0x3000  }
0xd5: {  	[tilespmem:s16], [sflag:$0x1] =	stream.indirect.gather @!p5 [hbm4b:s1+s19], $0x80, s13, s19, $0xb8;
	[tilespmem:$0x1FC00] =	vst v63  }
0xd6: {  	_ =	swait.ge @!p5 [sflag:s20], $0x1900  }
0xd7: {  	s15 =	sadd.s32 @!p5 $0x1800, s15;
	[sflag:s20] =	ssyncset.done @!p5 $0x0  }
0xd8: {  	s16 =	simm.s32 @!p5 $0x4C00;
	[sflag:s20] =	ssyncadd.s32 @!p5 $0xFFFFE700;
	s20 =	simm.s32 @!p5 $0x7  }
0xd9: {  	[spmem:s2] =	stream.indirect.scatter.add.f32 @!p5 [tilespmem:s16], [sflag:$0x7], $0x80, s15, s19, $0xb8;
	[tilespmem:$0x1FC00] =	vst v63  }
0xda: {  	_ =	swait.ge @!p5 [sflag:s20], $0x1900  }
0xdb: {  	[sflag:s20] =	ssyncset.done @!p5 $0x0  }
0xdc: {  	s15 =	sor.u32 @!p5 $0x80, s13;
	[sflag:s20] =	ssyncadd.s32 @!p5 $0xFFFFE700  }
0xdd: {  	[tilespmem:s16], [sflag:$0x2] =	stream.indirect.gather @!p5 [hbm4b:s1+s19], $0x80, s15, s19, $0xb8;
	[tilespmem:$0x1FC00] =	vst v63  }
0xde: {  	_ =	swait.ge [sflag:s7], $0x1900  }
0xdf: {  	[sflag:s7] =	ssyncset.done $0x0  }
0xe0: {  	s4 =	sadd.s32 $0x1800, s22;
	[sflag:s7] =	ssyncadd.s32 $0xFFFFE700  }
0xe1: {  	[spmem:s2] =	stream.indirect.scatter.add.f32 [tilespmem:s31], [sflag:$0x7], $0x80, s4, s25, $0xb8;
	[tilespmem:$0x1FC00] =	vst v63  }
0xe2: {  	_ =	swait.ge [sflag:s23], $0x1900  }
0xe3: {  	[sflag:s23] =	ssyncset.done $0x0  }
0xe4: {  	s4 =	simm.s32 @p5 $0x4;
	[sflag:s23] =	ssyncadd.s32 $0xFFFFE700  }
0xe5: {  	_ =	swait.ge @p5 [sflag:s4], $0x1900  }
0xe6: {  	[sflag:s4] =	ssyncset.done @p5 $0x0  }
0xe7: {  	s15 =	sadd.s32 @p5 $0x1800, s8;
	[sflag:s4] =	ssyncadd.s32 @p5 $0xFFFFE700;
	s4 =	simm.s32 @p5 $0x8400  }
0xe8: {  	[spmem:s2] =	stream.indirect.scatter.add.f32 @p5 [tilespmem:s4], [sflag:$0x7], $0x80, s15, s14, $0xb8;
	[tilespmem:$0x1FC00] =	vst v63  }
0xe9: {  	_ =	swait.ge @p5 [sflag:s18], $0x1900  }
0xea: {  	[sflag:s18] =	ssyncset.done @p5 $0x0  }
0xeb: {  	s4 =	sor.u32 @!p5 $0x100, s13;
	s14 =	simm.s32 @!p5 $0x6800;
	[sflag:s18] =	ssyncadd.s32 @p5 $0xFFFFE700  }
0xec: {  	[tilespmem:s14], [sflag:$0x3] =	stream.indirect.gather @!p5 [hbm4b:s1+s19], $0x80, s4, s19, $0xb8;
	[tilespmem:$0x1FC00] =	vst v63  }
0xed: {  	s4 =	simm.s32 @!p5 $0x4  }
0xee: {  	_ =	swait.ge @!p5 [sflag:s4], $0x1900  }
0xef: {  	[sflag:s4] =	ssyncset.done @!p5 $0x0  }
0xf0: {  	s8 =	sadd.s32 @!p5 $0x1800, s8;
	[sflag:s4] =	ssyncadd.s32 @!p5 $0xFFFFE700;
	s4 =	simm.s32 @!p5 $0x8400  }
0xf1: {  	[spmem:s2] =	stream.indirect.scatter.add.f32 @!p5 [tilespmem:s4], [sflag:$0x7], $0x80, s8, s19, $0xb8;
	[tilespmem:$0x1FC00] =	vst v63  }
0xf2: {  	p4 =	por @!p3 $0x1, $0x1;
	p6 =	por p0, p0;
	_ =	swait.ge @!p5 [sflag:s20], $0x1900  }
0xf3: {  	p6 =	por @!p3 p4, p4;
	p4 =	por @p1 $0x0, $0x0;
	[sflag:s20] =	ssyncset.done @!p5 $0x0  }
0xf4: {  	p4 =	por @!p1 p6, p6;
	s8 =	sor.u32 @!p5 $0x180, s13;
	[sflag:s20] =	ssyncadd.s32 @!p5 $0xFFFFE700  }
0xf5: {  	[tilespmem:s4], [sflag:$0x4] =	stream.indirect.gather @!p5 [hbm4b:s1+s19], $0x80, s8, s19, $0xb8;
	[tilespmem:$0x1FC00] =	vst v63  }
0xf6: {  	s21 =	simm.s32 $0x1;
	s22 =	sadd.s32 $0x1800, s17;
	_ =	swait.ge [sflag:s11], $0x1900  }
0xf7: {  	s14 =	sadd.s32 $0xC00, s3;
	s13 =	simm.s32 $0x2;
	[sflag:s11] =	ssyncset.done $0x0  }
0xf8: {  	s4 =	sand.u32 $0x1, s21;
	p5 =	por $0x0, $0x0;
	[sflag:s11] =	ssyncadd.s32 $0xFFFFE700  }
0xf9: {  	[spmem:s2] =	stream.indirect.scatter.add.f32 [tilespmem:s28], [sflag:$0x7], $0x80, s22, s25, $0xb8;
	[tilespmem:$0x1FC00] =	vst v63  }
0xfa: {  	s15 =	sxor.u32 @!p5 $0x1, s4;
	s8 =	sshrl.u32 @!p5 s14, $0x3;
	_ =	swait.ge [sflag:s23], $0x1900  }
0xfb: {  	s9 =	smul.u32 @!p5 $0xC00, s15;
	s18 =	sadd.s32 @!p5 s5, s8;
	[sflag:s23] =	ssyncset.done $0x0  }
.LBB2_2:
0xfc: {  	s19 =	simm.s32 @!p5 $0x0;
	s16 =	smul.u32 @!p5 $0x3000, s15;
	[sflag:s23] =	ssyncadd.s32 $0xFFFFE700  }
0xfd: {  	[tilespmem:s9], [sflag:$0x6] =	stream.linear.gather @!p5 [hbm4b:s18+s19], $0xA00, $0x38;
	[tilespmem:$0x1FC00] =	vst v63  }
0xfe: {  	s8 =	sadd.s32 @!p5 s6, s8;
	s9 =	sadd.s32 @!p5 $0x1800, s9;
	s18 =	smul.u32 $0xC00, s4  }
0xff: {  	[tilespmem:s9], [sflag:$0x6] =	stream.linear.gather @!p5 [hbm4b:s8+s19], $0xA00, $0x38;
	[tilespmem:$0x1FC00] =	vst v63  }
0x100: {  	s15 =	smov.u32 s13;
	s13 =	sadd.s32 $0x1, s13;
	s4 =	sor.u32 $0x200, s18  }
0x101: {  	[tilespmem:s28], [sflag:$0x5] =	stream.indirect.gather [hbm4b:s1+s25], $0x80, s4, s25, $0xb8;
	[tilespmem:$0x1FC00] =	vst v63  }
0x102: {  	p6 =	sne.s32 s13, $0xA;
	_ =	swait.ge [sflag:s30], $0x1900  }
0x103: {  	[sflag:s30] =	ssyncset.done $0x0  }
0x104: {  	s4 =	sadd.s32 $0x1800, s18;
	[sflag:s30] =	ssyncadd.s32 $0xFFFFE700  }
0x105: {  	[spmem:s2] =	stream.indirect.scatter.add.f32 [tilespmem:s26], [sflag:$0x7], $0x80, s4, s25, $0xb8;
	[tilespmem:$0x1FC00] =	vst v63  }
0x106: {  	_ =	swait.ge [sflag:s23], $0x1900  }
0x107: {  	[sflag:s23] =	ssyncset.done $0x0  }
0x108: {  	s4 =	sor.u32 $0x280, s18;
	[sflag:s23] =	ssyncadd.s32 $0xFFFFE700  }
0x109: {  	[tilespmem:s26], [sflag:$0x1] =	stream.indirect.gather [hbm4b:s1+s25], $0x80, s4, s25, $0xb8;
	[tilespmem:$0x1FC00] =	vst v63  }
0x10a: {  	_ =	swait.ge [sflag:s0], $0x1900  }
0x10b: {  	[sflag:s0] =	ssyncset.done $0x0  }
0x10c: {  	s4 =	sadd.s32 $0x1880, s18;
	[sflag:s0] =	ssyncadd.s32 $0xFFFFE700  }
0x10d: {  	[spmem:s2] =	stream.indirect.scatter.add.f32 [tilespmem:s29], [sflag:$0x7], $0x80, s4, s25, $0xb8;
	[tilespmem:$0x1FC00] =	vst v63  }
0x10e: {  	_ =	swait.ge [sflag:s23], $0x1900  }
0x10f: {  	[sflag:s23] =	ssyncset.done $0x0  }
0x110: {  	s4 =	sor.u32 $0x300, s18;
	[sflag:s23] =	ssyncadd.s32 $0xFFFFE700  }
0x111: {  	[tilespmem:s29], [sflag:$0x2] =	stream.indirect.gather [hbm4b:s1+s25], $0x80, s4, s25, $0xb8;
	[tilespmem:$0x1FC00] =	vst v63  }
0x112: {  	_ =	swait.ge [sflag:s7], $0x1900  }
0x113: {  	[sflag:s7] =	ssyncset.done $0x0  }
0x114: {  	s4 =	sadd.s32 $0x1900, s18;
	[sflag:s7] =	ssyncadd.s32 $0xFFFFE700  }
0x115: {  	[spmem:s2] =	stream.indirect.scatter.add.f32 [tilespmem:s31], [sflag:$0x7], $0x80, s4, s25, $0xb8;
	[tilespmem:$0x1FC00] =	vst v63  }
0x116: {  	_ =	swait.ge [sflag:s23], $0x1900  }
0x117: {  	[sflag:s23] =	ssyncset.done $0x0  }
0x118: {  	s4 =	sor.u32 $0x380, s18;
	[sflag:s23] =	ssyncadd.s32 $0xFFFFE700  }
0x119: {  	[tilespmem:s31], [sflag:$0x3] =	stream.indirect.gather [hbm4b:s1+s25], $0x80, s4, s25, $0xb8;
	[tilespmem:$0x1FC00] =	vst v63  }
0x11a: {  	_ =	swait.ge [sflag:s10], $0x1900  }
0x11b: {  	[sflag:s10] =	ssyncset.done $0x0  }
0x11c: {  	s4 =	sadd.s32 $0x1980, s18;
	[sflag:s10] =	ssyncadd.s32 $0xFFFFE700  }
0x11d: {  	[spmem:s2] =	stream.indirect.scatter.add.f32 [tilespmem:s24], [sflag:$0x7], $0x80, s4, s25, $0xb8;
	[tilespmem:$0x1FC00] =	vst v63  }
0x11e: {  	_ =	swait.ge [sflag:s23], $0x1900  }
0x11f: {  	[sflag:s23] =	ssyncset.done $0x0  }
0x120: {  	s4 =	sadd.s32 $0x400, s18;
	[sflag:s23] =	ssyncadd.s32 $0xFFFFE700  }
0x121: {  	[tilespmem:s24], [sflag:$0x4] =	stream.indirect.gather [hbm4b:s1+s25], $0x80, s4, s25, $0xb8;
	[tilespmem:$0x1FC00] =	vst v63  }
0x122: {  	_ =	swait.ge [sflag:s11], $0x1900  }
0x123: {  	[sflag:s11] =	ssyncset.done $0x0  }
0x124: {  	s4 =	sadd.s32 $0x1A00, s18;
	[sflag:s11] =	ssyncadd.s32 $0xFFFFE700  }
0x125: {  	[spmem:s2] =	stream.indirect.scatter.add.f32 [tilespmem:s28], [sflag:$0x7], $0x80, s4, s25, $0xb8;
	[tilespmem:$0x1FC00] =	vst v63  }
0x126: {  	_ =	swait.ge [sflag:s23], $0x1900  }
0x127: {  	[sflag:s23] =	ssyncset.done $0x0  }
0x128: {  	s4 =	sadd.s32 $0x480, s18;
	[sflag:s23] =	ssyncadd.s32 $0xFFFFE700  }
0x129: {  	[tilespmem:s28], [sflag:$0x5] =	stream.indirect.gather [hbm4b:s1+s25], $0x80, s4, s25, $0xb8;
	[tilespmem:$0x1FC00] =	vst v63  }
0x12a: {  	_ =	swait.ge [sflag:s30], $0x1900  }
0x12b: {  	[sflag:s30] =	ssyncset.done $0x0  }
0x12c: {  	s4 =	sadd.s32 $0x1A80, s18;
	[sflag:s30] =	ssyncadd.s32 $0xFFFFE700  }
0x12d: {  	[spmem:s2] =	stream.indirect.scatter.add.f32 [tilespmem:s26], [sflag:$0x7], $0x80, s4, s25, $0xb8;
	[tilespmem:$0x1FC00] =	vst v63  }
0x12e: {  	_ =	swait.ge [sflag:s23], $0x1900  }
0x12f: {  	[sflag:s23] =	ssyncset.done $0x0  }
0x130: {  	s4 =	sadd.s32 $0x500, s18;
	[sflag:s23] =	ssyncadd.s32 $0xFFFFE700  }
0x131: {  	[tilespmem:s26], [sflag:$0x1] =	stream.indirect.gather [hbm4b:s1+s25], $0x80, s4, s25, $0xb8;
	[tilespmem:$0x1FC00] =	vst v63  }
0x132: {  	_ =	swait.ge [sflag:s0], $0x1900  }
0x133: {  	[sflag:s0] =	ssyncset.done $0x0  }
0x134: {  	s4 =	sadd.s32 $0x1B00, s18;
	[sflag:s0] =	ssyncadd.s32 $0xFFFFE700  }
0x135: {  	[spmem:s2] =	stream.indirect.scatter.add.f32 [tilespmem:s29], [sflag:$0x7], $0x80, s4, s25, $0xb8;
	[tilespmem:$0x1FC00] =	vst v63  }
0x136: {  	_ =	swait.ge [sflag:s23], $0x1900  }
0x137: {  	[sflag:s23] =	ssyncset.done $0x0  }
0x138: {  	s4 =	sadd.s32 $0x580, s18;
	[sflag:s23] =	ssyncadd.s32 $0xFFFFE700  }
0x139: {  	[tilespmem:s29], [sflag:$0x2] =	stream.indirect.gather [hbm4b:s1+s25], $0x80, s4, s25, $0xb8;
	[tilespmem:$0x1FC00] =	vst v63  }
0x13a: {  	_ =	swait.ge [sflag:s7], $0x1900  }
0x13b: {  	[sflag:s7] =	ssyncset.done $0x0  }
0x13c: {  	s4 =	sadd.s32 $0x1B80, s18;
	[sflag:s7] =	ssyncadd.s32 $0xFFFFE700  }
0x13d: {  	[spmem:s2] =	stream.indirect.scatter.add.f32 [tilespmem:s31], [sflag:$0x7], $0x80, s4, s25, $0xb8;
	[tilespmem:$0x1FC00] =	vst v63  }
0x13e: {  	_ =	swait.ge [sflag:s23], $0x1900  }
0x13f: {  	[sflag:s23] =	ssyncset.done $0x0  }
0x140: {  	s4 =	sadd.s32 $0x600, s18;
	[sflag:s23] =	ssyncadd.s32 $0xFFFFE700  }
0x141: {  	[tilespmem:s31], [sflag:$0x3] =	stream.indirect.gather [hbm4b:s1+s25], $0x80, s4, s25, $0xb8;
	[tilespmem:$0x1FC00] =	vst v63  }
0x142: {  	_ =	swait.ge [sflag:s10], $0x1900  }
0x143: {  	[sflag:s10] =	ssyncset.done $0x0  }
0x144: {  	s4 =	sadd.s32 $0x1C00, s18;
	[sflag:s10] =	ssyncadd.s32 $0xFFFFE700  }
0x145: {  	[spmem:s2] =	stream.indirect.scatter.add.f32 [tilespmem:s24], [sflag:$0x7], $0x80, s4, s25, $0xb8;
	[tilespmem:$0x1FC00] =	vst v63  }
0x146: {  	_ =	swait.ge [sflag:s23], $0x1900  }
0x147: {  	[sflag:s23] =	ssyncset.done $0x0  }
0x148: {  	s4 =	sadd.s32 $0x680, s18;
	[sflag:s23] =	ssyncadd.s32 $0xFFFFE700  }
0x149: {  	[tilespmem:s24], [sflag:$0x4] =	stream.indirect.gather [hbm4b:s1+s25], $0x80, s4, s25, $0xb8;
	[tilespmem:$0x1FC00] =	vst v63  }
0x14a: {  	_ =	swait.ge [sflag:s11], $0x1900  }
0x14b: {  	[sflag:s11] =	ssyncset.done $0x0  }
0x14c: {  	s4 =	sadd.s32 $0x1C80, s18;
	[sflag:s11] =	ssyncadd.s32 $0xFFFFE700  }
0x14d: {  	[spmem:s2] =	stream.indirect.scatter.add.f32 [tilespmem:s28], [sflag:$0x7], $0x80, s4, s25, $0xb8;
	[tilespmem:$0x1FC00] =	vst v63  }
0x14e: {  	_ =	swait.ge [sflag:s23], $0x1900  }
0x14f: {  	[sflag:s23] =	ssyncset.done $0x0  }
0x150: {  	s4 =	sadd.s32 $0x700, s18;
	[sflag:s23] =	ssyncadd.s32 $0xFFFFE700  }
0x151: {  	[tilespmem:s28], [sflag:$0x5] =	stream.indirect.gather [hbm4b:s1+s25], $0x80, s4, s25, $0xb8;
	[tilespmem:$0x1FC00] =	vst v63  }
0x152: {  	_ =	swait.ge [sflag:s30], $0x1900  }
0x153: {  	[sflag:s30] =	ssyncset.done $0x0  }
0x154: {  	s4 =	sadd.s32 $0x1D00, s18;
	[sflag:s30] =	ssyncadd.s32 $0xFFFFE700  }
0x155: {  	[spmem:s2] =	stream.indirect.scatter.add.f32 [tilespmem:s26], [sflag:$0x7], $0x80, s4, s25, $0xb8;
	[tilespmem:$0x1FC00] =	vst v63  }
0x156: {  	_ =	swait.ge [sflag:s23], $0x1900  }
0x157: {  	[sflag:s23] =	ssyncset.done $0x0  }
0x158: {  	s4 =	sadd.s32 $0x780, s18;
	[sflag:s23] =	ssyncadd.s32 $0xFFFFE700  }
0x159: {  	[tilespmem:s26], [sflag:$0x1] =	stream.indirect.gather [hbm4b:s1+s25], $0x80, s4, s25, $0xb8;
	[tilespmem:$0x1FC00] =	vst v63  }
0x15a: {  	_ =	swait.ge [sflag:s0], $0x1900  }
0x15b: {  	[sflag:s0] =	ssyncset.done $0x0  }
0x15c: {  	s4 =	sadd.s32 $0x1D80, s18;
	[sflag:s0] =	ssyncadd.s32 $0xFFFFE700  }
0x15d: {  	[spmem:s2] =	stream.indirect.scatter.add.f32 [tilespmem:s29], [sflag:$0x7], $0x80, s4, s25, $0xb8;
	[tilespmem:$0x1FC00] =	vst v63  }
0x15e: {  	_ =	swait.ge [sflag:s23], $0x1900  }
0x15f: {  	[sflag:s23] =	ssyncset.done $0x0  }
0x160: {  	s4 =	sadd.s32 $0x800, s18;
	[sflag:s23] =	ssyncadd.s32 $0xFFFFE700  }
0x161: {  	[tilespmem:s29], [sflag:$0x2] =	stream.indirect.gather [hbm4b:s1+s25], $0x80, s4, s25, $0xb8;
	[tilespmem:$0x1FC00] =	vst v63  }
0x162: {  	s8 =	sadd.s32 @p5 $0x1800, s4;
	s22 =	sadd.s32 @!p5 $0x1800, s4;
	_ =	swait.ge [sflag:s7], $0x1900  }
0x163: {  	[sflag:s7] =	ssyncset.done $0x0  }
0x164: {  	s4 =	sadd.s32 $0x1E00, s18;
	[sflag:s7] =	ssyncadd.s32 $0xFFFFE700  }
0x165: {  	[spmem:s2] =	stream.indirect.scatter.add.f32 [tilespmem:s31], [sflag:$0x7], $0x80, s4, s25, $0xb8;
	[tilespmem:$0x1FC00] =	vst v63  }
0x166: {  	_ =	swait.ge [sflag:s23], $0x1900  }
0x167: {  	[sflag:s23] =	ssyncset.done $0x0  }
0x168: {  	s21 =	sadd.s32 $0x880, s18;
	[sflag:s23] =	ssyncadd.s32 $0xFFFFE700  }
0x169: {  	[tilespmem:s31], [sflag:$0x3] =	stream.indirect.gather [hbm4b:s1+s25], $0x80, s21, s25, $0xb8;
	[tilespmem:$0x1FC00] =	vst v63  }
0x16a: {  	_ =	swait.ge [sflag:s10], $0x1900  }
0x16b: {  	[sflag:s10] =	ssyncset.done $0x0  }
0x16c: {  	s4 =	sadd.s32 $0x1E80, s18;
	[sflag:s10] =	ssyncadd.s32 $0xFFFFE700  }
0x16d: {  	[spmem:s2] =	stream.indirect.scatter.add.f32 [tilespmem:s24], [sflag:$0x7], $0x80, s4, s25, $0xb8;
	[tilespmem:$0x1FC00] =	vst v63  }
0x16e: {  	_ =	swait.ge [sflag:s23], $0x1900  }
0x16f: {  	[sflag:s23] =	ssyncset.done $0x0  }
0x170: {  	s4 =	sadd.s32 $0x900, s18;
	[sflag:s23] =	ssyncadd.s32 $0xFFFFE700  }
0x171: {  	[tilespmem:s24], [sflag:$0x4] =	stream.indirect.gather [hbm4b:s1+s25], $0x80, s4, s25, $0xb8;
	[tilespmem:$0x1FC00] =	vst v63  }
0x172: {  	s9 =	sadd.s32 @p5 $0x1800, s4;
	s20 =	sadd.s32 @!p5 $0x1800, s4;
	_ =	swait.ge [sflag:s11], $0x1900  }
0x173: {  	[sflag:s11] =	ssyncset.done $0x0  }
0x174: {  	s4 =	sadd.s32 $0x1F00, s18;
	[sflag:s11] =	ssyncadd.s32 $0xFFFFE700  }
0x175: {  	[spmem:s2] =	stream.indirect.scatter.add.f32 [tilespmem:s28], [sflag:$0x7], $0x80, s4, s25, $0xb8;
	[tilespmem:$0x1FC00] =	vst v63  }
0x176: {  	_ =	swait.ge [sflag:s23], $0x1900  }
0x177: {  	[sflag:s23] =	ssyncset.done $0x0  }
0x178: {  	s19 =	sadd.s32 $0x980, s18;
	[sflag:s23] =	ssyncadd.s32 $0xFFFFE700  }
0x179: {  	[tilespmem:s28], [sflag:$0x5] =	stream.indirect.gather [hbm4b:s1+s25], $0x80, s19, s25, $0xb8;
	[tilespmem:$0x1FC00] =	vst v63  }
0x17a: {  	_ =	swait.ge [sflag:s30], $0x1900  }
0x17b: {  	[sflag:s30] =	ssyncset.done $0x0  }
0x17c: {  	s4 =	sadd.s32 $0x1F80, s18;
	[sflag:s30] =	ssyncadd.s32 $0xFFFFE700  }
0x17d: {  	[spmem:s2] =	stream.indirect.scatter.add.f32 [tilespmem:s26], [sflag:$0x7], $0x80, s4, s25, $0xb8;
	[tilespmem:$0x1FC00] =	vst v63  }
0x17e: {  	_ =	swait.ge [sflag:s23], $0x1900  }
0x17f: {  	[sflag:s23] =	ssyncset.done $0x0  }
0x180: {  	s4 =	simm.s32 @p5 $0x2;
	[sflag:s23] =	ssyncadd.s32 $0xFFFFE700  }
0x181: {  	_ =	swait.ge @p5 [sflag:s4], $0x1900  }
0x182: {  	s18 =	simm.s32 @p5 $0x7;
	[sflag:s4] =	ssyncset.done @p5 $0x0  }
0x183: {  	s3 =	simm.s32 @p5 $0x4C00;
	[sflag:s4] =	ssyncadd.s32 @p5 $0xFFFFE700;
	s4 =	simm.s32 @p5 $0x32  }
0x184: {  	[spmem:s2] =	stream.indirect.scatter.add.f32 @p5 [tilespmem:s3], [sflag:$0x7], $0x80, s8, s4, $0xb8;
	[tilespmem:$0x1FC00] =	vst v63  }
0x185: {  	_ =	swait.ge @p5 [sflag:s18], $0x1900  }
0x186: {  	[sflag:s18] =	ssyncset.done @p5 $0x0  }
0x187: {  	s3 =	simm.s32 @!p5 $0x6;
	[sflag:s18] =	ssyncadd.s32 @p5 $0xFFFFE700  }
0x188: {  	_ =	swait.ge @!p5 [sflag:s3], $0xA00  }
0x189: {  	[sflag:s3] =	ssyncset.done @!p5 $0x0  }
0x18a: {  	[sflag:s3] =	ssyncadd.s32 @!p5 $0xFFFFF600  }
0x18b: {  	_ =	swait.ge @!p5 [sflag:s3], $0xA00  }
0x18c: {  	s17 =	simm.s32 @!p5 $0x2;
	s8 =	simm.s32 @!p5 $0x32;
	[sflag:s3] =	ssyncset.done @!p5 $0x0  }
0x18d: {  	s16 =	sshrl.u32 @!p5 s16, $0x2;
	[sflag:s3] =	ssyncadd.s32 @!p5 $0xFFFFF600;
	s3 =	simm.s32 @!p5 $0x3000  }
0x18e: {  	[tilespmem:s3], [sflag:$0x1] =	stream.indirect.gather @!p5 [hbm4b:s1+s8], $0x80, s16, s8, $0xb8;
	[tilespmem:$0x1FC00] =	vst v63  }
0x18f: {  	_ =	swait.ge @!p5 [sflag:s17], $0x1900  }
0x190: {  	[sflag:s17] =	ssyncset.done @!p5 $0x0  }
0x191: {  	s3 =	simm.s32 @!p5 $0x4C00;
	[sflag:s17] =	ssyncadd.s32 @!p5 $0xFFFFE700;
	s17 =	simm.s32 @!p5 $0x7  }
0x192: {  	[spmem:s2] =	stream.indirect.scatter.add.f32 @!p5 [tilespmem:s3], [sflag:$0x7], $0x80, s22, s8, $0xb8;
	[tilespmem:$0x1FC00] =	vst v63  }
0x193: {  	_ =	swait.ge @!p5 [sflag:s17], $0x1900  }
0x194: {  	[sflag:s17] =	ssyncset.done @!p5 $0x0  }
0x195: {  	s22 =	sor.u32 @!p5 $0x80, s16;
	[sflag:s17] =	ssyncadd.s32 @!p5 $0xFFFFE700  }
0x196: {  	[tilespmem:s3], [sflag:$0x2] =	stream.indirect.gather @!p5 [hbm4b:s1+s8], $0x80, s22, s8, $0xb8;
	[tilespmem:$0x1FC00] =	vst v63  }
0x197: {  	_ =	swait.ge [sflag:s7], $0x1900  }
0x198: {  	[sflag:s7] =	ssyncset.done $0x0  }
0x199: {  	s3 =	sadd.s32 $0x1800, s21;
	[sflag:s7] =	ssyncadd.s32 $0xFFFFE700  }
0x19a: {  	[spmem:s2] =	stream.indirect.scatter.add.f32 [tilespmem:s31], [sflag:$0x7], $0x80, s3, s25, $0xb8;
	[tilespmem:$0x1FC00] =	vst v63  }
0x19b: {  	_ =	swait.ge [sflag:s23], $0x1900  }
0x19c: {  	[sflag:s23] =	ssyncset.done $0x0  }
0x19d: {  	s3 =	simm.s32 @p5 $0x4;
	[sflag:s23] =	ssyncadd.s32 $0xFFFFE700  }
0x19e: {  	_ =	swait.ge @p5 [sflag:s3], $0x1900  }
0x19f: {  	[sflag:s3] =	ssyncset.done @p5 $0x0  }
0x1a0: {  	[sflag:s3] =	ssyncadd.s32 @p5 $0xFFFFE700;
	s3 =	simm.s32 @p5 $0x8400  }
0x1a1: {  	[spmem:s2] =	stream.indirect.scatter.add.f32 @p5 [tilespmem:s3], [sflag:$0x7], $0x80, s9, s4, $0xb8;
	[tilespmem:$0x1FC00] =	vst v63  }
0x1a2: {  	_ =	swait.ge @p5 [sflag:s18], $0x1900  }
0x1a3: {  	s3 =	simm.s32 @!p5 $0x4;
	[sflag:s18] =	ssyncset.done @p5 $0x0  }
0x1a4: {  	s4 =	sor.u32 @!p5 $0x100, s16;
	s9 =	simm.s32 @!p5 $0x6800;
	[sflag:s18] =	ssyncadd.s32 @p5 $0xFFFFE700  }
0x1a5: {  	[tilespmem:s9], [sflag:$0x3] =	stream.indirect.gather @!p5 [hbm4b:s1+s8], $0x80, s4, s8, $0xb8;
	[tilespmem:$0x1FC00] =	vst v63  }
0x1a6: {  	_ =	swait.ge @!p5 [sflag:s3], $0x1900  }
0x1a7: {  	[sflag:s3] =	ssyncset.done @!p5 $0x0  }
0x1a8: {  	[sflag:s3] =	ssyncadd.s32 @!p5 $0xFFFFE700;
	s3 =	simm.s32 @!p5 $0x8400  }
0x1a9: {  	[spmem:s2] =	stream.indirect.scatter.add.f32 @!p5 [tilespmem:s3], [sflag:$0x7], $0x80, s20, s8, $0xb8;
	[tilespmem:$0x1FC00] =	vst v63  }
0x1aa: {  	_ =	swait.ge @!p5 [sflag:s17], $0x1900  }
0x1ab: {  	[sflag:s17] =	ssyncset.done @!p5 $0x0  }
0x1ac: {  	s4 =	sor.u32 @!p5 $0x180, s16;
	[sflag:s17] =	ssyncadd.s32 @!p5 $0xFFFFE700  }
0x1ad: {  	[tilespmem:s3], [sflag:$0x4] =	stream.indirect.gather @!p5 [hbm4b:s1+s8], $0x80, s4, s8, $0xb8;
	[tilespmem:$0x1FC00] =	vst v63  }
0x1ae: {  	s14 =	sadd.s32 $0xC00, s14;
	_ =	swait.ge [sflag:s11], $0x1900  }
.Ltmp0:
0x1af: {  	s3 =	sadd.s32 $0x1800, s19;
	[sflag:s11] =	ssyncset.done $0x0;
	(pc) =	sbr.rel @p6 .LBB2_2-.Ltmp0, $4  }
0x1b0: {  	s4 =	sand.u32 $0x1, s15;
	p5 =	seq.s32 s15, $0x9;
	[sflag:s11] =	ssyncadd.s32 $0xFFFFE700  }
0x1b1: {  	[spmem:s2] =	stream.indirect.scatter.add.f32 [tilespmem:s28], [sflag:$0x7], $0x80, s3, s25, $0xb8;
	[tilespmem:$0x1FC00] =	vst v63  }
0x1b2: {  	s15 =	sxor.u32 @!p5 $0x1, s4;
	s8 =	sshrl.u32 @!p5 s14, $0x3;
	_ =	swait.ge [sflag:s23], $0x1900  }
0x1b3: {  	s9 =	smul.u32 @!p5 $0xC00, s15;
	s18 =	sadd.s32 @!p5 s5, s8;
	[sflag:s23] =	ssyncset.done $0x0  }
0x1b4: {  	s3 =	simm.s32 @!p5 $0x0;
	[sflag:s23] =	ssyncadd.s32 $0xFFFFE700  }
0x1b5: {  	[tilespmem:s9], [sflag:$0x6] =	stream.linear.gather @!p5 [hbm4b:s18+s3], $0xA00, $0x38;
	[tilespmem:$0x1FC00] =	vst v63  }
0x1b6: {  	s8 =	sadd.s32 @!p5 s6, s8;
	s13 =	smul.u32 $0xC00, s4;
	s9 =	sadd.s32 @!p5 $0x1800, s9  }
0x1b7: {  	[tilespmem:s9], [sflag:$0x6] =	stream.linear.gather @!p5 [hbm4b:s8+s3], $0xA00, $0x38;
	[tilespmem:$0x1FC00] =	vst v63  }
0x1b8: {  	s9 =	sor.u32 $0x200, s13  }
0x1b9: {  	[tilespmem:s28], [sflag:$0x5] =	stream.indirect.gather [hbm4b:s1+s25], $0x80, s9, s25, $0xb8;
	[tilespmem:$0x1FC00] =	vst v63  }
0x1ba: {  	_ =	swait.ge [sflag:s30], $0x1900  }
0x1bb: {  	[sflag:s30] =	ssyncset.done $0x0  }
0x1bc: {  	s14 =	sadd.s32 $0x1800, s13;
	[sflag:s30] =	ssyncadd.s32 $0xFFFFE700  }
0x1bd: {  	[spmem:s2] =	stream.indirect.scatter.add.f32 [tilespmem:s26], [sflag:$0x7], $0x80, s14, s25, $0xb8;
	[tilespmem:$0x1FC00] =	vst v63  }
0x1be: {  	_ =	swait.ge [sflag:s23], $0x1900  }
0x1bf: {  	[sflag:s23] =	ssyncset.done $0x0  }
0x1c0: {  	s16 =	sor.u32 $0x280, s13;
	[sflag:s23] =	ssyncadd.s32 $0xFFFFE700  }
0x1c1: {  	[tilespmem:s26], [sflag:$0x1] =	stream.indirect.gather [hbm4b:s1+s25], $0x80, s16, s25, $0xb8;
	[tilespmem:$0x1FC00] =	vst v63  }
0x1c2: {  	_ =	swait.ge [sflag:s0], $0x1900  }
0x1c3: {  	[sflag:s0] =	ssyncset.done $0x0  }
0x1c4: {  	s17 =	sadd.s32 $0x1880, s13;
	[sflag:s0] =	ssyncadd.s32 $0xFFFFE700  }
0x1c5: {  	[spmem:s2] =	stream.indirect.scatter.add.f32 [tilespmem:s29], [sflag:$0x7], $0x80, s17, s25, $0xb8;
	[tilespmem:$0x1FC00] =	vst v63  }
0x1c6: {  	_ =	swait.ge [sflag:s23], $0x1900  }
0x1c7: {  	[sflag:s23] =	ssyncset.done $0x0  }
0x1c8: {  	s18 =	sor.u32 $0x300, s13;
	[sflag:s23] =	ssyncadd.s32 $0xFFFFE700  }
0x1c9: {  	[tilespmem:s29], [sflag:$0x2] =	stream.indirect.gather [hbm4b:s1+s25], $0x80, s18, s25, $0xb8;
	[tilespmem:$0x1FC00] =	vst v63  }
0x1ca: {  	_ =	swait.ge [sflag:s7], $0x1900  }
0x1cb: {  	[sflag:s7] =	ssyncset.done $0x0  }
0x1cc: {  	s19 =	sadd.s32 $0x1900, s13;
	[sflag:s7] =	ssyncadd.s32 $0xFFFFE700  }
0x1cd: {  	[spmem:s2] =	stream.indirect.scatter.add.f32 [tilespmem:s31], [sflag:$0x7], $0x80, s19, s25, $0xb8;
	[tilespmem:$0x1FC00] =	vst v63  }
0x1ce: {  	_ =	swait.ge [sflag:s23], $0x1900  }
0x1cf: {  	[sflag:s23] =	ssyncset.done $0x0  }
0x1d0: {  	s20 =	sor.u32 $0x380, s13;
	[sflag:s23] =	ssyncadd.s32 $0xFFFFE700  }
0x1d1: {  	[tilespmem:s31], [sflag:$0x3] =	stream.indirect.gather [hbm4b:s1+s25], $0x80, s20, s25, $0xb8;
	[tilespmem:$0x1FC00] =	vst v63  }
0x1d2: {  	_ =	swait.ge [sflag:s10], $0x1900  }
0x1d3: {  	[sflag:s10] =	ssyncset.done $0x0  }
0x1d4: {  	s21 =	sadd.s32 $0x1980, s13;
	[sflag:s10] =	ssyncadd.s32 $0xFFFFE700  }
0x1d5: {  	[spmem:s2] =	stream.indirect.scatter.add.f32 [tilespmem:s24], [sflag:$0x7], $0x80, s21, s25, $0xb8;
	[tilespmem:$0x1FC00] =	vst v63  }
0x1d6: {  	_ =	swait.ge [sflag:s23], $0x1900  }
0x1d7: {  	[sflag:s23] =	ssyncset.done $0x0  }
0x1d8: {  	s22 =	sadd.s32 $0x400, s13;
	[sflag:s23] =	ssyncadd.s32 $0xFFFFE700  }
0x1d9: {  	[tilespmem:s24], [sflag:$0x4] =	stream.indirect.gather [hbm4b:s1+s25], $0x80, s22, s25, $0xb8;
	[tilespmem:$0x1FC00] =	vst v63  }
0x1da: {  	_ =	swait.ge [sflag:s11], $0x1900  }
0x1db: {  	[sflag:s11] =	ssyncset.done $0x0  }
0x1dc: {  	s4 =	sadd.s32 $0x1A00, s13;
	[sflag:s11] =	ssyncadd.s32 $0xFFFFE700  }
0x1dd: {  	[spmem:s2] =	stream.indirect.scatter.add.f32 [tilespmem:s28], [sflag:$0x7], $0x80, s4, s25, $0xb8;
	[tilespmem:$0x1FC00] =	vst v63  }
0x1de: {  	_ =	swait.ge [sflag:s23], $0x1900  }
0x1df: {  	[sflag:s23] =	ssyncset.done $0x0  }
0x1e0: {  	s8 =	sadd.s32 $0x480, s13;
	[sflag:s23] =	ssyncadd.s32 $0xFFFFE700  }
0x1e1: {  	[tilespmem:s28], [sflag:$0x5] =	stream.indirect.gather [hbm4b:s1+s25], $0x80, s8, s25, $0xb8;
	[tilespmem:$0x1FC00] =	vst v63  }
0x1e2: {  	_ =	swait.ge [sflag:s30], $0x1900  }
0x1e3: {  	[sflag:s30] =	ssyncset.done $0x0  }
0x1e4: {  	s9 =	sadd.s32 $0x1A80, s13;
	[sflag:s30] =	ssyncadd.s32 $0xFFFFE700  }
0x1e5: {  	[spmem:s2] =	stream.indirect.scatter.add.f32 [tilespmem:s26], [sflag:$0x7], $0x80, s9, s25, $0xb8;
	[tilespmem:$0x1FC00] =	vst v63  }
0x1e6: {  	_ =	swait.ge [sflag:s23], $0x1900  }
0x1e7: {  	[sflag:s23] =	ssyncset.done $0x0  }
0x1e8: {  	s14 =	sadd.s32 $0x500, s13;
	[sflag:s23] =	ssyncadd.s32 $0xFFFFE700  }
0x1e9: {  	[tilespmem:s26], [sflag:$0x1] =	stream.indirect.gather [hbm4b:s1+s25], $0x80, s14, s25, $0xb8;
	[tilespmem:$0x1FC00] =	vst v63  }
0x1ea: {  	_ =	swait.ge [sflag:s0], $0x1900  }
0x1eb: {  	[sflag:s0] =	ssyncset.done $0x0  }
0x1ec: {  	s16 =	sadd.s32 $0x1B00, s13;
	[sflag:s0] =	ssyncadd.s32 $0xFFFFE700  }
0x1ed: {  	[spmem:s2] =	stream.indirect.scatter.add.f32 [tilespmem:s29], [sflag:$0x7], $0x80, s16, s25, $0xb8;
	[tilespmem:$0x1FC00] =	vst v63  }
0x1ee: {  	_ =	swait.ge [sflag:s23], $0x1900  }
0x1ef: {  	[sflag:s23] =	ssyncset.done $0x0  }
0x1f0: {  	s17 =	sadd.s32 $0x580, s13;
	[sflag:s23] =	ssyncadd.s32 $0xFFFFE700  }
0x1f1: {  	[tilespmem:s29], [sflag:$0x2] =	stream.indirect.gather [hbm4b:s1+s25], $0x80, s17, s25, $0xb8;
	[tilespmem:$0x1FC00] =	vst v63  }
0x1f2: {  	_ =	swait.ge [sflag:s7], $0x1900  }
0x1f3: {  	[sflag:s7] =	ssyncset.done $0x0  }
0x1f4: {  	s18 =	sadd.s32 $0x1B80, s13;
	[sflag:s7] =	ssyncadd.s32 $0xFFFFE700  }
0x1f5: {  	[spmem:s2] =	stream.indirect.scatter.add.f32 [tilespmem:s31], [sflag:$0x7], $0x80, s18, s25, $0xb8;
	[tilespmem:$0x1FC00] =	vst v63  }
0x1f6: {  	_ =	swait.ge [sflag:s23], $0x1900  }
0x1f7: {  	[sflag:s23] =	ssyncset.done $0x0  }
0x1f8: {  	s19 =	sadd.s32 $0x600, s13;
	[sflag:s23] =	ssyncadd.s32 $0xFFFFE700  }
0x1f9: {  	[tilespmem:s31], [sflag:$0x3] =	stream.indirect.gather [hbm4b:s1+s25], $0x80, s19, s25, $0xb8;
	[tilespmem:$0x1FC00] =	vst v63  }
0x1fa: {  	_ =	swait.ge [sflag:s10], $0x1900  }
0x1fb: {  	[sflag:s10] =	ssyncset.done $0x0  }
0x1fc: {  	s20 =	sadd.s32 $0x1C00, s13;
	[sflag:s10] =	ssyncadd.s32 $0xFFFFE700  }
0x1fd: {  	[spmem:s2] =	stream.indirect.scatter.add.f32 [tilespmem:s24], [sflag:$0x7], $0x80, s20, s25, $0xb8;
	[tilespmem:$0x1FC00] =	vst v63  }
0x1fe: {  	_ =	swait.ge [sflag:s23], $0x1900  }
0x1ff: {  	[sflag:s23] =	ssyncset.done $0x0  }
0x200: {  	s21 =	sadd.s32 $0x680, s13;
	[sflag:s23] =	ssyncadd.s32 $0xFFFFE700  }
0x201: {  	[tilespmem:s24], [sflag:$0x4] =	stream.indirect.gather [hbm4b:s1+s25], $0x80, s21, s25, $0xb8;
	[tilespmem:$0x1FC00] =	vst v63  }
0x202: {  	_ =	swait.ge [sflag:s11], $0x1900  }
0x203: {  	[sflag:s11] =	ssyncset.done $0x0  }
0x204: {  	s22 =	sadd.s32 $0x1C80, s13;
	[sflag:s11] =	ssyncadd.s32 $0xFFFFE700  }
0x205: {  	[spmem:s2] =	stream.indirect.scatter.add.f32 [tilespmem:s28], [sflag:$0x7], $0x80, s22, s25, $0xb8;
	[tilespmem:$0x1FC00] =	vst v63  }
0x206: {  	_ =	swait.ge [sflag:s23], $0x1900  }
0x207: {  	[sflag:s23] =	ssyncset.done $0x0  }
0x208: {  	s4 =	sadd.s32 $0x700, s13;
	[sflag:s23] =	ssyncadd.s32 $0xFFFFE700  }
0x209: {  	[tilespmem:s28], [sflag:$0x5] =	stream.indirect.gather [hbm4b:s1+s25], $0x80, s4, s25, $0xb8;
	[tilespmem:$0x1FC00] =	vst v63  }
0x20a: {  	_ =	swait.ge [sflag:s30], $0x1900  }
0x20b: {  	[sflag:s30] =	ssyncset.done $0x0  }
0x20c: {  	s8 =	sadd.s32 $0x1D00, s13;
	[sflag:s30] =	ssyncadd.s32 $0xFFFFE700  }
0x20d: {  	[spmem:s2] =	stream.indirect.scatter.add.f32 [tilespmem:s26], [sflag:$0x7], $0x80, s8, s25, $0xb8;
	[tilespmem:$0x1FC00] =	vst v63  }
0x20e: {  	_ =	swait.ge [sflag:s23], $0x1900  }
0x20f: {  	[sflag:s23] =	ssyncset.done $0x0  }
0x210: {  	s9 =	sadd.s32 $0x780, s13;
	[sflag:s23] =	ssyncadd.s32 $0xFFFFE700  }
0x211: {  	[tilespmem:s26], [sflag:$0x1] =	stream.indirect.gather [hbm4b:s1+s25], $0x80, s9, s25, $0xb8;
	[tilespmem:$0x1FC00] =	vst v63  }
0x212: {  	_ =	swait.ge [sflag:s0], $0x1900  }
0x213: {  	[sflag:s0] =	ssyncset.done $0x0  }
0x214: {  	s14 =	sadd.s32 $0x1D80, s13;
	[sflag:s0] =	ssyncadd.s32 $0xFFFFE700  }
0x215: {  	[spmem:s2] =	stream.indirect.scatter.add.f32 [tilespmem:s29], [sflag:$0x7], $0x80, s14, s25, $0xb8;
	[tilespmem:$0x1FC00] =	vst v63  }
0x216: {  	_ =	swait.ge [sflag:s23], $0x1900  }
0x217: {  	[sflag:s23] =	ssyncset.done $0x0  }
0x218: {  	s14 =	sadd.s32 $0x800, s13;
	[sflag:s23] =	ssyncadd.s32 $0xFFFFE700  }
0x219: {  	[tilespmem:s29], [sflag:$0x2] =	stream.indirect.gather [hbm4b:s1+s25], $0x80, s14, s25, $0xb8;
	[tilespmem:$0x1FC00] =	vst v63  }
0x21a: {  	_ =	swait.ge [sflag:s7], $0x1900  }
0x21b: {  	[sflag:s7] =	ssyncset.done $0x0  }
0x21c: {  	s16 =	sadd.s32 $0x1E00, s13;
	[sflag:s7] =	ssyncadd.s32 $0xFFFFE700  }
0x21d: {  	[spmem:s2] =	stream.indirect.scatter.add.f32 [tilespmem:s31], [sflag:$0x7], $0x80, s16, s25, $0xb8;
	[tilespmem:$0x1FC00] =	vst v63  }
0x21e: {  	_ =	swait.ge [sflag:s23], $0x1900  }
0x21f: {  	[sflag:s23] =	ssyncset.done $0x0  }
0x220: {  	s4 =	sadd.s32 $0x880, s13;
	[sflag:s23] =	ssyncadd.s32 $0xFFFFE700  }
0x221: {  	[tilespmem:s31], [sflag:$0x3] =	stream.indirect.gather [hbm4b:s1+s25], $0x80, s4, s25, $0xb8;
	[tilespmem:$0x1FC00] =	vst v63  }
0x222: {  	_ =	swait.ge [sflag:s10], $0x1900  }
0x223: {  	[sflag:s10] =	ssyncset.done $0x0  }
0x224: {  	s17 =	sadd.s32 $0x1E80, s13;
	[sflag:s10] =	ssyncadd.s32 $0xFFFFE700  }
0x225: {  	[spmem:s2] =	stream.indirect.scatter.add.f32 [tilespmem:s24], [sflag:$0x7], $0x80, s17, s25, $0xb8;
	[tilespmem:$0x1FC00] =	vst v63  }
0x226: {  	_ =	swait.ge [sflag:s23], $0x1900  }
0x227: {  	[sflag:s23] =	ssyncset.done $0x0  }
0x228: {  	s9 =	sadd.s32 $0x900, s13;
	[sflag:s23] =	ssyncadd.s32 $0xFFFFE700  }
0x229: {  	[tilespmem:s24], [sflag:$0x4] =	stream.indirect.gather [hbm4b:s1+s25], $0x80, s9, s25, $0xb8;
	[tilespmem:$0x1FC00] =	vst v63  }
0x22a: {  	_ =	swait.ge [sflag:s11], $0x1900  }
0x22b: {  	[sflag:s11] =	ssyncset.done $0x0  }
0x22c: {  	s18 =	sadd.s32 $0x1F00, s13;
	[sflag:s11] =	ssyncadd.s32 $0xFFFFE700  }
0x22d: {  	[spmem:s2] =	stream.indirect.scatter.add.f32 [tilespmem:s28], [sflag:$0x7], $0x80, s18, s25, $0xb8;
	[tilespmem:$0x1FC00] =	vst v63  }
0x22e: {  	_ =	swait.ge [sflag:s23], $0x1900  }
0x22f: {  	[sflag:s23] =	ssyncset.done $0x0  }
0x230: {  	s19 =	sadd.s32 $0x980, s13;
	[sflag:s23] =	ssyncadd.s32 $0xFFFFE700  }
0x231: {  	[tilespmem:s28], [sflag:$0x5] =	stream.indirect.gather [hbm4b:s1+s25], $0x80, s19, s25, $0xb8;
	[tilespmem:$0x1FC00] =	vst v63  }
0x232: {  	_ =	swait.ge [sflag:s30], $0x1900  }
0x233: {  	[sflag:s30] =	ssyncset.done $0x0  }
0x234: {  	s20 =	sadd.s32 $0x1F80, s13;
	[sflag:s30] =	ssyncadd.s32 $0xFFFFE700  }
0x235: {  	[spmem:s2] =	stream.indirect.scatter.add.f32 [tilespmem:s26], [sflag:$0x7], $0x80, s20, s25, $0xb8;
	[tilespmem:$0x1FC00] =	vst v63  }
0x236: {  	_ =	swait.ge [sflag:s23], $0x1900  }
0x237: {  	[sflag:s23] =	ssyncset.done $0x0  }
0x238: {  	s3 =	simm.s32 @p5 $0x2;
	[sflag:s23] =	ssyncadd.s32 $0xFFFFE700  }
0x239: {  	_ =	swait.ge @p5 [sflag:s3], $0x1900  }
0x23a: {  	s13 =	sadd.s32 @p5 $0x1800, s14;
	s16 =	simm.s32 @p5 $0x7;
	[sflag:s3] =	ssyncset.done @p5 $0x0  }
0x23b: {  	s17 =	simm.s32 @p5 $0x4C00;
	[sflag:s3] =	ssyncadd.s32 @p5 $0xFFFFE700;
	s3 =	simm.s32 @p5 $0x32  }
0x23c: {  	[spmem:s2] =	stream.indirect.scatter.add.f32 @p5 [tilespmem:s17], [sflag:$0x7], $0x80, s13, s3, $0xb8;
	[tilespmem:$0x1FC00] =	vst v63  }
0x23d: {  	_ =	swait.ge @p5 [sflag:s16], $0x1900  }
0x23e: {  	[sflag:s16] =	ssyncset.done @p5 $0x0  }
0x23f: {  	s13 =	simm.s32 @!p5 $0x6;
	[sflag:s16] =	ssyncadd.s32 @p5 $0xFFFFE700  }
0x240: {  	_ =	swait.ge @!p5 [sflag:s13], $0xA00  }
0x241: {  	[sflag:s13] =	ssyncset.done @!p5 $0x0  }
0x242: {  	[sflag:s13] =	ssyncadd.s32 @!p5 $0xFFFFF600  }
0x243: {  	s15 =	smul.u32 @!p5 $0x3000, s15;
	_ =	swait.ge @!p5 [sflag:s13], $0xA00  }
0x244: {  	s18 =	simm.s32 @!p5 $0x2;
	s17 =	simm.s32 @!p5 $0x32;
	[sflag:s13] =	ssyncset.done @!p5 $0x0  }
0x245: {  	[sflag:s13] =	ssyncadd.s32 @!p5 $0xFFFFF600;
	s13 =	sshrl.u32 @!p5 s15, $0x2;
	s15 =	simm.s32 @!p5 $0x3000  }
0x246: {  	[tilespmem:s15], [sflag:$0x1] =	stream.indirect.gather @!p5 [hbm4b:s1+s17], $0x80, s13, s17, $0xb8;
	[tilespmem:$0x1FC00] =	vst v63  }
0x247: {  	_ =	swait.ge @!p5 [sflag:s18], $0x1900  }
0x248: {  	s14 =	sadd.s32 @!p5 $0x1800, s14;
	[sflag:s18] =	ssyncset.done @!p5 $0x0  }
0x249: {  	s15 =	simm.s32 @!p5 $0x4C00;
	[sflag:s18] =	ssyncadd.s32 @!p5 $0xFFFFE700;
	s18 =	simm.s32 @!p5 $0x7  }
0x24a: {  	[spmem:s2] =	stream.indirect.scatter.add.f32 @!p5 [tilespmem:s15], [sflag:$0x7], $0x80, s14, s17, $0xb8;
	[tilespmem:$0x1FC00] =	vst v63  }
0x24b: {  	_ =	swait.ge @!p5 [sflag:s18], $0x1900  }
0x24c: {  	[sflag:s18] =	ssyncset.done @!p5 $0x0  }
0x24d: {  	s14 =	sor.u32 @!p5 $0x80, s13;
	[sflag:s18] =	ssyncadd.s32 @!p5 $0xFFFFE700  }
0x24e: {  	[tilespmem:s15], [sflag:$0x2] =	stream.indirect.gather @!p5 [hbm4b:s1+s17], $0x80, s14, s17, $0xb8;
	[tilespmem:$0x1FC00] =	vst v63  }
0x24f: {  	_ =	swait.ge [sflag:s7], $0x1900  }
0x250: {  	[sflag:s7] =	ssyncset.done $0x0  }
0x251: {  	s4 =	sadd.s32 $0x1800, s4;
	[sflag:s7] =	ssyncadd.s32 $0xFFFFE700  }
0x252: {  	[spmem:s2] =	stream.indirect.scatter.add.f32 [tilespmem:s31], [sflag:$0x7], $0x80, s4, s25, $0xb8;
	[tilespmem:$0x1FC00] =	vst v63  }
0x253: {  	_ =	swait.ge [sflag:s23], $0x1900  }
0x254: {  	[sflag:s23] =	ssyncset.done $0x0  }
0x255: {  	s4 =	simm.s32 @p5 $0x4;
	[sflag:s23] =	ssyncadd.s32 $0xFFFFE700  }
0x256: {  	_ =	swait.ge @p5 [sflag:s4], $0x1900  }
0x257: {  	[sflag:s4] =	ssyncset.done @p5 $0x0  }
0x258: {  	s14 =	sadd.s32 @p5 $0x1800, s9;
	[sflag:s4] =	ssyncadd.s32 @p5 $0xFFFFE700;
	s4 =	simm.s32 @p5 $0x8400  }
0x259: {  	[spmem:s2] =	stream.indirect.scatter.add.f32 @p5 [tilespmem:s4], [sflag:$0x7], $0x80, s14, s3, $0xb8;
	[tilespmem:$0x1FC00] =	vst v63  }
0x25a: {  	_ =	swait.ge @p5 [sflag:s16], $0x1900  }
0x25b: {  	[sflag:s16] =	ssyncset.done @p5 $0x0  }
0x25c: {  	s3 =	sor.u32 @!p5 $0x100, s13;
	s4 =	simm.s32 @!p5 $0x6800;
	[sflag:s16] =	ssyncadd.s32 @p5 $0xFFFFE700  }
0x25d: {  	[tilespmem:s4], [sflag:$0x3] =	stream.indirect.gather @!p5 [hbm4b:s1+s17], $0x80, s3, s17, $0xb8;
	[tilespmem:$0x1FC00] =	vst v63  }
0x25e: {  	s3 =	simm.s32 @!p5 $0x4  }
0x25f: {  	_ =	swait.ge @!p5 [sflag:s3], $0x1900  }
0x260: {  	[sflag:s3] =	ssyncset.done @!p5 $0x0  }
0x261: {  	s4 =	sadd.s32 @!p5 $0x1800, s9;
	[sflag:s3] =	ssyncadd.s32 @!p5 $0xFFFFE700;
	s3 =	simm.s32 @!p5 $0x8400  }
0x262: {  	[spmem:s2] =	stream.indirect.scatter.add.f32 @!p5 [tilespmem:s3], [sflag:$0x7], $0x80, s4, s17, $0xb8;
	[tilespmem:$0x1FC00] =	vst v63  }
0x263: {  	_ =	swait.ge @!p5 [sflag:s18], $0x1900  }
0x264: {  	[sflag:s18] =	ssyncset.done @!p5 $0x0  }
0x265: {  	s4 =	sor.u32 @!p5 $0x180, s13;
	[sflag:s18] =	ssyncadd.s32 @!p5 $0xFFFFE700  }
0x266: {  	[tilespmem:s3], [sflag:$0x4] =	stream.indirect.gather @!p5 [hbm4b:s1+s17], $0x80, s4, s17, $0xb8;
	[tilespmem:$0x1FC00] =	vst v63  }
0x267: {  	_ =	swait.ge [sflag:s11], $0x1900  }
0x268: {  	[sflag:s11] =	ssyncset.done $0x0  }
0x269: {  	s21 =	sadd.s32 $0x1800, s19;
	[sflag:s11] =	ssyncadd.s32 $0xFFFFE700  }
0x26a: {  	[spmem:s2] =	stream.indirect.scatter.add.f32 [tilespmem:s28], [sflag:$0x7], $0x80, s21, s25, $0xb8;
	[tilespmem:$0x1FC00] =	vst v63  }
0x26b: {  	_ =	swait.ge [sflag:s23], $0x1900  }
0x26c: {  	[sflag:s23] =	ssyncset.done $0x0  }
0x26d: {  	[sflag:s23] =	ssyncadd.s32 $0xFFFFE700  }
0x26e: {  	s9 =	stileid.u32;
	[bflag:$0x0] =	sbarrier.arrive $0xFFFF  }
0x26f: {  	s3 =	sshll.u32 @!p0 s9, $0x6;
	s4 =	rddreg [dreg:$0x5]  }
0x270: {  	s3 =	sor.u32 @!p0 $0x1C07, s3;
	s8 =	rddreg [dreg:$0xb];
	s4 =	sshrl.u32 @!p0 s4, $0x3  }
0x271: {  	[hbm:s8], [sflag:s3] =	dma.local @!p0 [spmem:s4], $0x2800  }
0x272: {  	s3 =	simm.s32 @!p0 $0x7  }
0x273: {  	_ =	swait.ge @!p0 [sflag:s3], $0x2800  }
0x274: {  	s4 =	sshll.u32 @p4 s9, $0x6;
	[sflag:s3] =	ssyncset.done @!p0 $0x0  }
0x275: {  	[sflag:s3] =	ssyncadd.s32 @!p0 $0xFFFFD800;
	s3 =	sor.u32 @p4 $0x1C07, s4;
	s4 =	rddreg [dreg:$0x6]  }
0x276: {  	s9 =	rddreg [dreg:$0xc];
	s4 =	sshrl.u32 @p4 s4, $0x3  }
0x277: {  	[hbm:s9], [sflag:s3] =	dma.local @p4 [spmem:s4], $0x1900  }
0x278: {  	s3 =	simm.s32 @p4 $0x7  }
0x279: {  	_ =	swait.ge @p4 [sflag:s3], $0x1900  }
0x27a: {  	s12 =	sadd.s32 $0x1, s12;
	s22 =	rddreg [dreg:$0xd]  }
0x27b: {  	p5 =	sne.s32 s12, s22  }
.Ltmp1:
0x27c: {  	_ = 	snop;
	(pc) =	sbr.rel @p5 .LBB2_1-.Ltmp1, $3  }
0x27d: {  	_ =	sdelay $0x1  }
0x27e: {  	[sflag:s3] =	ssyncset.done @p4 $0x0  }
0x27f: {  	s8 =	stileid.u32;
	[sflag:s3] =	ssyncadd.s32 @p4 $0xFFFFE700  }
0x280: {  	_ =	sfence.sel $0x180000  }
0x281: {  	[bflag:$0x0] =	sbarrier.arrive $0xFFFF  }
0x282: {  	_ =	strace $0x9000004A  }
0x283: {  	[bflag:$0x2] =	sbarrier.arrive $0xFFFF  }
0x284: {  	p0 =	sne.s32 s8, $0x0;
	s0 =	rddreg [dreg:$0x3]  }
0x285: {  	s0 =	sadd.s32 @!p0 $0x100000, s0  }
0x286: {  	[sflag:s0] =	ssyncadd.tile.s32 @!p0 $0x1;
	_ =	shalt  }
.Lfunc_end2:
_tile_overlayer_lowered:
.L_overlay_start_2:
0x287: {  	(tag) =	ssettag $0x2  }
0x288: {  	s0 =	rddreg [dreg:$0x0];
	s2 =	stileid.u32  }
0x289: {  	s1 =	rddreg [dreg:$0x1];
	p0 =	sne.s32 s2, $0x0  }
0x28a: {  	s3 =	rddreg [dreg:$0x2];
	[bflag:$0x3] =	sbarrier.arrive $0xFFFF;
	s2 =	simm.s32 @!p0 $0x1C07  }
0x28b: {  	[timem:s3], [sflag:s2] =	dma.local @!p0 [hbm:s0], s1  }
0x28c: {  	s0 =	simm.s32 @!p0 $0x7  }
0x28d: {  	_ =	swait.ge @!p0 [sflag:s0], s1  }
0x28e: {  	s1 =	ssub.s32 @!p0 $0x0, s1;
	[sflag:s0] =	ssyncset.done @!p0 $0x0  }
0x28f: {  	[sflag:s0] =	ssyncadd.s32 @!p0 s1  }
0x290: {  	[bflag:$0x3] =	sbarrier.arrive $0xFFFF  }
0x291: {  	_ =	shalt  }

</sc_bundles>
